<compile_context>
chip_gen: v7x
topology: tpu7x:2x2x1
jax: 0.10.2.dev20260603
libtpu: 0.0.44.dev20260713+nightly
codegen_flags: <defaults>
</compile_context>

<pallas_src>
import jax
import jax.numpy as jnp
from jax import lax
from jax.experimental import pallas as pl
from jax.experimental.pallas import tpu as pltpu
from jax.experimental.pallas import tpu_sc as plsc

_B, _H, _W, _C = 4, 192, 192, 96
_UP = 2
_OUT_H, _OUT_W = _H * _UP, _W * _UP
_FLAT_OUT = _OUT_H * _OUT_W * _C
_N_IN = _H * _W * _C

_NC, _NS = 2, 16
_NSEG = 12
_SEG = _FLAT_OUT // _NSEG
_DUMP = 2048
_ROUNDS = (_B // _NC) * _NSEG

_NBUF = 3
_CHUNK = 4096
_TILE_ELEMS = _N_IN // _NS
_NSTEP = _TILE_ELEMS // _CHUNK

_LIST = 11264
_FLUSH_THRESH = _LIST - _CHUNK

_SLICE = _SEG // _NS
_NZFULL = _SLICE // _LIST
_ZREM = _SLICE % _LIST

_UNROLL = 8


_PIECES = tuple(
    [(z * _LIST, _LIST) for z in range(_NZFULL)]
    + ([(_NZFULL * _LIST, _ZREM)] if _ZREM else [])
)


def _unpool_body(upd_hbm, mask_hbm, out_hbm,
                 idx_bufs, upd_bufs, lidx_v, lval_v, seg_sh,
                 sems, sem_z, sems_o):
    c = lax.axis_index("c")
    s = lax.axis_index("s")
    zeros16 = jnp.zeros((16,), jnp.float32)
    ones16 = jnp.ones((16,), jnp.int32)
    iota16 = lax.iota(jnp.int32, 16)

    def _linit(i, carry):
        lidx_v[pl.ds(i * 16, 16)] = _SEG + ((i * 16) & (_DUMP - 1)) + iota16
        lval_v[pl.ds(i * 16, 16)] = zeros16
        return carry

    lax.fori_loop(0, _LIST // 16, _linit, 0)

    def _zsrc(ln):
        return lval_v if ln == _LIST else lval_v.at[pl.ds(0, ln)]

    def _zero_slice(r):
        base = s * _SLICE
        for z, (off, ln) in enumerate(_PIECES):
            @pl.when(r > 0)
            def _():
                pltpu.make_async_copy(
                    seg_sh.at[pl.ds(base + off, ln)],
                    out_hbm.at[pl.ds(off, ln)], sems_o[z]).wait()
            pltpu.async_copy(_zsrc(ln), seg_sh.at[pl.ds(base + off, ln)],
                             sem_z)
        for off, ln in _PIECES:
            pltpu.make_async_copy(_zsrc(ln),
                                  seg_sh.at[pl.ds(base + off, ln)],
                                  sem_z).wait()

    def _flush():
        pltpu.sync_copy(lval_v, seg_sh.at[lidx_v], add=True)

        def _reset(i, carry):
            lval_v[pl.ds(i * 16, 16)] = zeros16
            return carry

        lax.fori_loop(0, _LIST // 16, _reset, 0)

    def _scan_chunk(idx_v, upd_v, cnt_v, seg_base):
        def _scan(g, cv):
            o0 = g * (16 * _UNROLL)
            locs, uvs, ms, incls, pcs = [], [], [], [], []
            for j in range(_UNROLL):
                o = o0 + j * 16
                iv = idx_v[pl.ds(o, 16)]
                local = iv - seg_base
                m = plsc.bitcast(local, jnp.uint32) < jnp.uint32(_SEG)
                locs.append(local)
                uvs.append(upd_v[pl.ds(o, 16)])
                ms.append(m)
                incls.append(plsc.cumsum(ones16, mask=m))
                pcs.append(plsc.all_reduce_population_count(m))
            cursors = [cv]
            for j in range(_UNROLL):
                cursors.append(cursors[j] + pcs[j])
            for j in range(_UNROLL):
                pos = (cursors[j] + incls[j]) - ones16
                plsc.store_scatter(lidx_v, [pos], locs[j], mask=ms[j])
                plsc.store_scatter(lval_v, [pos], uvs[j], mask=ms[j])
            return cursors[_UNROLL]

        return lax.fori_loop(0, _CHUNK // (16 * _UNROLL), _scan, cnt_v)

    def _maybe_flush(cnt_v):
        cnt_s = cnt_v[0]

        def _with_flush():
            _flush()
            return jnp.zeros((16,), jnp.int32)

        return lax.cond(cnt_s > _FLUSH_THRESH, _with_flush, lambda: cnt_v)

    def _start(ebase0, w, b):
        eb = ebase0 + w * _CHUNK
        pltpu.async_copy(mask_hbm.at[pl.ds(eb, _CHUNK)], idx_bufs[b], sems[b])
        pltpu.async_copy(upd_hbm.at[pl.ds(eb, _CHUNK)], upd_bufs[b], sems[b])

    def _wait(b):
        pltpu.make_async_copy(mask_hbm.at[pl.ds(0, _CHUNK)], idx_bufs[b],
                              sems[b]).wait()
        pltpu.make_async_copy(upd_hbm.at[pl.ds(0, _CHUNK)], upd_bufs[b],
                              sems[b]).wait()

    def _round(r, carry):
        b = 2 * c + r // _NSEG
        sg = r % _NSEG
        seg_base = sg * _SEG
        ebase0 = b * _N_IN + s * _TILE_ELEMS
        b_next = 2 * c + ((r + 1) % _ROUNDS) // _NSEG
        ebase_next = b_next * _N_IN + s * _TILE_ELEMS

        _zero_slice(r)
        plsc.subcore_barrier()

        def _trip(t, cnt_v):
            w0 = t * _NBUF
            for bb in range(_NBUF):
                w = w0 + bb
                _wait(bb)
                bb2 = (bb + 2) % _NBUF

                @pl.when(w + 2 < _NSTEP)
                def _():
                    _start(ebase0, w + 2, bb2)

                @pl.when(w + 2 >= _NSTEP)
                def _():
                    _start(ebase_next, (w + 2) - _NSTEP, bb2)

                cnt_v = _scan_chunk(idx_bufs[bb], upd_bufs[bb], cnt_v,
                                    seg_base)
                cnt_v = _maybe_flush(cnt_v)
            return cnt_v

        lax.fori_loop(0, _NSTEP // _NBUF, _trip, jnp.zeros((16,), jnp.int32))
        _flush()
        plsc.subcore_barrier()

        out_base = b * _FLAT_OUT + seg_base + s * _SLICE
        for z, (off, ln) in enumerate(_PIECES):
            pltpu.async_copy(
                seg_sh.at[pl.ds(s * _SLICE + off, ln)],
                out_hbm.at[pl.ds(out_base + off, ln)], sems_o[z])
        return carry

    ebase_r0 = (2 * c) * _N_IN + s * _TILE_ELEMS
    _start(ebase_r0, 0, 0)
    _start(ebase_r0, 1, 1)
    lax.fori_loop(0, _ROUNDS, _round, 0)
    _wait(0)
    _wait(1)
    for z, (off, ln) in enumerate(_PIECES):
        pltpu.make_async_copy(
            seg_sh.at[pl.ds(s * _SLICE + off, ln)],
            out_hbm.at[pl.ds(off, ln)], sems_o[z]).wait()


def _body_wrapper(upd_hbm, mask_hbm, out_hbm,
                  i0, i1, i2, u0, u1, u2, lidx_v, lval_v, seg_sh,
                  s0, s1, s2, sem_z, *sems_o):
    _unpool_body(upd_hbm, mask_hbm, out_hbm,
                 [i0, i1, i2], [u0, u1, u2], lidx_v, lval_v, seg_sh,
                 [s0, s1, s2], sem_z, list(sems_o))


_unpool_sc = pl.kernel(
    _body_wrapper,
    out_type=jax.ShapeDtypeStruct((_B * _FLAT_OUT,), jnp.float32),
    mesh=plsc.VectorSubcoreMesh(core_axis_name="c", subcore_axis_name="s"),
    compiler_params=pltpu.CompilerParams(needs_layout_passes=False),
    scratch_types=[
        pltpu.VMEM((_CHUNK,), jnp.int32),
        pltpu.VMEM((_CHUNK,), jnp.int32),
        pltpu.VMEM((_CHUNK,), jnp.int32),
        pltpu.VMEM((_CHUNK,), jnp.float32),
        pltpu.VMEM((_CHUNK,), jnp.float32),
        pltpu.VMEM((_CHUNK,), jnp.float32),
        pltpu.VMEM((_LIST,), jnp.int32),
        pltpu.VMEM((_LIST,), jnp.float32),
        pltpu.VMEM_SHARED((_SEG + _DUMP,), jnp.float32),
        pltpu.SemaphoreType.DMA,
        pltpu.SemaphoreType.DMA,
        pltpu.SemaphoreType.DMA,
        pltpu.SemaphoreType.DMA,
    ] + [pltpu.SemaphoreType.DMA] * len(_PIECES),
)


@jax.jit
def kernel(updates, mask):
    upd1 = updates.reshape(_B * _N_IN)
    mask1 = mask.reshape(_B * _N_IN)
    flat = _unpool_sc(upd1, mask1)
    return flat.reshape(_B, _OUT_H, _OUT_W, _C)

# --- scband reference (transcript-rebuilt; emitter-appended) ---
"""Pipeline reference for scband-max-unpooling2-d-25065429139638 (READ-ONLY COPY).

The authoritative reference and input builder live on the scoring server;
editing this copy changes nothing except your own understanding.
"""

import jax, jax.numpy as jnp
import numpy as np

B, H, W, C = 4, 192, 192, 96
UP = 2
OUT_H, OUT_W = H * UP, W * UP
FLAT_OUT = OUT_H * OUT_W * C


def setup_inputs(seed: int = 0) -> dict:
    key = jax.random.key(seed)
    k1, k2 = jax.random.split(key)
    updates = jax.random.normal(k1, (B, H, W, C), dtype=jnp.float32)
    mask = jax.random.randint(k2, (B, H, W, C), 0, FLAT_OUT, dtype=jnp.int32)
    return {"updates": updates, "mask": mask}


def reference(updates, mask):
    # Faithful port of MaxUnpooling2D / unpool using tf.scatter_nd semantics
    # (duplicate indices accumulate, hence .at[...].add).
    b, h, w, c = updates.shape
    out_h, out_w = h * UP, w * UP
    flat_out = out_h * out_w * c
    flat_input_size = b * h * w * c
    pool_flat = jnp.reshape(updates, (flat_input_size,))
    # batch index per element, matching b = ones_like(ind) * batch_range
    batch_idx = jnp.repeat(jnp.arange(b, dtype=mask.dtype), h * w * c)
    ind_flat = jnp.reshape(mask, (flat_input_size,))
    ret = jnp.zeros((b, flat_out), dtype=updates.dtype).at[batch_idx, ind_flat].add(pool_flat)
    ret = jnp.reshape(ret, (b, out_h, out_w, c))
    return ret

if __name__ == "__main__":
    import jax
    _d = setup_inputs()
    print(jax.jit(kernel)(*tuple(_d.values())))

</pallas_src>

<mosaic_0001>
#map = affine_map<(d0, d1) -> (0)>
module attributes {stable_mosaic.version = 14 : i64} {
  func.func @_body_wrapper(%arg0: i32, %arg1: i32, %arg2: memref<14155776xf32, #tpu.memory_space<hbm>>, %arg3: memref<14155776xi32, #tpu.memory_space<hbm>>, %arg4: memref<56623104xf32, #tpu.memory_space<hbm>>, %arg5: memref<4096xi32, #tpu.memory_space<vmem>>, %arg6: memref<4096xi32, #tpu.memory_space<vmem>>, %arg7: memref<4096xi32, #tpu.memory_space<vmem>>, %arg8: memref<4096xf32, #tpu.memory_space<vmem>>, %arg9: memref<4096xf32, #tpu.memory_space<vmem>>, %arg10: memref<4096xf32, #tpu.memory_space<vmem>>, %arg11: memref<11264xi32, #tpu.memory_space<vmem>>, %arg12: memref<11264xf32, #tpu.memory_space<vmem>>, %arg13: memref<1181696xf32, #tpu.memory_space<vmem_shared>>, %arg14: memref<!tpu.dma_semaphore, #tpu.memory_space<semaphore_mem>>, %arg15: memref<!tpu.dma_semaphore, #tpu.memory_space<semaphore_mem>>, %arg16: memref<!tpu.dma_semaphore, #tpu.memory_space<semaphore_mem>>, %arg17: memref<!tpu.dma_semaphore, #tpu.memory_space<semaphore_mem>>, %arg18: memref<!tpu.dma_semaphore, #tpu.memory_space<semaphore_mem>>, %arg19: memref<!tpu.dma_semaphore, #tpu.memory_space<semaphore_mem>>, %arg20: memref<!tpu.dma_semaphore, #tpu.memory_space<semaphore_mem>>, %arg21: memref<!tpu.dma_semaphore, #tpu.memory_space<semaphore_mem>>, %arg22: memref<!tpu.dma_semaphore, #tpu.memory_space<semaphore_mem>>, %arg23: memref<!tpu.dma_semaphore, #tpu.memory_space<semaphore_mem>>, %arg24: memref<!tpu.dma_semaphore, #tpu.memory_space<semaphore_mem>>) attributes {dimension_semantics = [#tpu.dimension_semantics<core_parallel>, #tpu.dimension_semantics<subcore_parallel>], iteration_bounds = array<i64: 2, 16>, scalar_prefetch = 0 : i64, scratch_operands = 20 : i64, tpu.core_type = #tpu.core_type<sc_vector_subcore>, window_params = [{transform_indices = #map}, {transform_indices = #map}, {transform_indices = #map}]} {
    %broadcast_in_dim3A = arith.constant 0.000000e+00 : f32
    %broadcast_in_dim3A_0 = vector.broadcast %broadcast_in_dim3A : f32 to vector<16xf32>
    %broadcast_in_dim3A_1 = arith.constant 1 : i32
    %broadcast_in_dim3A_2 = vector.broadcast %broadcast_in_dim3A_1 : i32 to vector<16xi32>
    %iota3A = tpu.iota {dimensions = array<i32: 0>} : vector<16xi32>
    %scan3A = arith.constant 0 : i32
    %scan3A_3 = arith.constant 0 : i32
    %scan3A_4 = arith.constant 704 : i32
    %scan3A_5 = arith.addi %scan3A_3, %scan3A_4 : i32
    %scan3A_6 = arith.constant 1 : i32
    scf.for %scan3A_94 = %scan3A_3 to %scan3A_5 step %scan3A_6  : i32 {
      %mul3A_95 = arith.constant 16 : i32
      %mul3A_96 = arith.muli %scan3A_94, %mul3A_95 : i32
      %and3A = arith.constant 2047 : i32
      %and3A_97 = arith.andi %mul3A_96, %and3A : i32
      %add3A_98 = arith.constant 1179648 : i32
      %add3A_99 = arith.addi %add3A_98, %and3A_97 : i32
      %add3A_100 = vector.broadcast %add3A_99 : i32 to vector<16xi32>
      %add3A_101 = arith.addi %add3A_100, %iota3A : vector<16xi32>
      %mul3A_102 = arith.constant 16 : i32
      %mul3A_103 = arith.muli %scan3A_94, %mul3A_102 : i32
      %swap3A = arith.index_cast %mul3A_103 : i32 to index
      %swap3A_104 = tpu.vector_load %arg11[%swap3A] {strides = array<i32>} : memref<11264xi32, #tpu.memory_space<vmem>>, vector<16xi32>,
      tpu.vector_store %arg11[%swap3A], %add3A_101 {strides = array<i32>} : memref<11264xi32, #tpu.memory_space<vmem>>, vector<16xi32>,
      %mul3A_105 = arith.constant 16 : i32
      %mul3A_106 = arith.muli %scan3A_94, %mul3A_105 : i32
      %swap3A_107 = arith.index_cast %mul3A_106 : i32 to index
      %swap3A_108 = tpu.vector_load %arg12[%swap3A_107] {strides = array<i32>} : memref<11264xf32, #tpu.memory_space<vmem>>, vector<16xf32>,
      tpu.vector_store %arg12[%swap3A_107], %broadcast_in_dim3A_0 {strides = array<i32>} : memref<11264xf32, #tpu.memory_space<vmem>>, vector<16xf32>,
    }
    %scan3A_7 = arith.constant 704 : i32
    %mul3A = arith.constant 2 : i32
    %mul3A_8 = arith.muli %mul3A, %arg0 : i32
    %mul3A_9 = arith.constant 3538944 : i32
    %mul3A_10 = arith.muli %mul3A_8, %mul3A_9 : i32
    %mul3A_11 = arith.constant 221184 : i32
    %mul3A_12 = arith.muli %arg1, %mul3A_11 : i32
    %add3A = arith.addi %mul3A_10, %mul3A_12 : i32
    %add3A_13 = arith.constant 0 : i32
    %add3A_14 = arith.addi %add3A, %add3A_13 : i32
    %dma_start3A = tpu.memref_slice %arg3[%add3A_14] : memref<14155776xi32, #tpu.memory_space<hbm>> -> memref<4096xi32, #tpu.memory_space<hbm>>
    %dma_start3A_15 = tpu.memref_slice %arg3[%add3A_14] : memref<14155776xi32, #tpu.memory_space<hbm>> -> memref<4096xi32, #tpu.memory_space<hbm>>
    tpu.enqueue_dma source(%dma_start3A_15 : memref<4096xi32, #tpu.memory_space<hbm>>) target(%arg5 : memref<4096xi32, #tpu.memory_space<vmem>>) target_semaphore(%arg14 : memref<!tpu.dma_semaphore, #tpu.memory_space<semaphore_mem>>)
    %dma_start3A_16 = tpu.memref_slice %arg2[%add3A_14] : memref<14155776xf32, #tpu.memory_space<hbm>> -> memref<4096xf32, #tpu.memory_space<hbm>>
    %dma_start3A_17 = tpu.memref_slice %arg2[%add3A_14] : memref<14155776xf32, #tpu.memory_space<hbm>> -> memref<4096xf32, #tpu.memory_space<hbm>>
    tpu.enqueue_dma source(%dma_start3A_17 : memref<4096xf32, #tpu.memory_space<hbm>>) target(%arg8 : memref<4096xf32, #tpu.memory_space<vmem>>) target_semaphore(%arg14 : memref<!tpu.dma_semaphore, #tpu.memory_space<semaphore_mem>>)
    %add3A_18 = arith.constant 4096 : i32
    %add3A_19 = arith.addi %add3A, %add3A_18 : i32
    %dma_start3A_20 = tpu.memref_slice %arg3[%add3A_19] : memref<14155776xi32, #tpu.memory_space<hbm>> -> memref<4096xi32, #tpu.memory_space<hbm>>
    %dma_start3A_21 = tpu.memref_slice %arg3[%add3A_19] : memref<14155776xi32, #tpu.memory_space<hbm>> -> memref<4096xi32, #tpu.memory_space<hbm>>
    tpu.enqueue_dma source(%dma_start3A_21 : memref<4096xi32, #tpu.memory_space<hbm>>) target(%arg6 : memref<4096xi32, #tpu.memory_space<vmem>>) target_semaphore(%arg15 : memref<!tpu.dma_semaphore, #tpu.memory_space<semaphore_mem>>)
    %dma_start3A_22 = tpu.memref_slice %arg2[%add3A_19] : memref<14155776xf32, #tpu.memory_space<hbm>> -> memref<4096xf32, #tpu.memory_space<hbm>>
    %dma_start3A_23 = tpu.memref_slice %arg2[%add3A_19] : memref<14155776xf32, #tpu.memory_space<hbm>> -> memref<4096xf32, #tpu.memory_space<hbm>>
    tpu.enqueue_dma source(%dma_start3A_23 : memref<4096xf32, #tpu.memory_space<hbm>>) target(%arg9 : memref<4096xf32, #tpu.memory_space<vmem>>) target_semaphore(%arg15 : memref<!tpu.dma_semaphore, #tpu.memory_space<semaphore_mem>>)
    %scan3A_24 = arith.constant 0 : i32
    %scan3A_25 = arith.constant 0 : i32
    %scan3A_26 = arith.constant 24 : i32
    %scan3A_27 = arith.addi %scan3A_25, %scan3A_26 : i32
    %scan3A_28 = arith.constant 1 : i32
    scf.for %scan3A_94 = %scan3A_25 to %scan3A_27 step %scan3A_28  : i32 {
      %mul3A_95 = arith.constant 2 : i32
      %mul3A_96 = arith.muli %mul3A_95, %arg0 : i32
      %jit3A = arith.constant 12 : i32
      %div3A = arith.divsi %scan3A_94, %jit3A : i32
      %sign3A = arith.constant 0 : i32
      %sign3A_97 = arith.cmpi sgt, %scan3A_94, %sign3A : i32
      %sign3A_98 = arith.extui %sign3A_97 : i1 to i32
      %sign3A_99 = arith.constant 0 : i32
      %sign3A_100 = arith.cmpi slt, %scan3A_94, %sign3A_99 : i32
      %sign3A_101 = arith.extui %sign3A_100 : i1 to i32
      %sign3A_102 = arith.subi %sign3A_98, %sign3A_101 : i32
      %sign3A_103 = arith.constant 0 : i32
      %sign3A_104 = arith.cmpi sgt, %jit3A, %sign3A_103 : i32
      %sign3A_105 = arith.extui %sign3A_104 : i1 to i32
      %sign3A_106 = arith.constant 0 : i32
      %sign3A_107 = arith.cmpi slt, %jit3A, %sign3A_106 : i32
      %sign3A_108 = arith.extui %sign3A_107 : i1 to i32
      %sign3A_109 = arith.subi %sign3A_105, %sign3A_108 : i32
      %ne3A = arith.cmpi ne, %sign3A_102, %sign3A_109 : i32
      %rem3A = arith.remsi %scan3A_94, %jit3A : i32
      %ne3A_110 = arith.constant 0 : i32
      %ne3A_111 = arith.cmpi ne, %rem3A, %ne3A_110 : i32
      %and3A = arith.andi %ne3A, %ne3A_111 : i1
      %sub3A = arith.constant 1 : i32
      %sub3A_112 = arith.subi %div3A, %sub3A : i32
      %select_n3A = arith.select %and3A, %sub3A_112, %div3A : i32
      %add3A_113 = arith.addi %mul3A_96, %select_n3A : i32
      %jit3A_114 = arith.constant 12 : i32
      %eq3A = arith.constant 0 : i32
      %eq3A_115 = arith.cmpi eq, %jit3A_114, %eq3A : i32
      %jit3A_116 = arith.constant 1 : i32
      %select_n3A_117 = arith.select %eq3A_115, %jit3A_116, %jit3A_114 : i32
      %rem3A_118 = arith.remsi %scan3A_94, %select_n3A_117 : i32
      %ne3A_119 = arith.constant 0 : i32
      %ne3A_120 = arith.cmpi ne, %rem3A_118, %ne3A_119 : i32
      %lt3A = arith.constant 0 : i32
      %lt3A_121 = arith.cmpi slt, %rem3A_118, %lt3A : i32
      %lt3A_122 = arith.constant 0 : i32
      %lt3A_123 = arith.cmpi slt, %select_n3A_117, %lt3A_122 : i32
      %ne3A_124 = arith.xori %lt3A_121, %lt3A_123 : i1
      %and3A_125 = arith.andi %ne3A_124, %ne3A_120 : i1
      %add3A_126 = arith.addi %rem3A_118, %select_n3A_117 : i32
      %select_n3A_127 = arith.select %and3A_125, %add3A_126, %rem3A_118 : i32
      %mul3A_128 = arith.constant 1179648 : i32
      %mul3A_129 = arith.muli %select_n3A_127, %mul3A_128 : i32
      %mul3A_130 = arith.constant 3538944 : i32
      %mul3A_131 = arith.muli %add3A_113, %mul3A_130 : i32
      %mul3A_132 = arith.constant 221184 : i32
      %mul3A_133 = arith.muli %arg1, %mul3A_132 : i32
      %add3A_134 = arith.addi %mul3A_131, %mul3A_133 : i32
      %mul3A_135 = arith.constant 2 : i32
      %mul3A_136 = arith.muli %mul3A_135, %arg0 : i32
      %add3A_137 = arith.constant 1 : i32
      %add3A_138 = arith.addi %scan3A_94, %add3A_137 : i32
      %jit3A_139 = arith.constant 24 : i32
      %eq3A_140 = arith.constant 0 : i32
      %eq3A_141 = arith.cmpi eq, %jit3A_139, %eq3A_140 : i32
      %jit3A_142 = arith.constant 1 : i32
      %select_n3A_143 = arith.select %eq3A_141, %jit3A_142, %jit3A_139 : i32
      %rem3A_144 = arith.remsi %add3A_138, %select_n3A_143 : i32
      %ne3A_145 = arith.constant 0 : i32
      %ne3A_146 = arith.cmpi ne, %rem3A_144, %ne3A_145 : i32
      %lt3A_147 = arith.constant 0 : i32
      %lt3A_148 = arith.cmpi slt, %rem3A_144, %lt3A_147 : i32
      %lt3A_149 = arith.constant 0 : i32
      %lt3A_150 = arith.cmpi slt, %select_n3A_143, %lt3A_149 : i32
      %ne3A_151 = arith.xori %lt3A_148, %lt3A_150 : i1
      %and3A_152 = arith.andi %ne3A_151, %ne3A_146 : i1
      %add3A_153 = arith.addi %rem3A_144, %select_n3A_143 : i32
      %select_n3A_154 = arith.select %and3A_152, %add3A_153, %rem3A_144 : i32
      %jit3A_155 = arith.constant 12 : i32
      %div3A_156 = arith.divsi %select_n3A_154, %jit3A_155 : i32
      %sign3A_157 = arith.constant 0 : i32
      %sign3A_158 = arith.cmpi sgt, %select_n3A_154, %sign3A_157 : i32
      %sign3A_159 = arith.extui %sign3A_158 : i1 to i32
      %sign3A_160 = arith.constant 0 : i32
      %sign3A_161 = arith.cmpi slt, %select_n3A_154, %sign3A_160 : i32
      %sign3A_162 = arith.extui %sign3A_161 : i1 to i32
      %sign3A_163 = arith.subi %sign3A_159, %sign3A_162 : i32
      %sign3A_164 = arith.constant 0 : i32
      %sign3A_165 = arith.cmpi sgt, %jit3A_155, %sign3A_164 : i32
      %sign3A_166 = arith.extui %sign3A_165 : i1 to i32
      %sign3A_167 = arith.constant 0 : i32
      %sign3A_168 = arith.cmpi slt, %jit3A_155, %sign3A_167 : i32
      %sign3A_169 = arith.extui %sign3A_168 : i1 to i32
      %sign3A_170 = arith.subi %sign3A_166, %sign3A_169 : i32
      %ne3A_171 = arith.cmpi ne, %sign3A_163, %sign3A_170 : i32
      %rem3A_172 = arith.remsi %select_n3A_154, %jit3A_155 : i32
      %ne3A_173 = arith.constant 0 : i32
      %ne3A_174 = arith.cmpi ne, %rem3A_172, %ne3A_173 : i32
      %and3A_175 = arith.andi %ne3A_171, %ne3A_174 : i1
      %sub3A_176 = arith.constant 1 : i32
      %sub3A_177 = arith.subi %div3A_156, %sub3A_176 : i32
      %select_n3A_178 = arith.select %and3A_175, %sub3A_177, %div3A_156 : i32
      %add3A_179 = arith.addi %mul3A_136, %select_n3A_178 : i32
      %mul3A_180 = arith.constant 3538944 : i32
      %mul3A_181 = arith.muli %add3A_179, %mul3A_180 : i32
      %mul3A_182 = arith.constant 221184 : i32
      %mul3A_183 = arith.muli %arg1, %mul3A_182 : i32
      %add3A_184 = arith.addi %mul3A_181, %mul3A_183 : i32
      %mul3A_185 = arith.constant 73728 : i32
      %mul3A_186 = arith.muli %arg1, %mul3A_185 : i32
      %gt3A = arith.constant 0 : i32
      %gt3A_187 = arith.cmpi sgt, %scan3A_94, %gt3A : i32
      %convert_element_type3A = arith.extui %gt3A_187 : i1 to i32
      %cond3A = arith.constant 0 : i32
      %cond3A_188 = arith.cmpi ne, %convert_element_type3A, %cond3A : i32
      scf.if %cond3A_188 {
        %add3A_360 = arith.constant 0 : i32
        %add3A_361 = arith.addi %mul3A_186, %add3A_360 : i32
        %dma_wait3A_362 = arith.constant 0 : i32
        %dma_wait3A_363 = tpu.memref_slice %arg4[%dma_wait3A_362] : memref<56623104xf32, #tpu.memory_space<hbm>> -> memref<11264xf32, #tpu.memory_space<hbm>>
        %dma_wait3A_364 = tpu.memref_slice %arg13[%add3A_361] : memref<1181696xf32, #tpu.memory_space<vmem_shared>> -> memref<11264xf32, #tpu.memory_space<vmem_shared>>
        tpu.wait_dma2 semaphore(%arg18 : memref<!tpu.dma_semaphore, #tpu.memory_space<semaphore_mem>>) src(%dma_wait3A_364 : memref<11264xf32, #tpu.memory_space<vmem_shared>>) dst(%dma_wait3A_363 : memref<11264xf32, #tpu.memory_space<hbm>>)
      } else {
      }
      %add3A_189 = arith.constant 0 : i32
      %add3A_190 = arith.addi %mul3A_186, %add3A_189 : i32
      %dma_start3A_191 = tpu.memref_slice %arg13[%add3A_190] : memref<1181696xf32, #tpu.memory_space<vmem_shared>> -> memref<11264xf32, #tpu.memory_space<vmem_shared>>
      %dma_start3A_192 = tpu.memref_slice %arg13[%add3A_190] : memref<1181696xf32, #tpu.memory_space<vmem_shared>> -> memref<11264xf32, #tpu.memory_space<vmem_shared>>
      tpu.enqueue_dma source(%arg12 : memref<11264xf32, #tpu.memory_space<vmem>>) target(%dma_start3A_192 : memref<11264xf32, #tpu.memory_space<vmem_shared>>) target_semaphore(%arg17 : memref<!tpu.dma_semaphore, #tpu.memory_space<semaphore_mem>>)
      %gt3A_193 = arith.constant 0 : i32
      %gt3A_194 = arith.cmpi sgt, %scan3A_94, %gt3A_193 : i32
      %convert_element_type3A_195 = arith.extui %gt3A_194 : i1 to i32
      %cond3A_196 = arith.constant 0 : i32
      %cond3A_197 = arith.cmpi ne, %convert_element_type3A_195, %cond3A_196 : i32
      scf.if %cond3A_197 {
        %add3A_360 = arith.constant 11264 : i32
        %add3A_361 = arith.addi %mul3A_186, %add3A_360 : i32
        %dma_wait3A_362 = arith.constant 11264 : i32
        %dma_wait3A_363 = tpu.memref_slice %arg4[%dma_wait3A_362] : memref<56623104xf32, #tpu.memory_space<hbm>> -> memref<11264xf32, #tpu.memory_space<hbm>>
        %dma_wait3A_364 = tpu.memref_slice %arg13[%add3A_361] : memref<1181696xf32, #tpu.memory_space<vmem_shared>> -> memref<11264xf32, #tpu.memory_space<vmem_shared>>
        tpu.wait_dma2 semaphore(%arg19 : memref<!tpu.dma_semaphore, #tpu.memory_space<semaphore_mem>>) src(%dma_wait3A_364 : memref<11264xf32, #tpu.memory_space<vmem_shared>>) dst(%dma_wait3A_363 : memref<11264xf32, #tpu.memory_space<hbm>>)
      } else {
      }
      %add3A_198 = arith.constant 11264 : i32
      %add3A_199 = arith.addi %mul3A_186, %add3A_198 : i32
      %dma_start3A_200 = tpu.memref_slice %arg13[%add3A_199] : memref<1181696xf32, #tpu.memory_space<vmem_shared>> -> memref<11264xf32, #tpu.memory_space<vmem_shared>>
      %dma_start3A_201 = tpu.memref_slice %arg13[%add3A_199] : memref<1181696xf32, #tpu.memory_space<vmem_shared>> -> memref<11264xf32, #tpu.memory_space<vmem_shared>>
      tpu.enqueue_dma source(%arg12 : memref<11264xf32, #tpu.memory_space<vmem>>) target(%dma_start3A_201 : memref<11264xf32, #tpu.memory_space<vmem_shared>>) target_semaphore(%arg17 : memref<!tpu.dma_semaphore, #tpu.memory_space<semaphore_mem>>)
      %gt3A_202 = arith.constant 0 : i32
      %gt3A_203 = arith.cmpi sgt, %scan3A_94, %gt3A_202 : i32
      %convert_element_type3A_204 = arith.extui %gt3A_203 : i1 to i32
      %cond3A_205 = arith.constant 0 : i32
      %cond3A_206 = arith.cmpi ne, %convert_element_type3A_204, %cond3A_205 : i32
      scf.if %cond3A_206 {
        %add3A_360 = arith.constant 22528 : i32
        %add3A_361 = arith.addi %mul3A_186, %add3A_360 : i32
        %dma_wait3A_362 = arith.constant 22528 : i32
        %dma_wait3A_363 = tpu.memref_slice %arg4[%dma_wait3A_362] : memref<56623104xf32, #tpu.memory_space<hbm>> -> memref<11264xf32, #tpu.memory_space<hbm>>
        %dma_wait3A_364 = tpu.memref_slice %arg13[%add3A_361] : memref<1181696xf32, #tpu.memory_space<vmem_shared>> -> memref<11264xf32, #tpu.memory_space<vmem_shared>>
        tpu.wait_dma2 semaphore(%arg20 : memref<!tpu.dma_semaphore, #tpu.memory_space<semaphore_mem>>) src(%dma_wait3A_364 : memref<11264xf32, #tpu.memory_space<vmem_shared>>) dst(%dma_wait3A_363 : memref<11264xf32, #tpu.memory_space<hbm>>)
      } else {
      }
      %add3A_207 = arith.constant 22528 : i32
      %add3A_208 = arith.addi %mul3A_186, %add3A_207 : i32
      %dma_start3A_209 = tpu.memref_slice %arg13[%add3A_208] : memref<1181696xf32, #tpu.memory_space<vmem_shared>> -> memref<11264xf32, #tpu.memory_space<vmem_shared>>
      %dma_start3A_210 = tpu.memref_slice %arg13[%add3A_208] : memref<1181696xf32, #tpu.memory_space<vmem_shared>> -> memref<11264xf32, #tpu.memory_space<vmem_shared>>
      tpu.enqueue_dma source(%arg12 : memref<11264xf32, #tpu.memory_space<vmem>>) target(%dma_start3A_210 : memref<11264xf32, #tpu.memory_space<vmem_shared>>) target_semaphore(%arg17 : memref<!tpu.dma_semaphore, #tpu.memory_space<semaphore_mem>>)
      %gt3A_211 = arith.constant 0 : i32
      %gt3A_212 = arith.cmpi sgt, %scan3A_94, %gt3A_211 : i32
      %convert_element_type3A_213 = arith.extui %gt3A_212 : i1 to i32
      %cond3A_214 = arith.constant 0 : i32
      %cond3A_215 = arith.cmpi ne, %convert_element_type3A_213, %cond3A_214 : i32
      scf.if %cond3A_215 {
        %add3A_360 = arith.constant 33792 : i32
        %add3A_361 = arith.addi %mul3A_186, %add3A_360 : i32
        %dma_wait3A_362 = arith.constant 33792 : i32
        %dma_wait3A_363 = tpu.memref_slice %arg4[%dma_wait3A_362] : memref<56623104xf32, #tpu.memory_space<hbm>> -> memref<11264xf32, #tpu.memory_space<hbm>>
        %dma_wait3A_364 = tpu.memref_slice %arg13[%add3A_361] : memref<1181696xf32, #tpu.memory_space<vmem_shared>> -> memref<11264xf32, #tpu.memory_space<vmem_shared>>
        tpu.wait_dma2 semaphore(%arg21 : memref<!tpu.dma_semaphore, #tpu.memory_space<semaphore_mem>>) src(%dma_wait3A_364 : memref<11264xf32, #tpu.memory_space<vmem_shared>>) dst(%dma_wait3A_363 : memref<11264xf32, #tpu.memory_space<hbm>>)
      } else {
      }
      %add3A_216 = arith.constant 33792 : i32
      %add3A_217 = arith.addi %mul3A_186, %add3A_216 : i32
      %dma_start3A_218 = tpu.memref_slice %arg13[%add3A_217] : memref<1181696xf32, #tpu.memory_space<vmem_shared>> -> memref<11264xf32, #tpu.memory_space<vmem_shared>>
      %dma_start3A_219 = tpu.memref_slice %arg13[%add3A_217] : memref<1181696xf32, #tpu.memory_space<vmem_shared>> -> memref<11264xf32, #tpu.memory_space<vmem_shared>>
      tpu.enqueue_dma source(%arg12 : memref<11264xf32, #tpu.memory_space<vmem>>) target(%dma_start3A_219 : memref<11264xf32, #tpu.memory_space<vmem_shared>>) target_semaphore(%arg17 : memref<!tpu.dma_semaphore, #tpu.memory_space<semaphore_mem>>)
      %gt3A_220 = arith.constant 0 : i32
      %gt3A_221 = arith.cmpi sgt, %scan3A_94, %gt3A_220 : i32
      %convert_element_type3A_222 = arith.extui %gt3A_221 : i1 to i32
      %cond3A_223 = arith.constant 0 : i32
      %cond3A_224 = arith.cmpi ne, %convert_element_type3A_222, %cond3A_223 : i32
      scf.if %cond3A_224 {
        %add3A_360 = arith.constant 45056 : i32
        %add3A_361 = arith.addi %mul3A_186, %add3A_360 : i32
        %dma_wait3A_362 = arith.constant 45056 : i32
        %dma_wait3A_363 = tpu.memref_slice %arg4[%dma_wait3A_362] : memref<56623104xf32, #tpu.memory_space<hbm>> -> memref<11264xf32, #tpu.memory_space<hbm>>
        %dma_wait3A_364 = tpu.memref_slice %arg13[%add3A_361] : memref<1181696xf32, #tpu.memory_space<vmem_shared>> -> memref<11264xf32, #tpu.memory_space<vmem_shared>>
        tpu.wait_dma2 semaphore(%arg22 : memref<!tpu.dma_semaphore, #tpu.memory_space<semaphore_mem>>) src(%dma_wait3A_364 : memref<11264xf32, #tpu.memory_space<vmem_shared>>) dst(%dma_wait3A_363 : memref<11264xf32, #tpu.memory_space<hbm>>)
      } else {
      }
      %add3A_225 = arith.constant 45056 : i32
      %add3A_226 = arith.addi %mul3A_186, %add3A_225 : i32
      %dma_start3A_227 = tpu.memref_slice %arg13[%add3A_226] : memref<1181696xf32, #tpu.memory_space<vmem_shared>> -> memref<11264xf32, #tpu.memory_space<vmem_shared>>
      %dma_start3A_228 = tpu.memref_slice %arg13[%add3A_226] : memref<1181696xf32, #tpu.memory_space<vmem_shared>> -> memref<11264xf32, #tpu.memory_space<vmem_shared>>
      tpu.enqueue_dma source(%arg12 : memref<11264xf32, #tpu.memory_space<vmem>>) target(%dma_start3A_228 : memref<11264xf32, #tpu.memory_space<vmem_shared>>) target_semaphore(%arg17 : memref<!tpu.dma_semaphore, #tpu.memory_space<semaphore_mem>>)
      %gt3A_229 = arith.constant 0 : i32
      %gt3A_230 = arith.cmpi sgt, %scan3A_94, %gt3A_229 : i32
      %convert_element_type3A_231 = arith.extui %gt3A_230 : i1 to i32
      %cond3A_232 = arith.constant 0 : i32
      %cond3A_233 = arith.cmpi ne, %convert_element_type3A_231, %cond3A_232 : i32
      scf.if %cond3A_233 {
        %add3A_360 = arith.constant 56320 : i32
        %add3A_361 = arith.addi %mul3A_186, %add3A_360 : i32
        %dma_wait3A_362 = arith.constant 56320 : i32
        %dma_wait3A_363 = tpu.memref_slice %arg4[%dma_wait3A_362] : memref<56623104xf32, #tpu.memory_space<hbm>> -> memref<11264xf32, #tpu.memory_space<hbm>>
        %dma_wait3A_364 = tpu.memref_slice %arg13[%add3A_361] : memref<1181696xf32, #tpu.memory_space<vmem_shared>> -> memref<11264xf32, #tpu.memory_space<vmem_shared>>
        tpu.wait_dma2 semaphore(%arg23 : memref<!tpu.dma_semaphore, #tpu.memory_space<semaphore_mem>>) src(%dma_wait3A_364 : memref<11264xf32, #tpu.memory_space<vmem_shared>>) dst(%dma_wait3A_363 : memref<11264xf32, #tpu.memory_space<hbm>>)
      } else {
      }
      %add3A_234 = arith.constant 56320 : i32
      %add3A_235 = arith.addi %mul3A_186, %add3A_234 : i32
      %dma_start3A_236 = tpu.memref_slice %arg13[%add3A_235] : memref<1181696xf32, #tpu.memory_space<vmem_shared>> -> memref<11264xf32, #tpu.memory_space<vmem_shared>>
      %dma_start3A_237 = tpu.memref_slice %arg13[%add3A_235] : memref<1181696xf32, #tpu.memory_space<vmem_shared>> -> memref<11264xf32, #tpu.memory_space<vmem_shared>>
      tpu.enqueue_dma source(%arg12 : memref<11264xf32, #tpu.memory_space<vmem>>) target(%dma_start3A_237 : memref<11264xf32, #tpu.memory_space<vmem_shared>>) target_semaphore(%arg17 : memref<!tpu.dma_semaphore, #tpu.memory_space<semaphore_mem>>)
      %gt3A_238 = arith.constant 0 : i32
      %gt3A_239 = arith.cmpi sgt, %scan3A_94, %gt3A_238 : i32
      %convert_element_type3A_240 = arith.extui %gt3A_239 : i1 to i32
      %cond3A_241 = arith.constant 0 : i32
      %cond3A_242 = arith.cmpi ne, %convert_element_type3A_240, %cond3A_241 : i32
      scf.if %cond3A_242 {
        %add3A_360 = arith.constant 67584 : i32
        %add3A_361 = arith.addi %mul3A_186, %add3A_360 : i32
        %dma_wait3A_362 = arith.constant 67584 : i32
        %dma_wait3A_363 = tpu.memref_slice %arg4[%dma_wait3A_362] : memref<56623104xf32, #tpu.memory_space<hbm>> -> memref<6144xf32, #tpu.memory_space<hbm>>
        %dma_wait3A_364 = tpu.memref_slice %arg13[%add3A_361] : memref<1181696xf32, #tpu.memory_space<vmem_shared>> -> memref<6144xf32, #tpu.memory_space<vmem_shared>>
        tpu.wait_dma2 semaphore(%arg24 : memref<!tpu.dma_semaphore, #tpu.memory_space<semaphore_mem>>) src(%dma_wait3A_364 : memref<6144xf32, #tpu.memory_space<vmem_shared>>) dst(%dma_wait3A_363 : memref<6144xf32, #tpu.memory_space<hbm>>)
      } else {
      }
      %add3A_243 = arith.constant 67584 : i32
      %add3A_244 = arith.addi %mul3A_186, %add3A_243 : i32
      %dma_start3A_245 = arith.constant 0 : i32
      %dma_start3A_246 = tpu.memref_slice %arg12[%dma_start3A_245] : memref<11264xf32, #tpu.memory_space<vmem>> -> memref<6144xf32, #tpu.memory_space<vmem>>
      %dma_start3A_247 = tpu.memref_slice %arg13[%add3A_244] : memref<1181696xf32, #tpu.memory_space<vmem_shared>> -> memref<6144xf32, #tpu.memory_space<vmem_shared>>
      %dma_start3A_248 = tpu.memref_slice %arg13[%add3A_244] : memref<1181696xf32, #tpu.memory_space<vmem_shared>> -> memref<6144xf32, #tpu.memory_space<vmem_shared>>
      %dma_start3A_249 = arith.constant 0 : i32
      %dma_start3A_250 = tpu.memref_slice %arg12[%dma_start3A_249] : memref<11264xf32, #tpu.memory_space<vmem>> -> memref<6144xf32, #tpu.memory_space<vmem>>
      tpu.enqueue_dma source(%dma_start3A_250 : memref<6144xf32, #tpu.memory_space<vmem>>) target(%dma_start3A_248 : memref<6144xf32, #tpu.memory_space<vmem_shared>>) target_semaphore(%arg17 : memref<!tpu.dma_semaphore, #tpu.memory_space<semaphore_mem>>)
      %add3A_251 = arith.constant 0 : i32
      %add3A_252 = arith.addi %mul3A_186, %add3A_251 : i32
      %dma_wait3A_253 = tpu.memref_slice %arg13[%add3A_252] : memref<1181696xf32, #tpu.memory_space<vmem_shared>> -> memref<11264xf32, #tpu.memory_space<vmem_shared>>
      %dma_wait3A_254 = tpu.memref_slice %arg13[%add3A_252] : memref<1181696xf32, #tpu.memory_space<vmem_shared>> -> memref<11264xf32, #tpu.memory_space<vmem_shared>>
      tpu.wait_dma2 semaphore(%arg17 : memref<!tpu.dma_semaphore, #tpu.memory_space<semaphore_mem>>) src(%arg12 : memref<11264xf32, #tpu.memory_space<vmem>>) dst(%dma_wait3A_254 : memref<11264xf32, #tpu.memory_space<vmem_shared>>)
      %add3A_255 = arith.constant 11264 : i32
      %add3A_256 = arith.addi %mul3A_186, %add3A_255 : i32
      %dma_wait3A_257 = tpu.memref_slice %arg13[%add3A_256] : memref<1181696xf32, #tpu.memory_space<vmem_shared>> -> memref<11264xf32, #tpu.memory_space<vmem_shared>>
      %dma_wait3A_258 = tpu.memref_slice %arg13[%add3A_256] : memref<1181696xf32, #tpu.memory_space<vmem_shared>> -> memref<11264xf32, #tpu.memory_space<vmem_shared>>
      tpu.wait_dma2 semaphore(%arg17 : memref<!tpu.dma_semaphore, #tpu.memory_space<semaphore_mem>>) src(%arg12 : memref<11264xf32, #tpu.memory_space<vmem>>) dst(%dma_wait3A_258 : memref<11264xf32, #tpu.memory_space<vmem_shared>>)
      %add3A_259 = arith.constant 22528 : i32
      %add3A_260 = arith.addi %mul3A_186, %add3A_259 : i32
      %dma_wait3A_261 = tpu.memref_slice %arg13[%add3A_260] : memref<1181696xf32, #tpu.memory_space<vmem_shared>> -> memref<11264xf32, #tpu.memory_space<vmem_shared>>
      %dma_wait3A_262 = tpu.memref_slice %arg13[%add3A_260] : memref<1181696xf32, #tpu.memory_space<vmem_shared>> -> memref<11264xf32, #tpu.memory_space<vmem_shared>>
      tpu.wait_dma2 semaphore(%arg17 : memref<!tpu.dma_semaphore, #tpu.memory_space<semaphore_mem>>) src(%arg12 : memref<11264xf32, #tpu.memory_space<vmem>>) dst(%dma_wait3A_262 : memref<11264xf32, #tpu.memory_space<vmem_shared>>)
      %add3A_263 = arith.constant 33792 : i32
      %add3A_264 = arith.addi %mul3A_186, %add3A_263 : i32
      %dma_wait3A_265 = tpu.memref_slice %arg13[%add3A_264] : memref<1181696xf32, #tpu.memory_space<vmem_shared>> -> memref<11264xf32, #tpu.memory_space<vmem_shared>>
      %dma_wait3A_266 = tpu.memref_slice %arg13[%add3A_264] : memref<1181696xf32, #tpu.memory_space<vmem_shared>> -> memref<11264xf32, #tpu.memory_space<vmem_shared>>
      tpu.wait_dma2 semaphore(%arg17 : memref<!tpu.dma_semaphore, #tpu.memory_space<semaphore_mem>>) src(%arg12 : memref<11264xf32, #tpu.memory_space<vmem>>) dst(%dma_wait3A_266 : memref<11264xf32, #tpu.memory_space<vmem_shared>>)
      %add3A_267 = arith.constant 45056 : i32
      %add3A_268 = arith.addi %mul3A_186, %add3A_267 : i32
      %dma_wait3A_269 = tpu.memref_slice %arg13[%add3A_268] : memref<1181696xf32, #tpu.memory_space<vmem_shared>> -> memref<11264xf32, #tpu.memory_space<vmem_shared>>
      %dma_wait3A_270 = tpu.memref_slice %arg13[%add3A_268] : memref<1181696xf32, #tpu.memory_space<vmem_shared>> -> memref<11264xf32, #tpu.memory_space<vmem_shared>>
      tpu.wait_dma2 semaphore(%arg17 : memref<!tpu.dma_semaphore, #tpu.memory_space<semaphore_mem>>) src(%arg12 : memref<11264xf32, #tpu.memory_space<vmem>>) dst(%dma_wait3A_270 : memref<11264xf32, #tpu.memory_space<vmem_shared>>)
      %add3A_271 = arith.constant 56320 : i32
      %add3A_272 = arith.addi %mul3A_186, %add3A_271 : i32
      %dma_wait3A_273 = tpu.memref_slice %arg13[%add3A_272] : memref<1181696xf32, #tpu.memory_space<vmem_shared>> -> memref<11264xf32, #tpu.memory_space<vmem_shared>>
      %dma_wait3A_274 = tpu.memref_slice %arg13[%add3A_272] : memref<1181696xf32, #tpu.memory_space<vmem_shared>> -> memref<11264xf32, #tpu.memory_space<vmem_shared>>
      tpu.wait_dma2 semaphore(%arg17 : memref<!tpu.dma_semaphore, #tpu.memory_space<semaphore_mem>>) src(%arg12 : memref<11264xf32, #tpu.memory_space<vmem>>) dst(%dma_wait3A_274 : memref<11264xf32, #tpu.memory_space<vmem_shared>>)
      %add3A_275 = arith.constant 67584 : i32
      %add3A_276 = arith.addi %mul3A_186, %add3A_275 : i32
      %dma_wait3A_277 = arith.constant 0 : i32
      %dma_wait3A_278 = tpu.memref_slice %arg12[%dma_wait3A_277] : memref<11264xf32, #tpu.memory_space<vmem>> -> memref<6144xf32, #tpu.memory_space<vmem>>
      %dma_wait3A_279 = tpu.memref_slice %arg13[%add3A_276] : memref<1181696xf32, #tpu.memory_space<vmem_shared>> -> memref<6144xf32, #tpu.memory_space<vmem_shared>>
      %dma_wait3A_280 = tpu.memref_slice %arg13[%add3A_276] : memref<1181696xf32, #tpu.memory_space<vmem_shared>> -> memref<6144xf32, #tpu.memory_space<vmem_shared>>
      %dma_wait3A_281 = arith.constant 0 : i32
      %dma_wait3A_282 = tpu.memref_slice %arg12[%dma_wait3A_281] : memref<11264xf32, #tpu.memory_space<vmem>> -> memref<6144xf32, #tpu.memory_space<vmem>>
      tpu.wait_dma2 semaphore(%arg17 : memref<!tpu.dma_semaphore, #tpu.memory_space<semaphore_mem>>) src(%dma_wait3A_282 : memref<6144xf32, #tpu.memory_space<vmem>>) dst(%dma_wait3A_280 : memref<6144xf32, #tpu.memory_space<vmem_shared>>)
      %barrier3A = arith.constant 0 : index
      tpu.barrier barrier_id(%barrier3A)
      %broadcast_in_dim3A_283 = arith.constant 0 : i32
      %broadcast_in_dim3A_284 = vector.broadcast %broadcast_in_dim3A_283 : i32 to vector<16xi32>
      %scan3A_285 = arith.constant 0 : i32
      %scan3A_286 = arith.constant 18 : i32
      %scan3A_287 = arith.addi %scan3A_285, %scan3A_286 : i32
      %scan3A_288 = arith.constant 1 : i32
      %scan3A_289 = scf.for %scan3A_360 = %scan3A_285 to %scan3A_287 step %scan3A_288 iter_args(%scan3A_361 = %broadcast_in_dim3A_284) -> (vector<16xi32>)  : i32 {
        %mul3A_362 = arith.constant 3 : i32
        %mul3A_363 = arith.muli %scan3A_360, %mul3A_362 : i32
        %add3A_364 = arith.constant 0 : i32
        %add3A_365 = arith.addi %mul3A_363, %add3A_364 : i32
        %dma_wait3A_366 = arith.constant 0 : i32
        %dma_wait3A_367 = tpu.memref_slice %arg3[%dma_wait3A_366] : memref<14155776xi32, #tpu.memory_space<hbm>> -> memref<4096xi32, #tpu.memory_space<hbm>>
        %dma_wait3A_368 = arith.constant 0 : i32
        %dma_wait3A_369 = tpu.memref_slice %arg3[%dma_wait3A_368] : memref<14155776xi32, #tpu.memory_space<hbm>> -> memref<4096xi32, #tpu.memory_space<hbm>>
        tpu.wait_dma2 semaphore(%arg14 : memref<!tpu.dma_semaphore, #tpu.memory_space<semaphore_mem>>) src(%dma_wait3A_369 : memref<4096xi32, #tpu.memory_space<hbm>>) dst(%arg5 : memref<4096xi32, #tpu.memory_space<vmem>>)
        %dma_wait3A_370 = arith.constant 0 : i32
        %dma_wait3A_371 = tpu.memref_slice %arg2[%dma_wait3A_370] : memref<14155776xf32, #tpu.memory_space<hbm>> -> memref<4096xf32, #tpu.memory_space<hbm>>
        %dma_wait3A_372 = arith.constant 0 : i32
        %dma_wait3A_373 = tpu.memref_slice %arg2[%dma_wait3A_372] : memref<14155776xf32, #tpu.memory_space<hbm>> -> memref<4096xf32, #tpu.memory_space<hbm>>
        tpu.wait_dma2 semaphore(%arg14 : memref<!tpu.dma_semaphore, #tpu.memory_space<semaphore_mem>>) src(%dma_wait3A_373 : memref<4096xf32, #tpu.memory_space<hbm>>) dst(%arg8 : memref<4096xf32, #tpu.memory_space<vmem>>)
        %add3A_374 = arith.constant 2 : i32
        %add3A_375 = arith.addi %add3A_365, %add3A_374 : i32
        %lt3A_376 = arith.constant 54 : i32
        %lt3A_377 = arith.cmpi slt, %add3A_375, %lt3A_376 : i32
        %convert_element_type3A_378 = arith.extui %lt3A_377 : i1 to i32
        %cond3A_379 = arith.constant 0 : i32
        %cond3A_380 = arith.cmpi ne, %convert_element_type3A_378, %cond3A_379 : i32
        scf.if %cond3A_380 {
          %add3A_475 = arith.constant 2 : i32
          %add3A_476 = arith.addi %add3A_365, %add3A_475 : i32
          %mul3A_477 = arith.constant 4096 : i32
          %mul3A_478 = arith.muli %add3A_476, %mul3A_477 : i32
          %add3A_479 = arith.addi %add3A_134, %mul3A_478 : i32
          %dma_start3A_480 = tpu.memref_slice %arg3[%add3A_479] : memref<14155776xi32, #tpu.memory_space<hbm>> -> memref<4096xi32, #tpu.memory_space<hbm>>
          %dma_start3A_481 = tpu.memref_slice %arg3[%add3A_479] : memref<14155776xi32, #tpu.memory_space<hbm>> -> memref<4096xi32, #tpu.memory_space<hbm>>
          tpu.enqueue_dma source(%dma_start3A_481 : memref<4096xi32, #tpu.memory_space<hbm>>) target(%arg7 : memref<4096xi32, #tpu.memory_space<vmem>>) target_semaphore(%arg16 : memref<!tpu.dma_semaphore, #tpu.memory_space<semaphore_mem>>)
          %dma_start3A_482 = tpu.memref_slice %arg2[%add3A_479] : memref<14155776xf32, #tpu.memory_space<hbm>> -> memref<4096xf32, #tpu.memory_space<hbm>>
          %dma_start3A_483 = tpu.memref_slice %arg2[%add3A_479] : memref<14155776xf32, #tpu.memory_space<hbm>> -> memref<4096xf32, #tpu.memory_space<hbm>>
          tpu.enqueue_dma source(%dma_start3A_483 : memref<4096xf32, #tpu.memory_space<hbm>>) target(%arg10 : memref<4096xf32, #tpu.memory_space<vmem>>) target_semaphore(%arg16 : memref<!tpu.dma_semaphore, #tpu.memory_space<semaphore_mem>>)
        } else {
        }
        %add3A_381 = arith.constant 2 : i32
        %add3A_382 = arith.addi %add3A_365, %add3A_381 : i32
        %ge3A = arith.constant 54 : i32
        %ge3A_383 = arith.cmpi sge, %add3A_382, %ge3A : i32
        %convert_element_type3A_384 = arith.extui %ge3A_383 : i1 to i32
        %cond3A_385 = arith.constant 0 : i32
        %cond3A_386 = arith.cmpi ne, %convert_element_type3A_384, %cond3A_385 : i32
        scf.if %cond3A_386 {
          %add3A_475 = arith.constant 2 : i32
          %add3A_476 = arith.addi %add3A_365, %add3A_475 : i32
          %sub3A_477 = arith.constant 54 : i32
          %sub3A_478 = arith.subi %add3A_476, %sub3A_477 : i32
          %mul3A_479 = arith.constant 4096 : i32
          %mul3A_480 = arith.muli %sub3A_478, %mul3A_479 : i32
          %add3A_481 = arith.addi %add3A_184, %mul3A_480 : i32
          %dma_start3A_482 = tpu.memref_slice %arg3[%add3A_481] : memref<14155776xi32, #tpu.memory_space<hbm>> -> memref<4096xi32, #tpu.memory_space<hbm>>
          %dma_start3A_483 = tpu.memref_slice %arg3[%add3A_481] : memref<14155776xi32, #tpu.memory_space<hbm>> -> memref<4096xi32, #tpu.memory_space<hbm>>
          tpu.enqueue_dma source(%dma_start3A_483 : memref<4096xi32, #tpu.memory_space<hbm>>) target(%arg7 : memref<4096xi32, #tpu.memory_space<vmem>>) target_semaphore(%arg16 : memref<!tpu.dma_semaphore, #tpu.memory_space<semaphore_mem>>)
          %dma_start3A_484 = tpu.memref_slice %arg2[%add3A_481] : memref<14155776xf32, #tpu.memory_space<hbm>> -> memref<4096xf32, #tpu.memory_space<hbm>>
          %dma_start3A_485 = tpu.memref_slice %arg2[%add3A_481] : memref<14155776xf32, #tpu.memory_space<hbm>> -> memref<4096xf32, #tpu.memory_space<hbm>>
          tpu.enqueue_dma source(%dma_start3A_485 : memref<4096xf32, #tpu.memory_space<hbm>>) target(%arg10 : memref<4096xf32, #tpu.memory_space<vmem>>) target_semaphore(%arg16 : memref<!tpu.dma_semaphore, #tpu.memory_space<semaphore_mem>>)
        } else {
        }
        %scan3A_387 = arith.constant 0 : i32
        %scan3A_388 = arith.constant 32 : i32
        %scan3A_389 = arith.addi %scan3A_387, %scan3A_388 : i32
        %scan3A_390 = arith.constant 1 : i32
        %scan3A_391 = scf.for %scan3A_475 = %scan3A_387 to %scan3A_389 step %scan3A_390 iter_args(%scan3A_476 = %scan3A_361) -> (vector<16xi32>)  : i32 {
          %mul3A_477 = arith.constant 128 : i32
          %mul3A_478 = arith.muli %scan3A_475, %mul3A_477 : i32
          %add3A_479 = arith.constant 0 : i32
          %add3A_480 = arith.addi %mul3A_478, %add3A_479 : i32
          %get3A = arith.index_cast %add3A_480 : i32 to index
          %get3A_481 = tpu.vector_load %arg5[%get3A] {strides = array<i32>} : memref<4096xi32, #tpu.memory_space<vmem>>, vector<16xi32>,
          %sub3A_482 = vector.broadcast %mul3A_129 : i32 to vector<16xi32>
          %sub3A_483 = arith.subi %get3A_481, %sub3A_482 : vector<16xi32>
          %bitcast3A = vector.bitcast %sub3A_483 : vector<16xi32> to vector<16xi32>
          %lt3A_484 = arith.constant 1179648 : i32
          %lt3A_485 = vector.broadcast %lt3A_484 : i32 to vector<16xi32>
          %lt3A_486 = arith.cmpi ult, %bitcast3A, %lt3A_485 : vector<16xi32>
          %get3A_487 = arith.index_cast %add3A_480 : i32 to index
          %get3A_488 = tpu.vector_load %arg8[%get3A_487] {strides = array<i32>} : memref<4096xf32, #tpu.memory_space<vmem>>, vector<16xf32>,
          %masked_cumsum3A = tpu.scan <sum>, %broadcast_in_dim3A_2 masked %lt3A_486 : vector<16xi32>, vector<16xi1> -> vector<16xi32>
          %all_reduce_population_count3A = tpu.all_reduce %lt3A_486 {dim = 0 : i64, kind = #tpu.reduction_kind<sum>} : vector<16xi1> -> vector<16xi32>
          %add3A_489 = arith.constant 16 : i32
          %add3A_490 = arith.addi %mul3A_478, %add3A_489 : i32
          %get3A_491 = arith.index_cast %add3A_490 : i32 to index
          %get3A_492 = tpu.vector_load %arg5[%get3A_491] {strides = array<i32>} : memref<4096xi32, #tpu.memory_space<vmem>>, vector<16xi32>,
          %sub3A_493 = vector.broadcast %mul3A_129 : i32 to vector<16xi32>
          %sub3A_494 = arith.subi %get3A_492, %sub3A_493 : vector<16xi32>
          %bitcast3A_495 = vector.bitcast %sub3A_494 : vector<16xi32> to vector<16xi32>
          %lt3A_496 = arith.constant 1179648 : i32
          %lt3A_497 = vector.broadcast %lt3A_496 : i32 to vector<16xi32>
          %lt3A_498 = arith.cmpi ult, %bitcast3A_495, %lt3A_497 : vector<16xi32>
          %get3A_499 = arith.index_cast %add3A_490 : i32 to index
          %get3A_500 = tpu.vector_load %arg8[%get3A_499] {strides = array<i32>} : memref<4096xf32, #tpu.memory_space<vmem>>, vector<16xf32>,
          %masked_cumsum3A_501 = tpu.scan <sum>, %broadcast_in_dim3A_2 masked %lt3A_498 : vector<16xi32>, vector<16xi1> -> vector<16xi32>
          %all_reduce_population_count3A_502 = tpu.all_reduce %lt3A_498 {dim = 0 : i64, kind = #tpu.reduction_kind<sum>} : vector<16xi1> -> vector<16xi32>
          %add3A_503 = arith.constant 32 : i32
          %add3A_504 = arith.addi %mul3A_478, %add3A_503 : i32
          %get3A_505 = arith.index_cast %add3A_504 : i32 to index
          %get3A_506 = tpu.vector_load %arg5[%get3A_505] {strides = array<i32>} : memref<4096xi32, #tpu.memory_space<vmem>>, vector<16xi32>,
          %sub3A_507 = vector.broadcast %mul3A_129 : i32 to vector<16xi32>
          %sub3A_508 = arith.subi %get3A_506, %sub3A_507 : vector<16xi32>
          %bitcast3A_509 = vector.bitcast %sub3A_508 : vector<16xi32> to vector<16xi32>
          %lt3A_510 = arith.constant 1179648 : i32
          %lt3A_511 = vector.broadcast %lt3A_510 : i32 to vector<16xi32>
          %lt3A_512 = arith.cmpi ult, %bitcast3A_509, %lt3A_511 : vector<16xi32>
          %get3A_513 = arith.index_cast %add3A_504 : i32 to index
          %get3A_514 = tpu.vector_load %arg8[%get3A_513] {strides = array<i32>} : memref<4096xf32, #tpu.memory_space<vmem>>, vector<16xf32>,
          %masked_cumsum3A_515 = tpu.scan <sum>, %broadcast_in_dim3A_2 masked %lt3A_512 : vector<16xi32>, vector<16xi1> -> vector<16xi32>
          %all_reduce_population_count3A_516 = tpu.all_reduce %lt3A_512 {dim = 0 : i64, kind = #tpu.reduction_kind<sum>} : vector<16xi1> -> vector<16xi32>
          %add3A_517 = arith.constant 48 : i32
          %add3A_518 = arith.addi %mul3A_478, %add3A_517 : i32
          %get3A_519 = arith.index_cast %add3A_518 : i32 to index
          %get3A_520 = tpu.vector_load %arg5[%get3A_519] {strides = array<i32>} : memref<4096xi32, #tpu.memory_space<vmem>>, vector<16xi32>,
          %sub3A_521 = vector.broadcast %mul3A_129 : i32 to vector<16xi32>
          %sub3A_522 = arith.subi %get3A_520, %sub3A_521 : vector<16xi32>
          %bitcast3A_523 = vector.bitcast %sub3A_522 : vector<16xi32> to vector<16xi32>
          %lt3A_524 = arith.constant 1179648 : i32
          %lt3A_525 = vector.broadcast %lt3A_524 : i32 to vector<16xi32>
          %lt3A_526 = arith.cmpi ult, %bitcast3A_523, %lt3A_525 : vector<16xi32>
          %get3A_527 = arith.index_cast %add3A_518 : i32 to index
          %get3A_528 = tpu.vector_load %arg8[%get3A_527] {strides = array<i32>} : memref<4096xf32, #tpu.memory_space<vmem>>, vector<16xf32>,
          %masked_cumsum3A_529 = tpu.scan <sum>, %broadcast_in_dim3A_2 masked %lt3A_526 : vector<16xi32>, vector<16xi1> -> vector<16xi32>
          %all_reduce_population_count3A_530 = tpu.all_reduce %lt3A_526 {dim = 0 : i64, kind = #tpu.reduction_kind<sum>} : vector<16xi1> -> vector<16xi32>
          %add3A_531 = arith.constant 64 : i32
          %add3A_532 = arith.addi %mul3A_478, %add3A_531 : i32
          %get3A_533 = arith.index_cast %add3A_532 : i32 to index
          %get3A_534 = tpu.vector_load %arg5[%get3A_533] {strides = array<i32>} : memref<4096xi32, #tpu.memory_space<vmem>>, vector<16xi32>,
          %sub3A_535 = vector.broadcast %mul3A_129 : i32 to vector<16xi32>
          %sub3A_536 = arith.subi %get3A_534, %sub3A_535 : vector<16xi32>
          %bitcast3A_537 = vector.bitcast %sub3A_536 : vector<16xi32> to vector<16xi32>
          %lt3A_538 = arith.constant 1179648 : i32
          %lt3A_539 = vector.broadcast %lt3A_538 : i32 to vector<16xi32>
          %lt3A_540 = arith.cmpi ult, %bitcast3A_537, %lt3A_539 : vector<16xi32>
          %get3A_541 = arith.index_cast %add3A_532 : i32 to index
          %get3A_542 = tpu.vector_load %arg8[%get3A_541] {strides = array<i32>} : memref<4096xf32, #tpu.memory_space<vmem>>, vector<16xf32>,
          %masked_cumsum3A_543 = tpu.scan <sum>, %broadcast_in_dim3A_2 masked %lt3A_540 : vector<16xi32>, vector<16xi1> -> vector<16xi32>
          %all_reduce_population_count3A_544 = tpu.all_reduce %lt3A_540 {dim = 0 : i64, kind = #tpu.reduction_kind<sum>} : vector<16xi1> -> vector<16xi32>
          %add3A_545 = arith.constant 80 : i32
          %add3A_546 = arith.addi %mul3A_478, %add3A_545 : i32
          %get3A_547 = arith.index_cast %add3A_546 : i32 to index
          %get3A_548 = tpu.vector_load %arg5[%get3A_547] {strides = array<i32>} : memref<4096xi32, #tpu.memory_space<vmem>>, vector<16xi32>,
          %sub3A_549 = vector.broadcast %mul3A_129 : i32 to vector<16xi32>
          %sub3A_550 = arith.subi %get3A_548, %sub3A_549 : vector<16xi32>
          %bitcast3A_551 = vector.bitcast %sub3A_550 : vector<16xi32> to vector<16xi32>
          %lt3A_552 = arith.constant 1179648 : i32
          %lt3A_553 = vector.broadcast %lt3A_552 : i32 to vector<16xi32>
          %lt3A_554 = arith.cmpi ult, %bitcast3A_551, %lt3A_553 : vector<16xi32>
          %get3A_555 = arith.index_cast %add3A_546 : i32 to index
          %get3A_556 = tpu.vector_load %arg8[%get3A_555] {strides = array<i32>} : memref<4096xf32, #tpu.memory_space<vmem>>, vector<16xf32>,
          %masked_cumsum3A_557 = tpu.scan <sum>, %broadcast_in_dim3A_2 masked %lt3A_554 : vector<16xi32>, vector<16xi1> -> vector<16xi32>
          %all_reduce_population_count3A_558 = tpu.all_reduce %lt3A_554 {dim = 0 : i64, kind = #tpu.reduction_kind<sum>} : vector<16xi1> -> vector<16xi32>
          %add3A_559 = arith.constant 96 : i32
          %add3A_560 = arith.addi %mul3A_478, %add3A_559 : i32
          %get3A_561 = arith.index_cast %add3A_560 : i32 to index
          %get3A_562 = tpu.vector_load %arg5[%get3A_561] {strides = array<i32>} : memref<4096xi32, #tpu.memory_space<vmem>>, vector<16xi32>,
          %sub3A_563 = vector.broadcast %mul3A_129 : i32 to vector<16xi32>
          %sub3A_564 = arith.subi %get3A_562, %sub3A_563 : vector<16xi32>
          %bitcast3A_565 = vector.bitcast %sub3A_564 : vector<16xi32> to vector<16xi32>
          %lt3A_566 = arith.constant 1179648 : i32
          %lt3A_567 = vector.broadcast %lt3A_566 : i32 to vector<16xi32>
          %lt3A_568 = arith.cmpi ult, %bitcast3A_565, %lt3A_567 : vector<16xi32>
          %get3A_569 = arith.index_cast %add3A_560 : i32 to index
          %get3A_570 = tpu.vector_load %arg8[%get3A_569] {strides = array<i32>} : memref<4096xf32, #tpu.memory_space<vmem>>, vector<16xf32>,
          %masked_cumsum3A_571 = tpu.scan <sum>, %broadcast_in_dim3A_2 masked %lt3A_568 : vector<16xi32>, vector<16xi1> -> vector<16xi32>
          %all_reduce_population_count3A_572 = tpu.all_reduce %lt3A_568 {dim = 0 : i64, kind = #tpu.reduction_kind<sum>} : vector<16xi1> -> vector<16xi32>
          %add3A_573 = arith.constant 112 : i32
          %add3A_574 = arith.addi %mul3A_478, %add3A_573 : i32
          %get3A_575 = arith.index_cast %add3A_574 : i32 to index
          %get3A_576 = tpu.vector_load %arg5[%get3A_575] {strides = array<i32>} : memref<4096xi32, #tpu.memory_space<vmem>>, vector<16xi32>,
          %sub3A_577 = vector.broadcast %mul3A_129 : i32 to vector<16xi32>
          %sub3A_578 = arith.subi %get3A_576, %sub3A_577 : vector<16xi32>
          %bitcast3A_579 = vector.bitcast %sub3A_578 : vector<16xi32> to vector<16xi32>
          %lt3A_580 = arith.constant 1179648 : i32
          %lt3A_581 = vector.broadcast %lt3A_580 : i32 to vector<16xi32>
          %lt3A_582 = arith.cmpi ult, %bitcast3A_579, %lt3A_581 : vector<16xi32>
          %get3A_583 = arith.index_cast %add3A_574 : i32 to index
          %get3A_584 = tpu.vector_load %arg8[%get3A_583] {strides = array<i32>} : memref<4096xf32, #tpu.memory_space<vmem>>, vector<16xf32>,
          %masked_cumsum3A_585 = tpu.scan <sum>, %broadcast_in_dim3A_2 masked %lt3A_582 : vector<16xi32>, vector<16xi1> -> vector<16xi32>
          %all_reduce_population_count3A_586 = tpu.all_reduce %lt3A_582 {dim = 0 : i64, kind = #tpu.reduction_kind<sum>} : vector<16xi1> -> vector<16xi32>
          %add3A_587 = arith.addi %scan3A_476, %all_reduce_population_count3A : vector<16xi32>
          %add3A_588 = arith.addi %add3A_587, %all_reduce_population_count3A_502 : vector<16xi32>
          %add3A_589 = arith.addi %add3A_588, %all_reduce_population_count3A_516 : vector<16xi32>
          %add3A_590 = arith.addi %add3A_589, %all_reduce_population_count3A_530 : vector<16xi32>
          %add3A_591 = arith.addi %add3A_590, %all_reduce_population_count3A_544 : vector<16xi32>
          %add3A_592 = arith.addi %add3A_591, %all_reduce_population_count3A_558 : vector<16xi32>
          %add3A_593 = arith.addi %add3A_592, %all_reduce_population_count3A_572 : vector<16xi32>
          %add3A_594 = arith.addi %add3A_593, %all_reduce_population_count3A_586 : vector<16xi32>
          %add3A_595 = arith.addi %scan3A_476, %masked_cumsum3A : vector<16xi32>
          %sub3A_596 = arith.subi %add3A_595, %broadcast_in_dim3A_2 : vector<16xi32>
          tpu.vector_store_idx %arg11[%sub3A_596], %sub3A_483 masked %lt3A_486 : memref<11264xi32, #tpu.memory_space<vmem>>[vector<16xi32>], vector<16xi32>, vector<16xi1>
          tpu.vector_store_idx %arg12[%sub3A_596], %get3A_488 masked %lt3A_486 : memref<11264xf32, #tpu.memory_space<vmem>>[vector<16xi32>], vector<16xf32>, vector<16xi1>
          %add3A_597 = arith.addi %add3A_587, %masked_cumsum3A_501 : vector<16xi32>
          %sub3A_598 = arith.subi %add3A_597, %broadcast_in_dim3A_2 : vector<16xi32>
          tpu.vector_store_idx %arg11[%sub3A_598], %sub3A_494 masked %lt3A_498 : memref<11264xi32, #tpu.memory_space<vmem>>[vector<16xi32>], vector<16xi32>, vector<16xi1>
          tpu.vector_store_idx %arg12[%sub3A_598], %get3A_500 masked %lt3A_498 : memref<11264xf32, #tpu.memory_space<vmem>>[vector<16xi32>], vector<16xf32>, vector<16xi1>
          %add3A_599 = arith.addi %add3A_588, %masked_cumsum3A_515 : vector<16xi32>
          %sub3A_600 = arith.subi %add3A_599, %broadcast_in_dim3A_2 : vector<16xi32>
          tpu.vector_store_idx %arg11[%sub3A_600], %sub3A_508 masked %lt3A_512 : memref<11264xi32, #tpu.memory_space<vmem>>[vector<16xi32>], vector<16xi32>, vector<16xi1>
          tpu.vector_store_idx %arg12[%sub3A_600], %get3A_514 masked %lt3A_512 : memref<11264xf32, #tpu.memory_space<vmem>>[vector<16xi32>], vector<16xf32>, vector<16xi1>
          %add3A_601 = arith.addi %add3A_589, %masked_cumsum3A_529 : vector<16xi32>
          %sub3A_602 = arith.subi %add3A_601, %broadcast_in_dim3A_2 : vector<16xi32>
          tpu.vector_store_idx %arg11[%sub3A_602], %sub3A_522 masked %lt3A_526 : memref<11264xi32, #tpu.memory_space<vmem>>[vector<16xi32>], vector<16xi32>, vector<16xi1>
          tpu.vector_store_idx %arg12[%sub3A_602], %get3A_528 masked %lt3A_526 : memref<11264xf32, #tpu.memory_space<vmem>>[vector<16xi32>], vector<16xf32>, vector<16xi1>
          %add3A_603 = arith.addi %add3A_590, %masked_cumsum3A_543 : vector<16xi32>
          %sub3A_604 = arith.subi %add3A_603, %broadcast_in_dim3A_2 : vector<16xi32>
          tpu.vector_store_idx %arg11[%sub3A_604], %sub3A_536 masked %lt3A_540 : memref<11264xi32, #tpu.memory_space<vmem>>[vector<16xi32>], vector<16xi32>, vector<16xi1>
          tpu.vector_store_idx %arg12[%sub3A_604], %get3A_542 masked %lt3A_540 : memref<11264xf32, #tpu.memory_space<vmem>>[vector<16xi32>], vector<16xf32>, vector<16xi1>
          %add3A_605 = arith.addi %add3A_591, %masked_cumsum3A_557 : vector<16xi32>
          %sub3A_606 = arith.subi %add3A_605, %broadcast_in_dim3A_2 : vector<16xi32>
          tpu.vector_store_idx %arg11[%sub3A_606], %sub3A_550 masked %lt3A_554 : memref<11264xi32, #tpu.memory_space<vmem>>[vector<16xi32>], vector<16xi32>, vector<16xi1>
          tpu.vector_store_idx %arg12[%sub3A_606], %get3A_556 masked %lt3A_554 : memref<11264xf32, #tpu.memory_space<vmem>>[vector<16xi32>], vector<16xf32>, vector<16xi1>
          %add3A_607 = arith.addi %add3A_592, %masked_cumsum3A_571 : vector<16xi32>
          %sub3A_608 = arith.subi %add3A_607, %broadcast_in_dim3A_2 : vector<16xi32>
          tpu.vector_store_idx %arg11[%sub3A_608], %sub3A_564 masked %lt3A_568 : memref<11264xi32, #tpu.memory_space<vmem>>[vector<16xi32>], vector<16xi32>, vector<16xi1>
          tpu.vector_store_idx %arg12[%sub3A_608], %get3A_570 masked %lt3A_568 : memref<11264xf32, #tpu.memory_space<vmem>>[vector<16xi32>], vector<16xf32>, vector<16xi1>
          %add3A_609 = arith.addi %add3A_593, %masked_cumsum3A_585 : vector<16xi32>
          %sub3A_610 = arith.subi %add3A_609, %broadcast_in_dim3A_2 : vector<16xi32>
          tpu.vector_store_idx %arg11[%sub3A_610], %sub3A_578 masked %lt3A_582 : memref<11264xi32, #tpu.memory_space<vmem>>[vector<16xi32>], vector<16xi32>, vector<16xi1>
          tpu.vector_store_idx %arg12[%sub3A_610], %get3A_584 masked %lt3A_582 : memref<11264xf32, #tpu.memory_space<vmem>>[vector<16xi32>], vector<16xf32>, vector<16xi1>
          scf.yield %add3A_594 : vector<16xi32>
        }
        %scan3A_392 = arith.constant 32 : i32
        %slice3A = vector.extract_strided_slice %scan3A_391 {offsets = [0], sizes = [1], strides = [1]} : vector<16xi32> to vector<1xi32>
        %squeeze3A = vector.extract %slice3A[0] : i32 from vector<1xi32>
        %gt3A_393 = arith.constant 7168 : i32
        %gt3A_394 = arith.cmpi sgt, %squeeze3A, %gt3A_393 : i32
        %convert_element_type3A_395 = arith.extui %gt3A_394 : i1 to i32
        %cond3A_396 = arith.constant 0 : i32
        %cond3A_397 = arith.cmpi ne, %convert_element_type3A_395, %cond3A_396 : i32
        %cond3A_398 = scf.if %cond3A_397 -> (vector<16xi32>) {
          "tpu.region"() ({
            %run_scoped3A = tpu.sem_alloc : memref<!tpu.dma_semaphore, #tpu.memory_space<semaphore_mem>>
            %dma_start3A_483 = arith.constant 0 : i32
            %dma_start3A_484 = tpu.memref_slice %arg13[%dma_start3A_483] : memref<1181696xf32, #tpu.memory_space<vmem_shared>> -> memref<1181696xf32, #tpu.memory_space<vmem_shared>>
            tpu.enqueue_indirect_dma source(%arg12 : memref<11264xf32, #tpu.memory_space<vmem>>) target(%dma_start3A_484 : memref<1181696xf32, #tpu.memory_space<vmem_shared>>) offsets(%arg11 : memref<11264xi32, #tpu.memory_space<vmem>>) semaphore(%run_scoped3A : memref<!tpu.dma_semaphore, #tpu.memory_space<semaphore_mem>>) {add = true}
            %dma_wait3A_485 = arith.constant 0 : i32
            %dma_wait3A_486 = tpu.memref_slice %arg13[%dma_wait3A_485] : memref<1181696xf32, #tpu.memory_space<vmem_shared>> -> memref<1181696xf32, #tpu.memory_space<vmem_shared>>
            tpu.wait_indirect_dma semaphore(%run_scoped3A : memref<!tpu.dma_semaphore, #tpu.memory_space<semaphore_mem>>) src(%arg12 : memref<11264xf32, #tpu.memory_space<vmem>>) dst(%dma_wait3A_486 : memref<1181696xf32, #tpu.memory_space<vmem_shared>>)
            tpu.yield
          }) : () -> ()
          %scan3A_475 = arith.constant 0 : i32
          %scan3A_476 = arith.constant 0 : i32
          %scan3A_477 = arith.constant 704 : i32
          %scan3A_478 = arith.addi %scan3A_476, %scan3A_477 : i32
          %scan3A_479 = arith.constant 1 : i32
          scf.for %scan3A_483 = %scan3A_476 to %scan3A_478 step %scan3A_479  : i32 {
            %mul3A_484 = arith.constant 16 : i32
            %mul3A_485 = arith.muli %scan3A_483, %mul3A_484 : i32
            %swap3A = arith.index_cast %mul3A_485 : i32 to index
            %swap3A_486 = tpu.vector_load %arg12[%swap3A] {strides = array<i32>} : memref<11264xf32, #tpu.memory_space<vmem>>, vector<16xf32>,
            tpu.vector_store %arg12[%swap3A], %broadcast_in_dim3A_0 {strides = array<i32>} : memref<11264xf32, #tpu.memory_space<vmem>>, vector<16xf32>,
          }
          %scan3A_480 = arith.constant 704 : i32
          %broadcast_in_dim3A_481 = arith.constant 0 : i32
          %broadcast_in_dim3A_482 = vector.broadcast %broadcast_in_dim3A_481 : i32 to vector<16xi32>
          scf.yield %broadcast_in_dim3A_482 : vector<16xi32>
        } else {
          scf.yield %scan3A_391 : vector<16xi32>
        }
        %add3A_399 = arith.constant 1 : i32
        %add3A_400 = arith.addi %mul3A_363, %add3A_399 : i32
        %dma_wait3A_401 = arith.constant 0 : i32
        %dma_wait3A_402 = tpu.memref_slice %arg3[%dma_wait3A_401] : memref<14155776xi32, #tpu.memory_space<hbm>> -> memref<4096xi32, #tpu.memory_space<hbm>>
        %dma_wait3A_403 = arith.constant 0 : i32
        %dma_wait3A_404 = tpu.memref_slice %arg3[%dma_wait3A_403] : memref<14155776xi32, #tpu.memory_space<hbm>> -> memref<4096xi32, #tpu.memory_space<hbm>>
        tpu.wait_dma2 semaphore(%arg15 : memref<!tpu.dma_semaphore, #tpu.memory_space<semaphore_mem>>) src(%dma_wait3A_404 : memref<4096xi32, #tpu.memory_space<hbm>>) dst(%arg6 : memref<4096xi32, #tpu.memory_space<vmem>>)
        %dma_wait3A_405 = arith.constant 0 : i32
        %dma_wait3A_406 = tpu.memref_slice %arg2[%dma_wait3A_405] : memref<14155776xf32, #tpu.memory_space<hbm>> -> memref<4096xf32, #tpu.memory_space<hbm>>
        %dma_wait3A_407 = arith.constant 0 : i32
        %dma_wait3A_408 = tpu.memref_slice %arg2[%dma_wait3A_407] : memref<14155776xf32, #tpu.memory_space<hbm>> -> memref<4096xf32, #tpu.memory_space<hbm>>
        tpu.wait_dma2 semaphore(%arg15 : memref<!tpu.dma_semaphore, #tpu.memory_space<semaphore_mem>>) src(%dma_wait3A_408 : memref<4096xf32, #tpu.memory_space<hbm>>) dst(%arg9 : memref<4096xf32, #tpu.memory_space<vmem>>)
        %add3A_409 = arith.constant 2 : i32
        %add3A_410 = arith.addi %add3A_400, %add3A_409 : i32
        %lt3A_411 = arith.constant 54 : i32
        %lt3A_412 = arith.cmpi slt, %add3A_410, %lt3A_411 : i32
        %convert_element_type3A_413 = arith.extui %lt3A_412 : i1 to i32
        %cond3A_414 = arith.constant 0 : i32
        %cond3A_415 = arith.cmpi ne, %convert_element_type3A_413, %cond3A_414 : i32
        scf.if %cond3A_415 {
          %add3A_475 = arith.constant 2 : i32
          %add3A_476 = arith.addi %add3A_400, %add3A_475 : i32
          %mul3A_477 = arith.constant 4096 : i32
          %mul3A_478 = arith.muli %add3A_476, %mul3A_477 : i32
          %add3A_479 = arith.addi %add3A_134, %mul3A_478 : i32
          %dma_start3A_480 = tpu.memref_slice %arg3[%add3A_479] : memref<14155776xi32, #tpu.memory_space<hbm>> -> memref<4096xi32, #tpu.memory_space<hbm>>
          %dma_start3A_481 = tpu.memref_slice %arg3[%add3A_479] : memref<14155776xi32, #tpu.memory_space<hbm>> -> memref<4096xi32, #tpu.memory_space<hbm>>
          tpu.enqueue_dma source(%dma_start3A_481 : memref<4096xi32, #tpu.memory_space<hbm>>) target(%arg5 : memref<4096xi32, #tpu.memory_space<vmem>>) target_semaphore(%arg14 : memref<!tpu.dma_semaphore, #tpu.memory_space<semaphore_mem>>)
          %dma_start3A_482 = tpu.memref_slice %arg2[%add3A_479] : memref<14155776xf32, #tpu.memory_space<hbm>> -> memref<4096xf32, #tpu.memory_space<hbm>>
          %dma_start3A_483 = tpu.memref_slice %arg2[%add3A_479] : memref<14155776xf32, #tpu.memory_space<hbm>> -> memref<4096xf32, #tpu.memory_space<hbm>>
          tpu.enqueue_dma source(%dma_start3A_483 : memref<4096xf32, #tpu.memory_space<hbm>>) target(%arg8 : memref<4096xf32, #tpu.memory_space<vmem>>) target_semaphore(%arg14 : memref<!tpu.dma_semaphore, #tpu.memory_space<semaphore_mem>>)
        } else {
        }
        %add3A_416 = arith.constant 2 : i32
        %add3A_417 = arith.addi %add3A_400, %add3A_416 : i32
        %ge3A_418 = arith.constant 54 : i32
        %ge3A_419 = arith.cmpi sge, %add3A_417, %ge3A_418 : i32
        %convert_element_type3A_420 = arith.extui %ge3A_419 : i1 to i32
        %cond3A_421 = arith.constant 0 : i32
        %cond3A_422 = arith.cmpi ne, %convert_element_type3A_420, %cond3A_421 : i32
        scf.if %cond3A_422 {
          %add3A_475 = arith.constant 2 : i32
          %add3A_476 = arith.addi %add3A_400, %add3A_475 : i32
          %sub3A_477 = arith.constant 54 : i32
          %sub3A_478 = arith.subi %add3A_476, %sub3A_477 : i32
          %mul3A_479 = arith.constant 4096 : i32
          %mul3A_480 = arith.muli %sub3A_478, %mul3A_479 : i32
          %add3A_481 = arith.addi %add3A_184, %mul3A_480 : i32
          %dma_start3A_482 = tpu.memref_slice %arg3[%add3A_481] : memref<14155776xi32, #tpu.memory_space<hbm>> -> memref<4096xi32, #tpu.memory_space<hbm>>
          %dma_start3A_483 = tpu.memref_slice %arg3[%add3A_481] : memref<14155776xi32, #tpu.memory_space<hbm>> -> memref<4096xi32, #tpu.memory_space<hbm>>
          tpu.enqueue_dma source(%dma_start3A_483 : memref<4096xi32, #tpu.memory_space<hbm>>) target(%arg5 : memref<4096xi32, #tpu.memory_space<vmem>>) target_semaphore(%arg14 : memref<!tpu.dma_semaphore, #tpu.memory_space<semaphore_mem>>)
          %dma_start3A_484 = tpu.memref_slice %arg2[%add3A_481] : memref<14155776xf32, #tpu.memory_space<hbm>> -> memref<4096xf32, #tpu.memory_space<hbm>>
          %dma_start3A_485 = tpu.memref_slice %arg2[%add3A_481] : memref<14155776xf32, #tpu.memory_space<hbm>> -> memref<4096xf32, #tpu.memory_space<hbm>>
          tpu.enqueue_dma source(%dma_start3A_485 : memref<4096xf32, #tpu.memory_space<hbm>>) target(%arg8 : memref<4096xf32, #tpu.memory_space<vmem>>) target_semaphore(%arg14 : memref<!tpu.dma_semaphore, #tpu.memory_space<semaphore_mem>>)
        } else {
        }
        %scan3A_423 = arith.constant 0 : i32
        %scan3A_424 = arith.constant 32 : i32
        %scan3A_425 = arith.addi %scan3A_423, %scan3A_424 : i32
        %scan3A_426 = arith.constant 1 : i32
        %scan3A_427 = scf.for %scan3A_475 = %scan3A_423 to %scan3A_425 step %scan3A_426 iter_args(%scan3A_476 = %cond3A_398) -> (vector<16xi32>)  : i32 {
          %mul3A_477 = arith.constant 128 : i32
          %mul3A_478 = arith.muli %scan3A_475, %mul3A_477 : i32
          %add3A_479 = arith.constant 0 : i32
          %add3A_480 = arith.addi %mul3A_478, %add3A_479 : i32
          %get3A = arith.index_cast %add3A_480 : i32 to index
          %get3A_481 = tpu.vector_load %arg6[%get3A] {strides = array<i32>} : memref<4096xi32, #tpu.memory_space<vmem>>, vector<16xi32>,
          %sub3A_482 = vector.broadcast %mul3A_129 : i32 to vector<16xi32>
          %sub3A_483 = arith.subi %get3A_481, %sub3A_482 : vector<16xi32>
          %bitcast3A = vector.bitcast %sub3A_483 : vector<16xi32> to vector<16xi32>
          %lt3A_484 = arith.constant 1179648 : i32
          %lt3A_485 = vector.broadcast %lt3A_484 : i32 to vector<16xi32>
          %lt3A_486 = arith.cmpi ult, %bitcast3A, %lt3A_485 : vector<16xi32>
          %get3A_487 = arith.index_cast %add3A_480 : i32 to index
          %get3A_488 = tpu.vector_load %arg9[%get3A_487] {strides = array<i32>} : memref<4096xf32, #tpu.memory_space<vmem>>, vector<16xf32>,
          %masked_cumsum3A = tpu.scan <sum>, %broadcast_in_dim3A_2 masked %lt3A_486 : vector<16xi32>, vector<16xi1> -> vector<16xi32>
          %all_reduce_population_count3A = tpu.all_reduce %lt3A_486 {dim = 0 : i64, kind = #tpu.reduction_kind<sum>} : vector<16xi1> -> vector<16xi32>
          %add3A_489 = arith.constant 16 : i32
          %add3A_490 = arith.addi %mul3A_478, %add3A_489 : i32
          %get3A_491 = arith.index_cast %add3A_490 : i32 to index
          %get3A_492 = tpu.vector_load %arg6[%get3A_491] {strides = array<i32>} : memref<4096xi32, #tpu.memory_space<vmem>>, vector<16xi32>,
          %sub3A_493 = vector.broadcast %mul3A_129 : i32 to vector<16xi32>
          %sub3A_494 = arith.subi %get3A_492, %sub3A_493 : vector<16xi32>
          %bitcast3A_495 = vector.bitcast %sub3A_494 : vector<16xi32> to vector<16xi32>
          %lt3A_496 = arith.constant 1179648 : i32
          %lt3A_497 = vector.broadcast %lt3A_496 : i32 to vector<16xi32>
          %lt3A_498 = arith.cmpi ult, %bitcast3A_495, %lt3A_497 : vector<16xi32>
          %get3A_499 = arith.index_cast %add3A_490 : i32 to index
          %get3A_500 = tpu.vector_load %arg9[%get3A_499] {strides = array<i32>} : memref<4096xf32, #tpu.memory_space<vmem>>, vector<16xf32>,
          %masked_cumsum3A_501 = tpu.scan <sum>, %broadcast_in_dim3A_2 masked %lt3A_498 : vector<16xi32>, vector<16xi1> -> vector<16xi32>
          %all_reduce_population_count3A_502 = tpu.all_reduce %lt3A_498 {dim = 0 : i64, kind = #tpu.reduction_kind<sum>} : vector<16xi1> -> vector<16xi32>
          %add3A_503 = arith.constant 32 : i32
          %add3A_504 = arith.addi %mul3A_478, %add3A_503 : i32
          %get3A_505 = arith.index_cast %add3A_504 : i32 to index
          %get3A_506 = tpu.vector_load %arg6[%get3A_505] {strides = array<i32>} : memref<4096xi32, #tpu.memory_space<vmem>>, vector<16xi32>,
          %sub3A_507 = vector.broadcast %mul3A_129 : i32 to vector<16xi32>
          %sub3A_508 = arith.subi %get3A_506, %sub3A_507 : vector<16xi32>
          %bitcast3A_509 = vector.bitcast %sub3A_508 : vector<16xi32> to vector<16xi32>
          %lt3A_510 = arith.constant 1179648 : i32
          %lt3A_511 = vector.broadcast %lt3A_510 : i32 to vector<16xi32>
          %lt3A_512 = arith.cmpi ult, %bitcast3A_509, %lt3A_511 : vector<16xi32>
          %get3A_513 = arith.index_cast %add3A_504 : i32 to index
          %get3A_514 = tpu.vector_load %arg9[%get3A_513] {strides = array<i32>} : memref<4096xf32, #tpu.memory_space<vmem>>, vector<16xf32>,
          %masked_cumsum3A_515 = tpu.scan <sum>, %broadcast_in_dim3A_2 masked %lt3A_512 : vector<16xi32>, vector<16xi1> -> vector<16xi32>
          %all_reduce_population_count3A_516 = tpu.all_reduce %lt3A_512 {dim = 0 : i64, kind = #tpu.reduction_kind<sum>} : vector<16xi1> -> vector<16xi32>
          %add3A_517 = arith.constant 48 : i32
          %add3A_518 = arith.addi %mul3A_478, %add3A_517 : i32
          %get3A_519 = arith.index_cast %add3A_518 : i32 to index
          %get3A_520 = tpu.vector_load %arg6[%get3A_519] {strides = array<i32>} : memref<4096xi32, #tpu.memory_space<vmem>>, vector<16xi32>,
          %sub3A_521 = vector.broadcast %mul3A_129 : i32 to vector<16xi32>
          %sub3A_522 = arith.subi %get3A_520, %sub3A_521 : vector<16xi32>
          %bitcast3A_523 = vector.bitcast %sub3A_522 : vector<16xi32> to vector<16xi32>
          %lt3A_524 = arith.constant 1179648 : i32
          %lt3A_525 = vector.broadcast %lt3A_524 : i32 to vector<16xi32>
          %lt3A_526 = arith.cmpi ult, %bitcast3A_523, %lt3A_525 : vector<16xi32>
          %get3A_527 = arith.index_cast %add3A_518 : i32 to index
          %get3A_528 = tpu.vector_load %arg9[%get3A_527] {strides = array<i32>} : memref<4096xf32, #tpu.memory_space<vmem>>, vector<16xf32>,
          %masked_cumsum3A_529 = tpu.scan <sum>, %broadcast_in_dim3A_2 masked %lt3A_526 : vector<16xi32>, vector<16xi1> -> vector<16xi32>
          %all_reduce_population_count3A_530 = tpu.all_reduce %lt3A_526 {dim = 0 : i64, kind = #tpu.reduction_kind<sum>} : vector<16xi1> -> vector<16xi32>
          %add3A_531 = arith.constant 64 : i32
          %add3A_532 = arith.addi %mul3A_478, %add3A_531 : i32
          %get3A_533 = arith.index_cast %add3A_532 : i32 to index
          %get3A_534 = tpu.vector_load %arg6[%get3A_533] {strides = array<i32>} : memref<4096xi32, #tpu.memory_space<vmem>>, vector<16xi32>,
          %sub3A_535 = vector.broadcast %mul3A_129 : i32 to vector<16xi32>
          %sub3A_536 = arith.subi %get3A_534, %sub3A_535 : vector<16xi32>
          %bitcast3A_537 = vector.bitcast %sub3A_536 : vector<16xi32> to vector<16xi32>
          %lt3A_538 = arith.constant 1179648 : i32
          %lt3A_539 = vector.broadcast %lt3A_538 : i32 to vector<16xi32>
          %lt3A_540 = arith.cmpi ult, %bitcast3A_537, %lt3A_539 : vector<16xi32>
          %get3A_541 = arith.index_cast %add3A_532 : i32 to index
          %get3A_542 = tpu.vector_load %arg9[%get3A_541] {strides = array<i32>} : memref<4096xf32, #tpu.memory_space<vmem>>, vector<16xf32>,
          %masked_cumsum3A_543 = tpu.scan <sum>, %broadcast_in_dim3A_2 masked %lt3A_540 : vector<16xi32>, vector<16xi1> -> vector<16xi32>
          %all_reduce_population_count3A_544 = tpu.all_reduce %lt3A_540 {dim = 0 : i64, kind = #tpu.reduction_kind<sum>} : vector<16xi1> -> vector<16xi32>
          %add3A_545 = arith.constant 80 : i32
          %add3A_546 = arith.addi %mul3A_478, %add3A_545 : i32
          %get3A_547 = arith.index_cast %add3A_546 : i32 to index
          %get3A_548 = tpu.vector_load %arg6[%get3A_547] {strides = array<i32>} : memref<4096xi32, #tpu.memory_space<vmem>>, vector<16xi32>,
          %sub3A_549 = vector.broadcast %mul3A_129 : i32 to vector<16xi32>
          %sub3A_550 = arith.subi %get3A_548, %sub3A_549 : vector<16xi32>
          %bitcast3A_551 = vector.bitcast %sub3A_550 : vector<16xi32> to vector<16xi32>
          %lt3A_552 = arith.constant 1179648 : i32
          %lt3A_553 = vector.broadcast %lt3A_552 : i32 to vector<16xi32>
          %lt3A_554 = arith.cmpi ult, %bitcast3A_551, %lt3A_553 : vector<16xi32>
          %get3A_555 = arith.index_cast %add3A_546 : i32 to index
          %get3A_556 = tpu.vector_load %arg9[%get3A_555] {strides = array<i32>} : memref<4096xf32, #tpu.memory_space<vmem>>, vector<16xf32>,
          %masked_cumsum3A_557 = tpu.scan <sum>, %broadcast_in_dim3A_2 masked %lt3A_554 : vector<16xi32>, vector<16xi1> -> vector<16xi32>
          %all_reduce_population_count3A_558 = tpu.all_reduce %lt3A_554 {dim = 0 : i64, kind = #tpu.reduction_kind<sum>} : vector<16xi1> -> vector<16xi32>
          %add3A_559 = arith.constant 96 : i32
          %add3A_560 = arith.addi %mul3A_478, %add3A_559 : i32
          %get3A_561 = arith.index_cast %add3A_560 : i32 to index
          %get3A_562 = tpu.vector_load %arg6[%get3A_561] {strides = array<i32>} : memref<4096xi32, #tpu.memory_space<vmem>>, vector<16xi32>,
          %sub3A_563 = vector.broadcast %mul3A_129 : i32 to vector<16xi32>
          %sub3A_564 = arith.subi %get3A_562, %sub3A_563 : vector<16xi32>
          %bitcast3A_565 = vector.bitcast %sub3A_564 : vector<16xi32> to vector<16xi32>
          %lt3A_566 = arith.constant 1179648 : i32
          %lt3A_567 = vector.broadcast %lt3A_566 : i32 to vector<16xi32>
          %lt3A_568 = arith.cmpi ult, %bitcast3A_565, %lt3A_567 : vector<16xi32>
          %get3A_569 = arith.index_cast %add3A_560 : i32 to index
          %get3A_570 = tpu.vector_load %arg9[%get3A_569] {strides = array<i32>} : memref<4096xf32, #tpu.memory_space<vmem>>, vector<16xf32>,
          %masked_cumsum3A_571 = tpu.scan <sum>, %broadcast_in_dim3A_2 masked %lt3A_568 : vector<16xi32>, vector<16xi1> -> vector<16xi32>
          %all_reduce_population_count3A_572 = tpu.all_reduce %lt3A_568 {dim = 0 : i64, kind = #tpu.reduction_kind<sum>} : vector<16xi1> -> vector<16xi32>
          %add3A_573 = arith.constant 112 : i32
          %add3A_574 = arith.addi %mul3A_478, %add3A_573 : i32
          %get3A_575 = arith.index_cast %add3A_574 : i32 to index
          %get3A_576 = tpu.vector_load %arg6[%get3A_575] {strides = array<i32>} : memref<4096xi32, #tpu.memory_space<vmem>>, vector<16xi32>,
          %sub3A_577 = vector.broadcast %mul3A_129 : i32 to vector<16xi32>
          %sub3A_578 = arith.subi %get3A_576, %sub3A_577 : vector<16xi32>
          %bitcast3A_579 = vector.bitcast %sub3A_578 : vector<16xi32> to vector<16xi32>
          %lt3A_580 = arith.constant 1179648 : i32
          %lt3A_581 = vector.broadcast %lt3A_580 : i32 to vector<16xi32>
          %lt3A_582 = arith.cmpi ult, %bitcast3A_579, %lt3A_581 : vector<16xi32>
          %get3A_583 = arith.index_cast %add3A_574 : i32 to index
          %get3A_584 = tpu.vector_load %arg9[%get3A_583] {strides = array<i32>} : memref<4096xf32, #tpu.memory_space<vmem>>, vector<16xf32>,
          %masked_cumsum3A_585 = tpu.scan <sum>, %broadcast_in_dim3A_2 masked %lt3A_582 : vector<16xi32>, vector<16xi1> -> vector<16xi32>
          %all_reduce_population_count3A_586 = tpu.all_reduce %lt3A_582 {dim = 0 : i64, kind = #tpu.reduction_kind<sum>} : vector<16xi1> -> vector<16xi32>
          %add3A_587 = arith.addi %scan3A_476, %all_reduce_population_count3A : vector<16xi32>
          %add3A_588 = arith.addi %add3A_587, %all_reduce_population_count3A_502 : vector<16xi32>
          %add3A_589 = arith.addi %add3A_588, %all_reduce_population_count3A_516 : vector<16xi32>
          %add3A_590 = arith.addi %add3A_589, %all_reduce_population_count3A_530 : vector<16xi32>
          %add3A_591 = arith.addi %add3A_590, %all_reduce_population_count3A_544 : vector<16xi32>
          %add3A_592 = arith.addi %add3A_591, %all_reduce_population_count3A_558 : vector<16xi32>
          %add3A_593 = arith.addi %add3A_592, %all_reduce_population_count3A_572 : vector<16xi32>
          %add3A_594 = arith.addi %add3A_593, %all_reduce_population_count3A_586 : vector<16xi32>
          %add3A_595 = arith.addi %scan3A_476, %masked_cumsum3A : vector<16xi32>
          %sub3A_596 = arith.subi %add3A_595, %broadcast_in_dim3A_2 : vector<16xi32>
          tpu.vector_store_idx %arg11[%sub3A_596], %sub3A_483 masked %lt3A_486 : memref<11264xi32, #tpu.memory_space<vmem>>[vector<16xi32>], vector<16xi32>, vector<16xi1>
          tpu.vector_store_idx %arg12[%sub3A_596], %get3A_488 masked %lt3A_486 : memref<11264xf32, #tpu.memory_space<vmem>>[vector<16xi32>], vector<16xf32>, vector<16xi1>
          %add3A_597 = arith.addi %add3A_587, %masked_cumsum3A_501 : vector<16xi32>
          %sub3A_598 = arith.subi %add3A_597, %broadcast_in_dim3A_2 : vector<16xi32>
          tpu.vector_store_idx %arg11[%sub3A_598], %sub3A_494 masked %lt3A_498 : memref<11264xi32, #tpu.memory_space<vmem>>[vector<16xi32>], vector<16xi32>, vector<16xi1>
          tpu.vector_store_idx %arg12[%sub3A_598], %get3A_500 masked %lt3A_498 : memref<11264xf32, #tpu.memory_space<vmem>>[vector<16xi32>], vector<16xf32>, vector<16xi1>
          %add3A_599 = arith.addi %add3A_588, %masked_cumsum3A_515 : vector<16xi32>
          %sub3A_600 = arith.subi %add3A_599, %broadcast_in_dim3A_2 : vector<16xi32>
          tpu.vector_store_idx %arg11[%sub3A_600], %sub3A_508 masked %lt3A_512 : memref<11264xi32, #tpu.memory_space<vmem>>[vector<16xi32>], vector<16xi32>, vector<16xi1>
          tpu.vector_store_idx %arg12[%sub3A_600], %get3A_514 masked %lt3A_512 : memref<11264xf32, #tpu.memory_space<vmem>>[vector<16xi32>], vector<16xf32>, vector<16xi1>
          %add3A_601 = arith.addi %add3A_589, %masked_cumsum3A_529 : vector<16xi32>
          %sub3A_602 = arith.subi %add3A_601, %broadcast_in_dim3A_2 : vector<16xi32>
          tpu.vector_store_idx %arg11[%sub3A_602], %sub3A_522 masked %lt3A_526 : memref<11264xi32, #tpu.memory_space<vmem>>[vector<16xi32>], vector<16xi32>, vector<16xi1>
          tpu.vector_store_idx %arg12[%sub3A_602], %get3A_528 masked %lt3A_526 : memref<11264xf32, #tpu.memory_space<vmem>>[vector<16xi32>], vector<16xf32>, vector<16xi1>
          %add3A_603 = arith.addi %add3A_590, %masked_cumsum3A_543 : vector<16xi32>
          %sub3A_604 = arith.subi %add3A_603, %broadcast_in_dim3A_2 : vector<16xi32>
          tpu.vector_store_idx %arg11[%sub3A_604], %sub3A_536 masked %lt3A_540 : memref<11264xi32, #tpu.memory_space<vmem>>[vector<16xi32>], vector<16xi32>, vector<16xi1>
          tpu.vector_store_idx %arg12[%sub3A_604], %get3A_542 masked %lt3A_540 : memref<11264xf32, #tpu.memory_space<vmem>>[vector<16xi32>], vector<16xf32>, vector<16xi1>
          %add3A_605 = arith.addi %add3A_591, %masked_cumsum3A_557 : vector<16xi32>
          %sub3A_606 = arith.subi %add3A_605, %broadcast_in_dim3A_2 : vector<16xi32>
          tpu.vector_store_idx %arg11[%sub3A_606], %sub3A_550 masked %lt3A_554 : memref<11264xi32, #tpu.memory_space<vmem>>[vector<16xi32>], vector<16xi32>, vector<16xi1>
          tpu.vector_store_idx %arg12[%sub3A_606], %get3A_556 masked %lt3A_554 : memref<11264xf32, #tpu.memory_space<vmem>>[vector<16xi32>], vector<16xf32>, vector<16xi1>
          %add3A_607 = arith.addi %add3A_592, %masked_cumsum3A_571 : vector<16xi32>
          %sub3A_608 = arith.subi %add3A_607, %broadcast_in_dim3A_2 : vector<16xi32>
          tpu.vector_store_idx %arg11[%sub3A_608], %sub3A_564 masked %lt3A_568 : memref<11264xi32, #tpu.memory_space<vmem>>[vector<16xi32>], vector<16xi32>, vector<16xi1>
          tpu.vector_store_idx %arg12[%sub3A_608], %get3A_570 masked %lt3A_568 : memref<11264xf32, #tpu.memory_space<vmem>>[vector<16xi32>], vector<16xf32>, vector<16xi1>
          %add3A_609 = arith.addi %add3A_593, %masked_cumsum3A_585 : vector<16xi32>
          %sub3A_610 = arith.subi %add3A_609, %broadcast_in_dim3A_2 : vector<16xi32>
          tpu.vector_store_idx %arg11[%sub3A_610], %sub3A_578 masked %lt3A_582 : memref<11264xi32, #tpu.memory_space<vmem>>[vector<16xi32>], vector<16xi32>, vector<16xi1>
          tpu.vector_store_idx %arg12[%sub3A_610], %get3A_584 masked %lt3A_582 : memref<11264xf32, #tpu.memory_space<vmem>>[vector<16xi32>], vector<16xf32>, vector<16xi1>
          scf.yield %add3A_594 : vector<16xi32>
        }
        %scan3A_428 = arith.constant 32 : i32
        %slice3A_429 = vector.extract_strided_slice %scan3A_427 {offsets = [0], sizes = [1], strides = [1]} : vector<16xi32> to vector<1xi32>
        %squeeze3A_430 = vector.extract %slice3A_429[0] : i32 from vector<1xi32>
        %gt3A_431 = arith.constant 7168 : i32
        %gt3A_432 = arith.cmpi sgt, %squeeze3A_430, %gt3A_431 : i32
        %convert_element_type3A_433 = arith.extui %gt3A_432 : i1 to i32
        %cond3A_434 = arith.constant 0 : i32
        %cond3A_435 = arith.cmpi ne, %convert_element_type3A_433, %cond3A_434 : i32
        %cond3A_436 = scf.if %cond3A_435 -> (vector<16xi32>) {
          "tpu.region"() ({
            %run_scoped3A = tpu.sem_alloc : memref<!tpu.dma_semaphore, #tpu.memory_space<semaphore_mem>>
            %dma_start3A_483 = arith.constant 0 : i32
            %dma_start3A_484 = tpu.memref_slice %arg13[%dma_start3A_483] : memref<1181696xf32, #tpu.memory_space<vmem_shared>> -> memref<1181696xf32, #tpu.memory_space<vmem_shared>>
            tpu.enqueue_indirect_dma source(%arg12 : memref<11264xf32, #tpu.memory_space<vmem>>) target(%dma_start3A_484 : memref<1181696xf32, #tpu.memory_space<vmem_shared>>) offsets(%arg11 : memref<11264xi32, #tpu.memory_space<vmem>>) semaphore(%run_scoped3A : memref<!tpu.dma_semaphore, #tpu.memory_space<semaphore_mem>>) {add = true}
            %dma_wait3A_485 = arith.constant 0 : i32
            %dma_wait3A_486 = tpu.memref_slice %arg13[%dma_wait3A_485] : memref<1181696xf32, #tpu.memory_space<vmem_shared>> -> memref<1181696xf32, #tpu.memory_space<vmem_shared>>
            tpu.wait_indirect_dma semaphore(%run_scoped3A : memref<!tpu.dma_semaphore, #tpu.memory_space<semaphore_mem>>) src(%arg12 : memref<11264xf32, #tpu.memory_space<vmem>>) dst(%dma_wait3A_486 : memref<1181696xf32, #tpu.memory_space<vmem_shared>>)
            tpu.yield
          }) : () -> ()
          %scan3A_475 = arith.constant 0 : i32
          %scan3A_476 = arith.constant 0 : i32
          %scan3A_477 = arith.constant 704 : i32
          %scan3A_478 = arith.addi %scan3A_476, %scan3A_477 : i32
          %scan3A_479 = arith.constant 1 : i32
          scf.for %scan3A_483 = %scan3A_476 to %scan3A_478 step %scan3A_479  : i32 {
            %mul3A_484 = arith.constant 16 : i32
            %mul3A_485 = arith.muli %scan3A_483, %mul3A_484 : i32
            %swap3A = arith.index_cast %mul3A_485 : i32 to index
            %swap3A_486 = tpu.vector_load %arg12[%swap3A] {strides = array<i32>} : memref<11264xf32, #tpu.memory_space<vmem>>, vector<16xf32>,
            tpu.vector_store %arg12[%swap3A], %broadcast_in_dim3A_0 {strides = array<i32>} : memref<11264xf32, #tpu.memory_space<vmem>>, vector<16xf32>,
          }
          %scan3A_480 = arith.constant 704 : i32
          %broadcast_in_dim3A_481 = arith.constant 0 : i32
          %broadcast_in_dim3A_482 = vector.broadcast %broadcast_in_dim3A_481 : i32 to vector<16xi32>
          scf.yield %broadcast_in_dim3A_482 : vector<16xi32>
        } else {
          scf.yield %scan3A_427 : vector<16xi32>
        }
        %add3A_437 = arith.constant 2 : i32
        %add3A_438 = arith.addi %mul3A_363, %add3A_437 : i32
        %dma_wait3A_439 = arith.constant 0 : i32
        %dma_wait3A_440 = tpu.memref_slice %arg3[%dma_wait3A_439] : memref<14155776xi32, #tpu.memory_space<hbm>> -> memref<4096xi32, #tpu.memory_space<hbm>>
        %dma_wait3A_441 = arith.constant 0 : i32
        %dma_wait3A_442 = tpu.memref_slice %arg3[%dma_wait3A_441] : memref<14155776xi32, #tpu.memory_space<hbm>> -> memref<4096xi32, #tpu.memory_space<hbm>>
        tpu.wait_dma2 semaphore(%arg16 : memref<!tpu.dma_semaphore, #tpu.memory_space<semaphore_mem>>) src(%dma_wait3A_442 : memref<4096xi32, #tpu.memory_space<hbm>>) dst(%arg7 : memref<4096xi32, #tpu.memory_space<vmem>>)
        %dma_wait3A_443 = arith.constant 0 : i32
        %dma_wait3A_444 = tpu.memref_slice %arg2[%dma_wait3A_443] : memref<14155776xf32, #tpu.memory_space<hbm>> -> memref<4096xf32, #tpu.memory_space<hbm>>
        %dma_wait3A_445 = arith.constant 0 : i32
        %dma_wait3A_446 = tpu.memref_slice %arg2[%dma_wait3A_445] : memref<14155776xf32, #tpu.memory_space<hbm>> -> memref<4096xf32, #tpu.memory_space<hbm>>
        tpu.wait_dma2 semaphore(%arg16 : memref<!tpu.dma_semaphore, #tpu.memory_space<semaphore_mem>>) src(%dma_wait3A_446 : memref<4096xf32, #tpu.memory_space<hbm>>) dst(%arg10 : memref<4096xf32, #tpu.memory_space<vmem>>)
        %add3A_447 = arith.constant 2 : i32
        %add3A_448 = arith.addi %add3A_438, %add3A_447 : i32
        %lt3A_449 = arith.constant 54 : i32
        %lt3A_450 = arith.cmpi slt, %add3A_448, %lt3A_449 : i32
        %convert_element_type3A_451 = arith.extui %lt3A_450 : i1 to i32
        %cond3A_452 = arith.constant 0 : i32
        %cond3A_453 = arith.cmpi ne, %convert_element_type3A_451, %cond3A_452 : i32
        scf.if %cond3A_453 {
          %add3A_475 = arith.constant 2 : i32
          %add3A_476 = arith.addi %add3A_438, %add3A_475 : i32
          %mul3A_477 = arith.constant 4096 : i32
          %mul3A_478 = arith.muli %add3A_476, %mul3A_477 : i32
          %add3A_479 = arith.addi %add3A_134, %mul3A_478 : i32
          %dma_start3A_480 = tpu.memref_slice %arg3[%add3A_479] : memref<14155776xi32, #tpu.memory_space<hbm>> -> memref<4096xi32, #tpu.memory_space<hbm>>
          %dma_start3A_481 = tpu.memref_slice %arg3[%add3A_479] : memref<14155776xi32, #tpu.memory_space<hbm>> -> memref<4096xi32, #tpu.memory_space<hbm>>
          tpu.enqueue_dma source(%dma_start3A_481 : memref<4096xi32, #tpu.memory_space<hbm>>) target(%arg6 : memref<4096xi32, #tpu.memory_space<vmem>>) target_semaphore(%arg15 : memref<!tpu.dma_semaphore, #tpu.memory_space<semaphore_mem>>)
          %dma_start3A_482 = tpu.memref_slice %arg2[%add3A_479] : memref<14155776xf32, #tpu.memory_space<hbm>> -> memref<4096xf32, #tpu.memory_space<hbm>>
          %dma_start3A_483 = tpu.memref_slice %arg2[%add3A_479] : memref<14155776xf32, #tpu.memory_space<hbm>> -> memref<4096xf32, #tpu.memory_space<hbm>>
          tpu.enqueue_dma source(%dma_start3A_483 : memref<4096xf32, #tpu.memory_space<hbm>>) target(%arg9 : memref<4096xf32, #tpu.memory_space<vmem>>) target_semaphore(%arg15 : memref<!tpu.dma_semaphore, #tpu.memory_space<semaphore_mem>>)
        } else {
        }
        %add3A_454 = arith.constant 2 : i32
        %add3A_455 = arith.addi %add3A_438, %add3A_454 : i32
        %ge3A_456 = arith.constant 54 : i32
        %ge3A_457 = arith.cmpi sge, %add3A_455, %ge3A_456 : i32
        %convert_element_type3A_458 = arith.extui %ge3A_457 : i1 to i32
        %cond3A_459 = arith.constant 0 : i32
        %cond3A_460 = arith.cmpi ne, %convert_element_type3A_458, %cond3A_459 : i32
        scf.if %cond3A_460 {
          %add3A_475 = arith.constant 2 : i32
          %add3A_476 = arith.addi %add3A_438, %add3A_475 : i32
          %sub3A_477 = arith.constant 54 : i32
          %sub3A_478 = arith.subi %add3A_476, %sub3A_477 : i32
          %mul3A_479 = arith.constant 4096 : i32
          %mul3A_480 = arith.muli %sub3A_478, %mul3A_479 : i32
          %add3A_481 = arith.addi %add3A_184, %mul3A_480 : i32
          %dma_start3A_482 = tpu.memref_slice %arg3[%add3A_481] : memref<14155776xi32, #tpu.memory_space<hbm>> -> memref<4096xi32, #tpu.memory_space<hbm>>
          %dma_start3A_483 = tpu.memref_slice %arg3[%add3A_481] : memref<14155776xi32, #tpu.memory_space<hbm>> -> memref<4096xi32, #tpu.memory_space<hbm>>
          tpu.enqueue_dma source(%dma_start3A_483 : memref<4096xi32, #tpu.memory_space<hbm>>) target(%arg6 : memref<4096xi32, #tpu.memory_space<vmem>>) target_semaphore(%arg15 : memref<!tpu.dma_semaphore, #tpu.memory_space<semaphore_mem>>)
          %dma_start3A_484 = tpu.memref_slice %arg2[%add3A_481] : memref<14155776xf32, #tpu.memory_space<hbm>> -> memref<4096xf32, #tpu.memory_space<hbm>>
          %dma_start3A_485 = tpu.memref_slice %arg2[%add3A_481] : memref<14155776xf32, #tpu.memory_space<hbm>> -> memref<4096xf32, #tpu.memory_space<hbm>>
          tpu.enqueue_dma source(%dma_start3A_485 : memref<4096xf32, #tpu.memory_space<hbm>>) target(%arg9 : memref<4096xf32, #tpu.memory_space<vmem>>) target_semaphore(%arg15 : memref<!tpu.dma_semaphore, #tpu.memory_space<semaphore_mem>>)
        } else {
        }
        %scan3A_461 = arith.constant 0 : i32
        %scan3A_462 = arith.constant 32 : i32
        %scan3A_463 = arith.addi %scan3A_461, %scan3A_462 : i32
        %scan3A_464 = arith.constant 1 : i32
        %scan3A_465 = scf.for %scan3A_475 = %scan3A_461 to %scan3A_463 step %scan3A_464 iter_args(%scan3A_476 = %cond3A_436) -> (vector<16xi32>)  : i32 {
          %mul3A_477 = arith.constant 128 : i32
          %mul3A_478 = arith.muli %scan3A_475, %mul3A_477 : i32
          %add3A_479 = arith.constant 0 : i32
          %add3A_480 = arith.addi %mul3A_478, %add3A_479 : i32
          %get3A = arith.index_cast %add3A_480 : i32 to index
          %get3A_481 = tpu.vector_load %arg7[%get3A] {strides = array<i32>} : memref<4096xi32, #tpu.memory_space<vmem>>, vector<16xi32>,
          %sub3A_482 = vector.broadcast %mul3A_129 : i32 to vector<16xi32>
          %sub3A_483 = arith.subi %get3A_481, %sub3A_482 : vector<16xi32>
          %bitcast3A = vector.bitcast %sub3A_483 : vector<16xi32> to vector<16xi32>
          %lt3A_484 = arith.constant 1179648 : i32
          %lt3A_485 = vector.broadcast %lt3A_484 : i32 to vector<16xi32>
          %lt3A_486 = arith.cmpi ult, %bitcast3A, %lt3A_485 : vector<16xi32>
          %get3A_487 = arith.index_cast %add3A_480 : i32 to index
          %get3A_488 = tpu.vector_load %arg10[%get3A_487] {strides = array<i32>} : memref<4096xf32, #tpu.memory_space<vmem>>, vector<16xf32>,
          %masked_cumsum3A = tpu.scan <sum>, %broadcast_in_dim3A_2 masked %lt3A_486 : vector<16xi32>, vector<16xi1> -> vector<16xi32>
          %all_reduce_population_count3A = tpu.all_reduce %lt3A_486 {dim = 0 : i64, kind = #tpu.reduction_kind<sum>} : vector<16xi1> -> vector<16xi32>
          %add3A_489 = arith.constant 16 : i32
          %add3A_490 = arith.addi %mul3A_478, %add3A_489 : i32
          %get3A_491 = arith.index_cast %add3A_490 : i32 to index
          %get3A_492 = tpu.vector_load %arg7[%get3A_491] {strides = array<i32>} : memref<4096xi32, #tpu.memory_space<vmem>>, vector<16xi32>,
          %sub3A_493 = vector.broadcast %mul3A_129 : i32 to vector<16xi32>
          %sub3A_494 = arith.subi %get3A_492, %sub3A_493 : vector<16xi32>
          %bitcast3A_495 = vector.bitcast %sub3A_494 : vector<16xi32> to vector<16xi32>
          %lt3A_496 = arith.constant 1179648 : i32
          %lt3A_497 = vector.broadcast %lt3A_496 : i32 to vector<16xi32>
          %lt3A_498 = arith.cmpi ult, %bitcast3A_495, %lt3A_497 : vector<16xi32>
          %get3A_499 = arith.index_cast %add3A_490 : i32 to index
          %get3A_500 = tpu.vector_load %arg10[%get3A_499] {strides = array<i32>} : memref<4096xf32, #tpu.memory_space<vmem>>, vector<16xf32>,
          %masked_cumsum3A_501 = tpu.scan <sum>, %broadcast_in_dim3A_2 masked %lt3A_498 : vector<16xi32>, vector<16xi1> -> vector<16xi32>
          %all_reduce_population_count3A_502 = tpu.all_reduce %lt3A_498 {dim = 0 : i64, kind = #tpu.reduction_kind<sum>} : vector<16xi1> -> vector<16xi32>
          %add3A_503 = arith.constant 32 : i32
          %add3A_504 = arith.addi %mul3A_478, %add3A_503 : i32
          %get3A_505 = arith.index_cast %add3A_504 : i32 to index
          %get3A_506 = tpu.vector_load %arg7[%get3A_505] {strides = array<i32>} : memref<4096xi32, #tpu.memory_space<vmem>>, vector<16xi32>,
          %sub3A_507 = vector.broadcast %mul3A_129 : i32 to vector<16xi32>
          %sub3A_508 = arith.subi %get3A_506, %sub3A_507 : vector<16xi32>
          %bitcast3A_509 = vector.bitcast %sub3A_508 : vector<16xi32> to vector<16xi32>
          %lt3A_510 = arith.constant 1179648 : i32
          %lt3A_511 = vector.broadcast %lt3A_510 : i32 to vector<16xi32>
          %lt3A_512 = arith.cmpi ult, %bitcast3A_509, %lt3A_511 : vector<16xi32>
          %get3A_513 = arith.index_cast %add3A_504 : i32 to index
          %get3A_514 = tpu.vector_load %arg10[%get3A_513] {strides = array<i32>} : memref<4096xf32, #tpu.memory_space<vmem>>, vector<16xf32>,
          %masked_cumsum3A_515 = tpu.scan <sum>, %broadcast_in_dim3A_2 masked %lt3A_512 : vector<16xi32>, vector<16xi1> -> vector<16xi32>
          %all_reduce_population_count3A_516 = tpu.all_reduce %lt3A_512 {dim = 0 : i64, kind = #tpu.reduction_kind<sum>} : vector<16xi1> -> vector<16xi32>
          %add3A_517 = arith.constant 48 : i32
          %add3A_518 = arith.addi %mul3A_478, %add3A_517 : i32
          %get3A_519 = arith.index_cast %add3A_518 : i32 to index
          %get3A_520 = tpu.vector_load %arg7[%get3A_519] {strides = array<i32>} : memref<4096xi32, #tpu.memory_space<vmem>>, vector<16xi32>,
          %sub3A_521 = vector.broadcast %mul3A_129 : i32 to vector<16xi32>
          %sub3A_522 = arith.subi %get3A_520, %sub3A_521 : vector<16xi32>
          %bitcast3A_523 = vector.bitcast %sub3A_522 : vector<16xi32> to vector<16xi32>
          %lt3A_524 = arith.constant 1179648 : i32
          %lt3A_525 = vector.broadcast %lt3A_524 : i32 to vector<16xi32>
          %lt3A_526 = arith.cmpi ult, %bitcast3A_523, %lt3A_525 : vector<16xi32>
          %get3A_527 = arith.index_cast %add3A_518 : i32 to index
          %get3A_528 = tpu.vector_load %arg10[%get3A_527] {strides = array<i32>} : memref<4096xf32, #tpu.memory_space<vmem>>, vector<16xf32>,
          %masked_cumsum3A_529 = tpu.scan <sum>, %broadcast_in_dim3A_2 masked %lt3A_526 : vector<16xi32>, vector<16xi1> -> vector<16xi32>
          %all_reduce_population_count3A_530 = tpu.all_reduce %lt3A_526 {dim = 0 : i64, kind = #tpu.reduction_kind<sum>} : vector<16xi1> -> vector<16xi32>
          %add3A_531 = arith.constant 64 : i32
          %add3A_532 = arith.addi %mul3A_478, %add3A_531 : i32
          %get3A_533 = arith.index_cast %add3A_532 : i32 to index
          %get3A_534 = tpu.vector_load %arg7[%get3A_533] {strides = array<i32>} : memref<4096xi32, #tpu.memory_space<vmem>>, vector<16xi32>,
          %sub3A_535 = vector.broadcast %mul3A_129 : i32 to vector<16xi32>
          %sub3A_536 = arith.subi %get3A_534, %sub3A_535 : vector<16xi32>
          %bitcast3A_537 = vector.bitcast %sub3A_536 : vector<16xi32> to vector<16xi32>
          %lt3A_538 = arith.constant 1179648 : i32
          %lt3A_539 = vector.broadcast %lt3A_538 : i32 to vector<16xi32>
          %lt3A_540 = arith.cmpi ult, %bitcast3A_537, %lt3A_539 : vector<16xi32>
          %get3A_541 = arith.index_cast %add3A_532 : i32 to index
          %get3A_542 = tpu.vector_load %arg10[%get3A_541] {strides = array<i32>} : memref<4096xf32, #tpu.memory_space<vmem>>, vector<16xf32>,
          %masked_cumsum3A_543 = tpu.scan <sum>, %broadcast_in_dim3A_2 masked %lt3A_540 : vector<16xi32>, vector<16xi1> -> vector<16xi32>
          %all_reduce_population_count3A_544 = tpu.all_reduce %lt3A_540 {dim = 0 : i64, kind = #tpu.reduction_kind<sum>} : vector<16xi1> -> vector<16xi32>
          %add3A_545 = arith.constant 80 : i32
          %add3A_546 = arith.addi %mul3A_478, %add3A_545 : i32
          %get3A_547 = arith.index_cast %add3A_546 : i32 to index
          %get3A_548 = tpu.vector_load %arg7[%get3A_547] {strides = array<i32>} : memref<4096xi32, #tpu.memory_space<vmem>>, vector<16xi32>,
          %sub3A_549 = vector.broadcast %mul3A_129 : i32 to vector<16xi32>
          %sub3A_550 = arith.subi %get3A_548, %sub3A_549 : vector<16xi32>
          %bitcast3A_551 = vector.bitcast %sub3A_550 : vector<16xi32> to vector<16xi32>
          %lt3A_552 = arith.constant 1179648 : i32
          %lt3A_553 = vector.broadcast %lt3A_552 : i32 to vector<16xi32>
          %lt3A_554 = arith.cmpi ult, %bitcast3A_551, %lt3A_553 : vector<16xi32>
          %get3A_555 = arith.index_cast %add3A_546 : i32 to index
          %get3A_556 = tpu.vector_load %arg10[%get3A_555] {strides = array<i32>} : memref<4096xf32, #tpu.memory_space<vmem>>, vector<16xf32>,
          %masked_cumsum3A_557 = tpu.scan <sum>, %broadcast_in_dim3A_2 masked %lt3A_554 : vector<16xi32>, vector<16xi1> -> vector<16xi32>
          %all_reduce_population_count3A_558 = tpu.all_reduce %lt3A_554 {dim = 0 : i64, kind = #tpu.reduction_kind<sum>} : vector<16xi1> -> vector<16xi32>
          %add3A_559 = arith.constant 96 : i32
          %add3A_560 = arith.addi %mul3A_478, %add3A_559 : i32
          %get3A_561 = arith.index_cast %add3A_560 : i32 to index
          %get3A_562 = tpu.vector_load %arg7[%get3A_561] {strides = array<i32>} : memref<4096xi32, #tpu.memory_space<vmem>>, vector<16xi32>,
          %sub3A_563 = vector.broadcast %mul3A_129 : i32 to vector<16xi32>
          %sub3A_564 = arith.subi %get3A_562, %sub3A_563 : vector<16xi32>
          %bitcast3A_565 = vector.bitcast %sub3A_564 : vector<16xi32> to vector<16xi32>
          %lt3A_566 = arith.constant 1179648 : i32
          %lt3A_567 = vector.broadcast %lt3A_566 : i32 to vector<16xi32>
          %lt3A_568 = arith.cmpi ult, %bitcast3A_565, %lt3A_567 : vector<16xi32>
          %get3A_569 = arith.index_cast %add3A_560 : i32 to index
          %get3A_570 = tpu.vector_load %arg10[%get3A_569] {strides = array<i32>} : memref<4096xf32, #tpu.memory_space<vmem>>, vector<16xf32>,
          %masked_cumsum3A_571 = tpu.scan <sum>, %broadcast_in_dim3A_2 masked %lt3A_568 : vector<16xi32>, vector<16xi1> -> vector<16xi32>
          %all_reduce_population_count3A_572 = tpu.all_reduce %lt3A_568 {dim = 0 : i64, kind = #tpu.reduction_kind<sum>} : vector<16xi1> -> vector<16xi32>
          %add3A_573 = arith.constant 112 : i32
          %add3A_574 = arith.addi %mul3A_478, %add3A_573 : i32
          %get3A_575 = arith.index_cast %add3A_574 : i32 to index
          %get3A_576 = tpu.vector_load %arg7[%get3A_575] {strides = array<i32>} : memref<4096xi32, #tpu.memory_space<vmem>>, vector<16xi32>,
          %sub3A_577 = vector.broadcast %mul3A_129 : i32 to vector<16xi32>
          %sub3A_578 = arith.subi %get3A_576, %sub3A_577 : vector<16xi32>
          %bitcast3A_579 = vector.bitcast %sub3A_578 : vector<16xi32> to vector<16xi32>
          %lt3A_580 = arith.constant 1179648 : i32
          %lt3A_581 = vector.broadcast %lt3A_580 : i32 to vector<16xi32>
          %lt3A_582 = arith.cmpi ult, %bitcast3A_579, %lt3A_581 : vector<16xi32>
          %get3A_583 = arith.index_cast %add3A_574 : i32 to index
          %get3A_584 = tpu.vector_load %arg10[%get3A_583] {strides = array<i32>} : memref<4096xf32, #tpu.memory_space<vmem>>, vector<16xf32>,
          %masked_cumsum3A_585 = tpu.scan <sum>, %broadcast_in_dim3A_2 masked %lt3A_582 : vector<16xi32>, vector<16xi1> -> vector<16xi32>
          %all_reduce_population_count3A_586 = tpu.all_reduce %lt3A_582 {dim = 0 : i64, kind = #tpu.reduction_kind<sum>} : vector<16xi1> -> vector<16xi32>
          %add3A_587 = arith.addi %scan3A_476, %all_reduce_population_count3A : vector<16xi32>
          %add3A_588 = arith.addi %add3A_587, %all_reduce_population_count3A_502 : vector<16xi32>
          %add3A_589 = arith.addi %add3A_588, %all_reduce_population_count3A_516 : vector<16xi32>
          %add3A_590 = arith.addi %add3A_589, %all_reduce_population_count3A_530 : vector<16xi32>
          %add3A_591 = arith.addi %add3A_590, %all_reduce_population_count3A_544 : vector<16xi32>
          %add3A_592 = arith.addi %add3A_591, %all_reduce_population_count3A_558 : vector<16xi32>
          %add3A_593 = arith.addi %add3A_592, %all_reduce_population_count3A_572 : vector<16xi32>
          %add3A_594 = arith.addi %add3A_593, %all_reduce_population_count3A_586 : vector<16xi32>
          %add3A_595 = arith.addi %scan3A_476, %masked_cumsum3A : vector<16xi32>
          %sub3A_596 = arith.subi %add3A_595, %broadcast_in_dim3A_2 : vector<16xi32>
          tpu.vector_store_idx %arg11[%sub3A_596], %sub3A_483 masked %lt3A_486 : memref<11264xi32, #tpu.memory_space<vmem>>[vector<16xi32>], vector<16xi32>, vector<16xi1>
          tpu.vector_store_idx %arg12[%sub3A_596], %get3A_488 masked %lt3A_486 : memref<11264xf32, #tpu.memory_space<vmem>>[vector<16xi32>], vector<16xf32>, vector<16xi1>
          %add3A_597 = arith.addi %add3A_587, %masked_cumsum3A_501 : vector<16xi32>
          %sub3A_598 = arith.subi %add3A_597, %broadcast_in_dim3A_2 : vector<16xi32>
          tpu.vector_store_idx %arg11[%sub3A_598], %sub3A_494 masked %lt3A_498 : memref<11264xi32, #tpu.memory_space<vmem>>[vector<16xi32>], vector<16xi32>, vector<16xi1>
          tpu.vector_store_idx %arg12[%sub3A_598], %get3A_500 masked %lt3A_498 : memref<11264xf32, #tpu.memory_space<vmem>>[vector<16xi32>], vector<16xf32>, vector<16xi1>
          %add3A_599 = arith.addi %add3A_588, %masked_cumsum3A_515 : vector<16xi32>
          %sub3A_600 = arith.subi %add3A_599, %broadcast_in_dim3A_2 : vector<16xi32>
          tpu.vector_store_idx %arg11[%sub3A_600], %sub3A_508 masked %lt3A_512 : memref<11264xi32, #tpu.memory_space<vmem>>[vector<16xi32>], vector<16xi32>, vector<16xi1>
          tpu.vector_store_idx %arg12[%sub3A_600], %get3A_514 masked %lt3A_512 : memref<11264xf32, #tpu.memory_space<vmem>>[vector<16xi32>], vector<16xf32>, vector<16xi1>
          %add3A_601 = arith.addi %add3A_589, %masked_cumsum3A_529 : vector<16xi32>
          %sub3A_602 = arith.subi %add3A_601, %broadcast_in_dim3A_2 : vector<16xi32>
          tpu.vector_store_idx %arg11[%sub3A_602], %sub3A_522 masked %lt3A_526 : memref<11264xi32, #tpu.memory_space<vmem>>[vector<16xi32>], vector<16xi32>, vector<16xi1>
          tpu.vector_store_idx %arg12[%sub3A_602], %get3A_528 masked %lt3A_526 : memref<11264xf32, #tpu.memory_space<vmem>>[vector<16xi32>], vector<16xf32>, vector<16xi1>
          %add3A_603 = arith.addi %add3A_590, %masked_cumsum3A_543 : vector<16xi32>
          %sub3A_604 = arith.subi %add3A_603, %broadcast_in_dim3A_2 : vector<16xi32>
          tpu.vector_store_idx %arg11[%sub3A_604], %sub3A_536 masked %lt3A_540 : memref<11264xi32, #tpu.memory_space<vmem>>[vector<16xi32>], vector<16xi32>, vector<16xi1>
          tpu.vector_store_idx %arg12[%sub3A_604], %get3A_542 masked %lt3A_540 : memref<11264xf32, #tpu.memory_space<vmem>>[vector<16xi32>], vector<16xf32>, vector<16xi1>
          %add3A_605 = arith.addi %add3A_591, %masked_cumsum3A_557 : vector<16xi32>
          %sub3A_606 = arith.subi %add3A_605, %broadcast_in_dim3A_2 : vector<16xi32>
          tpu.vector_store_idx %arg11[%sub3A_606], %sub3A_550 masked %lt3A_554 : memref<11264xi32, #tpu.memory_space<vmem>>[vector<16xi32>], vector<16xi32>, vector<16xi1>
          tpu.vector_store_idx %arg12[%sub3A_606], %get3A_556 masked %lt3A_554 : memref<11264xf32, #tpu.memory_space<vmem>>[vector<16xi32>], vector<16xf32>, vector<16xi1>
          %add3A_607 = arith.addi %add3A_592, %masked_cumsum3A_571 : vector<16xi32>
          %sub3A_608 = arith.subi %add3A_607, %broadcast_in_dim3A_2 : vector<16xi32>
          tpu.vector_store_idx %arg11[%sub3A_608], %sub3A_564 masked %lt3A_568 : memref<11264xi32, #tpu.memory_space<vmem>>[vector<16xi32>], vector<16xi32>, vector<16xi1>
          tpu.vector_store_idx %arg12[%sub3A_608], %get3A_570 masked %lt3A_568 : memref<11264xf32, #tpu.memory_space<vmem>>[vector<16xi32>], vector<16xf32>, vector<16xi1>
          %add3A_609 = arith.addi %add3A_593, %masked_cumsum3A_585 : vector<16xi32>
          %sub3A_610 = arith.subi %add3A_609, %broadcast_in_dim3A_2 : vector<16xi32>
          tpu.vector_store_idx %arg11[%sub3A_610], %sub3A_578 masked %lt3A_582 : memref<11264xi32, #tpu.memory_space<vmem>>[vector<16xi32>], vector<16xi32>, vector<16xi1>
          tpu.vector_store_idx %arg12[%sub3A_610], %get3A_584 masked %lt3A_582 : memref<11264xf32, #tpu.memory_space<vmem>>[vector<16xi32>], vector<16xf32>, vector<16xi1>
          scf.yield %add3A_594 : vector<16xi32>
        }
        %scan3A_466 = arith.constant 32 : i32
        %slice3A_467 = vector.extract_strided_slice %scan3A_465 {offsets = [0], sizes = [1], strides = [1]} : vector<16xi32> to vector<1xi32>
        %squeeze3A_468 = vector.extract %slice3A_467[0] : i32 from vector<1xi32>
        %gt3A_469 = arith.constant 7168 : i32
        %gt3A_470 = arith.cmpi sgt, %squeeze3A_468, %gt3A_469 : i32
        %convert_element_type3A_471 = arith.extui %gt3A_470 : i1 to i32
        %cond3A_472 = arith.constant 0 : i32
        %cond3A_473 = arith.cmpi ne, %convert_element_type3A_471, %cond3A_472 : i32
        %cond3A_474 = scf.if %cond3A_473 -> (vector<16xi32>) {
          "tpu.region"() ({
            %run_scoped3A = tpu.sem_alloc : memref<!tpu.dma_semaphore, #tpu.memory_space<semaphore_mem>>
            %dma_start3A_483 = arith.constant 0 : i32
            %dma_start3A_484 = tpu.memref_slice %arg13[%dma_start3A_483] : memref<1181696xf32, #tpu.memory_space<vmem_shared>> -> memref<1181696xf32, #tpu.memory_space<vmem_shared>>
            tpu.enqueue_indirect_dma source(%arg12 : memref<11264xf32, #tpu.memory_space<vmem>>) target(%dma_start3A_484 : memref<1181696xf32, #tpu.memory_space<vmem_shared>>) offsets(%arg11 : memref<11264xi32, #tpu.memory_space<vmem>>) semaphore(%run_scoped3A : memref<!tpu.dma_semaphore, #tpu.memory_space<semaphore_mem>>) {add = true}
            %dma_wait3A_485 = arith.constant 0 : i32
            %dma_wait3A_486 = tpu.memref_slice %arg13[%dma_wait3A_485] : memref<1181696xf32, #tpu.memory_space<vmem_shared>> -> memref<1181696xf32, #tpu.memory_space<vmem_shared>>
            tpu.wait_indirect_dma semaphore(%run_scoped3A : memref<!tpu.dma_semaphore, #tpu.memory_space<semaphore_mem>>) src(%arg12 : memref<11264xf32, #tpu.memory_space<vmem>>) dst(%dma_wait3A_486 : memref<1181696xf32, #tpu.memory_space<vmem_shared>>)
            tpu.yield
          }) : () -> ()
          %scan3A_475 = arith.constant 0 : i32
          %scan3A_476 = arith.constant 0 : i32
          %scan3A_477 = arith.constant 704 : i32
          %scan3A_478 = arith.addi %scan3A_476, %scan3A_477 : i32
          %scan3A_479 = arith.constant 1 : i32
          scf.for %scan3A_483 = %scan3A_476 to %scan3A_478 step %scan3A_479  : i32 {
            %mul3A_484 = arith.constant 16 : i32
            %mul3A_485 = arith.muli %scan3A_483, %mul3A_484 : i32
            %swap3A = arith.index_cast %mul3A_485 : i32 to index
            %swap3A_486 = tpu.vector_load %arg12[%swap3A] {strides = array<i32>} : memref<11264xf32, #tpu.memory_space<vmem>>, vector<16xf32>,
            tpu.vector_store %arg12[%swap3A], %broadcast_in_dim3A_0 {strides = array<i32>} : memref<11264xf32, #tpu.memory_space<vmem>>, vector<16xf32>,
          }
          %scan3A_480 = arith.constant 704 : i32
          %broadcast_in_dim3A_481 = arith.constant 0 : i32
          %broadcast_in_dim3A_482 = vector.broadcast %broadcast_in_dim3A_481 : i32 to vector<16xi32>
          scf.yield %broadcast_in_dim3A_482 : vector<16xi32>
        } else {
          scf.yield %scan3A_465 : vector<16xi32>
        }
        scf.yield %cond3A_474 : vector<16xi32>
      }
      %scan3A_290 = arith.constant 18 : i32
      "tpu.region"() ({
        %run_scoped3A = tpu.sem_alloc : memref<!tpu.dma_semaphore, #tpu.memory_space<semaphore_mem>>
        %dma_start3A_360 = arith.constant 0 : i32
        %dma_start3A_361 = tpu.memref_slice %arg13[%dma_start3A_360] : memref<1181696xf32, #tpu.memory_space<vmem_shared>> -> memref<1181696xf32, #tpu.memory_space<vmem_shared>>
        tpu.enqueue_indirect_dma source(%arg12 : memref<11264xf32, #tpu.memory_space<vmem>>) target(%dma_start3A_361 : memref<1181696xf32, #tpu.memory_space<vmem_shared>>) offsets(%arg11 : memref<11264xi32, #tpu.memory_space<vmem>>) semaphore(%run_scoped3A : memref<!tpu.dma_semaphore, #tpu.memory_space<semaphore_mem>>) {add = true}
        %dma_wait3A_362 = arith.constant 0 : i32
        %dma_wait3A_363 = tpu.memref_slice %arg13[%dma_wait3A_362] : memref<1181696xf32, #tpu.memory_space<vmem_shared>> -> memref<1181696xf32, #tpu.memory_space<vmem_shared>>
        tpu.wait_indirect_dma semaphore(%run_scoped3A : memref<!tpu.dma_semaphore, #tpu.memory_space<semaphore_mem>>) src(%arg12 : memref<11264xf32, #tpu.memory_space<vmem>>) dst(%dma_wait3A_363 : memref<1181696xf32, #tpu.memory_space<vmem_shared>>)
        tpu.yield
      }) : () -> ()
      %scan3A_291 = arith.constant 0 : i32
      %scan3A_292 = arith.constant 0 : i32
      %scan3A_293 = arith.constant 704 : i32
      %scan3A_294 = arith.addi %scan3A_292, %scan3A_293 : i32
      %scan3A_295 = arith.constant 1 : i32
      scf.for %scan3A_360 = %scan3A_292 to %scan3A_294 step %scan3A_295  : i32 {
        %mul3A_361 = arith.constant 16 : i32
        %mul3A_362 = arith.muli %scan3A_360, %mul3A_361 : i32
        %swap3A = arith.index_cast %mul3A_362 : i32 to index
        %swap3A_363 = tpu.vector_load %arg12[%swap3A] {strides = array<i32>} : memref<11264xf32, #tpu.memory_space<vmem>>, vector<16xf32>,
        tpu.vector_store %arg12[%swap3A], %broadcast_in_dim3A_0 {strides = array<i32>} : memref<11264xf32, #tpu.memory_space<vmem>>, vector<16xf32>,
      }
      %scan3A_296 = arith.constant 704 : i32
      %barrier3A_297 = arith.constant 0 : index
      tpu.barrier barrier_id(%barrier3A_297)
      %mul3A_298 = arith.constant 14155776 : i32
      %mul3A_299 = arith.muli %add3A_113, %mul3A_298 : i32
      %add3A_300 = arith.addi %mul3A_299, %mul3A_129 : i32
      %mul3A_301 = arith.constant 73728 : i32
      %mul3A_302 = arith.muli %arg1, %mul3A_301 : i32
      %add3A_303 = arith.addi %add3A_300, %mul3A_302 : i32
      %mul3A_304 = arith.constant 73728 : i32
      %mul3A_305 = arith.muli %arg1, %mul3A_304 : i32
      %add3A_306 = arith.constant 0 : i32
      %add3A_307 = arith.addi %mul3A_305, %add3A_306 : i32
      %add3A_308 = arith.constant 0 : i32
      %add3A_309 = arith.addi %add3A_303, %add3A_308 : i32
      %dma_start3A_310 = tpu.memref_slice %arg4[%add3A_309] : memref<56623104xf32, #tpu.memory_space<hbm>> -> memref<11264xf32, #tpu.memory_space<hbm>>
      %dma_start3A_311 = tpu.memref_slice %arg13[%add3A_307] : memref<1181696xf32, #tpu.memory_space<vmem_shared>> -> memref<11264xf32, #tpu.memory_space<vmem_shared>>
      tpu.enqueue_dma source(%dma_start3A_311 : memref<11264xf32, #tpu.memory_space<vmem_shared>>) target(%dma_start3A_310 : memref<11264xf32, #tpu.memory_space<hbm>>) target_semaphore(%arg18 : memref<!tpu.dma_semaphore, #tpu.memory_space<semaphore_mem>>)
      %mul3A_312 = arith.constant 73728 : i32
      %mul3A_313 = arith.muli %arg1, %mul3A_312 : i32
      %add3A_314 = arith.constant 11264 : i32
      %add3A_315 = arith.addi %mul3A_313, %add3A_314 : i32
      %add3A_316 = arith.constant 11264 : i32
      %add3A_317 = arith.addi %add3A_303, %add3A_316 : i32
      %dma_start3A_318 = tpu.memref_slice %arg4[%add3A_317] : memref<56623104xf32, #tpu.memory_space<hbm>> -> memref<11264xf32, #tpu.memory_space<hbm>>
      %dma_start3A_319 = tpu.memref_slice %arg13[%add3A_315] : memref<1181696xf32, #tpu.memory_space<vmem_shared>> -> memref<11264xf32, #tpu.memory_space<vmem_shared>>
      tpu.enqueue_dma source(%dma_start3A_319 : memref<11264xf32, #tpu.memory_space<vmem_shared>>) target(%dma_start3A_318 : memref<11264xf32, #tpu.memory_space<hbm>>) target_semaphore(%arg19 : memref<!tpu.dma_semaphore, #tpu.memory_space<semaphore_mem>>)
      %mul3A_320 = arith.constant 73728 : i32
      %mul3A_321 = arith.muli %arg1, %mul3A_320 : i32
      %add3A_322 = arith.constant 22528 : i32
      %add3A_323 = arith.addi %mul3A_321, %add3A_322 : i32
      %add3A_324 = arith.constant 22528 : i32
      %add3A_325 = arith.addi %add3A_303, %add3A_324 : i32
      %dma_start3A_326 = tpu.memref_slice %arg4[%add3A_325] : memref<56623104xf32, #tpu.memory_space<hbm>> -> memref<11264xf32, #tpu.memory_space<hbm>>
      %dma_start3A_327 = tpu.memref_slice %arg13[%add3A_323] : memref<1181696xf32, #tpu.memory_space<vmem_shared>> -> memref<11264xf32, #tpu.memory_space<vmem_shared>>
      tpu.enqueue_dma source(%dma_start3A_327 : memref<11264xf32, #tpu.memory_space<vmem_shared>>) target(%dma_start3A_326 : memref<11264xf32, #tpu.memory_space<hbm>>) target_semaphore(%arg20 : memref<!tpu.dma_semaphore, #tpu.memory_space<semaphore_mem>>)
      %mul3A_328 = arith.constant 73728 : i32
      %mul3A_329 = arith.muli %arg1, %mul3A_328 : i32
      %add3A_330 = arith.constant 33792 : i32
      %add3A_331 = arith.addi %mul3A_329, %add3A_330 : i32
      %add3A_332 = arith.constant 33792 : i32
      %add3A_333 = arith.addi %add3A_303, %add3A_332 : i32
      %dma_start3A_334 = tpu.memref_slice %arg4[%add3A_333] : memref<56623104xf32, #tpu.memory_space<hbm>> -> memref<11264xf32, #tpu.memory_space<hbm>>
      %dma_start3A_335 = tpu.memref_slice %arg13[%add3A_331] : memref<1181696xf32, #tpu.memory_space<vmem_shared>> -> memref<11264xf32, #tpu.memory_space<vmem_shared>>
      tpu.enqueue_dma source(%dma_start3A_335 : memref<11264xf32, #tpu.memory_space<vmem_shared>>) target(%dma_start3A_334 : memref<11264xf32, #tpu.memory_space<hbm>>) target_semaphore(%arg21 : memref<!tpu.dma_semaphore, #tpu.memory_space<semaphore_mem>>)
      %mul3A_336 = arith.constant 73728 : i32
      %mul3A_337 = arith.muli %arg1, %mul3A_336 : i32
      %add3A_338 = arith.constant 45056 : i32
      %add3A_339 = arith.addi %mul3A_337, %add3A_338 : i32
      %add3A_340 = arith.constant 45056 : i32
      %add3A_341 = arith.addi %add3A_303, %add3A_340 : i32
      %dma_start3A_342 = tpu.memref_slice %arg4[%add3A_341] : memref<56623104xf32, #tpu.memory_space<hbm>> -> memref<11264xf32, #tpu.memory_space<hbm>>
      %dma_start3A_343 = tpu.memref_slice %arg13[%add3A_339] : memref<1181696xf32, #tpu.memory_space<vmem_shared>> -> memref<11264xf32, #tpu.memory_space<vmem_shared>>
      tpu.enqueue_dma source(%dma_start3A_343 : memref<11264xf32, #tpu.memory_space<vmem_shared>>) target(%dma_start3A_342 : memref<11264xf32, #tpu.memory_space<hbm>>) target_semaphore(%arg22 : memref<!tpu.dma_semaphore, #tpu.memory_space<semaphore_mem>>)
      %mul3A_344 = arith.constant 73728 : i32
      %mul3A_345 = arith.muli %arg1, %mul3A_344 : i32
      %add3A_346 = arith.constant 56320 : i32
      %add3A_347 = arith.addi %mul3A_345, %add3A_346 : i32
      %add3A_348 = arith.constant 56320 : i32
      %add3A_349 = arith.addi %add3A_303, %add3A_348 : i32
      %dma_start3A_350 = tpu.memref_slice %arg4[%add3A_349] : memref<56623104xf32, #tpu.memory_space<hbm>> -> memref<11264xf32, #tpu.memory_space<hbm>>
      %dma_start3A_351 = tpu.memref_slice %arg13[%add3A_347] : memref<1181696xf32, #tpu.memory_space<vmem_shared>> -> memref<11264xf32, #tpu.memory_space<vmem_shared>>
      tpu.enqueue_dma source(%dma_start3A_351 : memref<11264xf32, #tpu.memory_space<vmem_shared>>) target(%dma_start3A_350 : memref<11264xf32, #tpu.memory_space<hbm>>) target_semaphore(%arg23 : memref<!tpu.dma_semaphore, #tpu.memory_space<semaphore_mem>>)
      %mul3A_352 = arith.constant 73728 : i32
      %mul3A_353 = arith.muli %arg1, %mul3A_352 : i32
      %add3A_354 = arith.constant 67584 : i32
      %add3A_355 = arith.addi %mul3A_353, %add3A_354 : i32
      %add3A_356 = arith.constant 67584 : i32
      %add3A_357 = arith.addi %add3A_303, %add3A_356 : i32
      %dma_start3A_358 = tpu.memref_slice %arg4[%add3A_357] : memref<56623104xf32, #tpu.memory_space<hbm>> -> memref<6144xf32, #tpu.memory_space<hbm>>
      %dma_start3A_359 = tpu.memref_slice %arg13[%add3A_355] : memref<1181696xf32, #tpu.memory_space<vmem_shared>> -> memref<6144xf32, #tpu.memory_space<vmem_shared>>
      tpu.enqueue_dma source(%dma_start3A_359 : memref<6144xf32, #tpu.memory_space<vmem_shared>>) target(%dma_start3A_358 : memref<6144xf32, #tpu.memory_space<hbm>>) target_semaphore(%arg24 : memref<!tpu.dma_semaphore, #tpu.memory_space<semaphore_mem>>)
    }
    %scan3A_29 = arith.constant 24 : i32
    %dma_wait3A = arith.constant 0 : i32
    %dma_wait3A_30 = tpu.memref_slice %arg3[%dma_wait3A] : memref<14155776xi32, #tpu.memory_space<hbm>> -> memref<4096xi32, #tpu.memory_space<hbm>>
    %dma_wait3A_31 = arith.constant 0 : i32
    %dma_wait3A_32 = tpu.memref_slice %arg3[%dma_wait3A_31] : memref<14155776xi32, #tpu.memory_space<hbm>> -> memref<4096xi32, #tpu.memory_space<hbm>>
    tpu.wait_dma2 semaphore(%arg14 : memref<!tpu.dma_semaphore, #tpu.memory_space<semaphore_mem>>) src(%dma_wait3A_32 : memref<4096xi32, #tpu.memory_space<hbm>>) dst(%arg5 : memref<4096xi32, #tpu.memory_space<vmem>>)
    %dma_wait3A_33 = arith.constant 0 : i32
    %dma_wait3A_34 = tpu.memref_slice %arg2[%dma_wait3A_33] : memref<14155776xf32, #tpu.memory_space<hbm>> -> memref<4096xf32, #tpu.memory_space<hbm>>
    %dma_wait3A_35 = arith.constant 0 : i32
    %dma_wait3A_36 = tpu.memref_slice %arg2[%dma_wait3A_35] : memref<14155776xf32, #tpu.memory_space<hbm>> -> memref<4096xf32, #tpu.memory_space<hbm>>
    tpu.wait_dma2 semaphore(%arg14 : memref<!tpu.dma_semaphore, #tpu.memory_space<semaphore_mem>>) src(%dma_wait3A_36 : memref<4096xf32, #tpu.memory_space<hbm>>) dst(%arg8 : memref<4096xf32, #tpu.memory_space<vmem>>)
    %dma_wait3A_37 = arith.constant 0 : i32
    %dma_wait3A_38 = tpu.memref_slice %arg3[%dma_wait3A_37] : memref<14155776xi32, #tpu.memory_space<hbm>> -> memref<4096xi32, #tpu.memory_space<hbm>>
    %dma_wait3A_39 = arith.constant 0 : i32
    %dma_wait3A_40 = tpu.memref_slice %arg3[%dma_wait3A_39] : memref<14155776xi32, #tpu.memory_space<hbm>> -> memref<4096xi32, #tpu.memory_space<hbm>>
    tpu.wait_dma2 semaphore(%arg15 : memref<!tpu.dma_semaphore, #tpu.memory_space<semaphore_mem>>) src(%dma_wait3A_40 : memref<4096xi32, #tpu.memory_space<hbm>>) dst(%arg6 : memref<4096xi32, #tpu.memory_space<vmem>>)
    %dma_wait3A_41 = arith.constant 0 : i32
    %dma_wait3A_42 = tpu.memref_slice %arg2[%dma_wait3A_41] : memref<14155776xf32, #tpu.memory_space<hbm>> -> memref<4096xf32, #tpu.memory_space<hbm>>
    %dma_wait3A_43 = arith.constant 0 : i32
    %dma_wait3A_44 = tpu.memref_slice %arg2[%dma_wait3A_43] : memref<14155776xf32, #tpu.memory_space<hbm>> -> memref<4096xf32, #tpu.memory_space<hbm>>
    tpu.wait_dma2 semaphore(%arg15 : memref<!tpu.dma_semaphore, #tpu.memory_space<semaphore_mem>>) src(%dma_wait3A_44 : memref<4096xf32, #tpu.memory_space<hbm>>) dst(%arg9 : memref<4096xf32, #tpu.memory_space<vmem>>)
    %mul3A_45 = arith.constant 73728 : i32
    %mul3A_46 = arith.muli %arg1, %mul3A_45 : i32
    %add3A_47 = arith.constant 0 : i32
    %add3A_48 = arith.addi %mul3A_46, %add3A_47 : i32
    %dma_wait3A_49 = arith.constant 0 : i32
    %dma_wait3A_50 = tpu.memref_slice %arg4[%dma_wait3A_49] : memref<56623104xf32, #tpu.memory_space<hbm>> -> memref<11264xf32, #tpu.memory_space<hbm>>
    %dma_wait3A_51 = tpu.memref_slice %arg13[%add3A_48] : memref<1181696xf32, #tpu.memory_space<vmem_shared>> -> memref<11264xf32, #tpu.memory_space<vmem_shared>>
    tpu.wait_dma2 semaphore(%arg18 : memref<!tpu.dma_semaphore, #tpu.memory_space<semaphore_mem>>) src(%dma_wait3A_51 : memref<11264xf32, #tpu.memory_space<vmem_shared>>) dst(%dma_wait3A_50 : memref<11264xf32, #tpu.memory_space<hbm>>)
    %mul3A_52 = arith.constant 73728 : i32
    %mul3A_53 = arith.muli %arg1, %mul3A_52 : i32
    %add3A_54 = arith.constant 11264 : i32
    %add3A_55 = arith.addi %mul3A_53, %add3A_54 : i32
    %dma_wait3A_56 = arith.constant 11264 : i32
    %dma_wait3A_57 = tpu.memref_slice %arg4[%dma_wait3A_56] : memref<56623104xf32, #tpu.memory_space<hbm>> -> memref<11264xf32, #tpu.memory_space<hbm>>
    %dma_wait3A_58 = tpu.memref_slice %arg13[%add3A_55] : memref<1181696xf32, #tpu.memory_space<vmem_shared>> -> memref<11264xf32, #tpu.memory_space<vmem_shared>>
    tpu.wait_dma2 semaphore(%arg19 : memref<!tpu.dma_semaphore, #tpu.memory_space<semaphore_mem>>) src(%dma_wait3A_58 : memref<11264xf32, #tpu.memory_space<vmem_shared>>) dst(%dma_wait3A_57 : memref<11264xf32, #tpu.memory_space<hbm>>)
    %mul3A_59 = arith.constant 73728 : i32
    %mul3A_60 = arith.muli %arg1, %mul3A_59 : i32
    %add3A_61 = arith.constant 22528 : i32
    %add3A_62 = arith.addi %mul3A_60, %add3A_61 : i32
    %dma_wait3A_63 = arith.constant 22528 : i32
    %dma_wait3A_64 = tpu.memref_slice %arg4[%dma_wait3A_63] : memref<56623104xf32, #tpu.memory_space<hbm>> -> memref<11264xf32, #tpu.memory_space<hbm>>
    %dma_wait3A_65 = tpu.memref_slice %arg13[%add3A_62] : memref<1181696xf32, #tpu.memory_space<vmem_shared>> -> memref<11264xf32, #tpu.memory_space<vmem_shared>>
    tpu.wait_dma2 semaphore(%arg20 : memref<!tpu.dma_semaphore, #tpu.memory_space<semaphore_mem>>) src(%dma_wait3A_65 : memref<11264xf32, #tpu.memory_space<vmem_shared>>) dst(%dma_wait3A_64 : memref<11264xf32, #tpu.memory_space<hbm>>)
    %mul3A_66 = arith.constant 73728 : i32
    %mul3A_67 = arith.muli %arg1, %mul3A_66 : i32
    %add3A_68 = arith.constant 33792 : i32
    %add3A_69 = arith.addi %mul3A_67, %add3A_68 : i32
    %dma_wait3A_70 = arith.constant 33792 : i32
    %dma_wait3A_71 = tpu.memref_slice %arg4[%dma_wait3A_70] : memref<56623104xf32, #tpu.memory_space<hbm>> -> memref<11264xf32, #tpu.memory_space<hbm>>
    %dma_wait3A_72 = tpu.memref_slice %arg13[%add3A_69] : memref<1181696xf32, #tpu.memory_space<vmem_shared>> -> memref<11264xf32, #tpu.memory_space<vmem_shared>>
    tpu.wait_dma2 semaphore(%arg21 : memref<!tpu.dma_semaphore, #tpu.memory_space<semaphore_mem>>) src(%dma_wait3A_72 : memref<11264xf32, #tpu.memory_space<vmem_shared>>) dst(%dma_wait3A_71 : memref<11264xf32, #tpu.memory_space<hbm>>)
    %mul3A_73 = arith.constant 73728 : i32
    %mul3A_74 = arith.muli %arg1, %mul3A_73 : i32
    %add3A_75 = arith.constant 45056 : i32
    %add3A_76 = arith.addi %mul3A_74, %add3A_75 : i32
    %dma_wait3A_77 = arith.constant 45056 : i32
    %dma_wait3A_78 = tpu.memref_slice %arg4[%dma_wait3A_77] : memref<56623104xf32, #tpu.memory_space<hbm>> -> memref<11264xf32, #tpu.memory_space<hbm>>
    %dma_wait3A_79 = tpu.memref_slice %arg13[%add3A_76] : memref<1181696xf32, #tpu.memory_space<vmem_shared>> -> memref<11264xf32, #tpu.memory_space<vmem_shared>>
    tpu.wait_dma2 semaphore(%arg22 : memref<!tpu.dma_semaphore, #tpu.memory_space<semaphore_mem>>) src(%dma_wait3A_79 : memref<11264xf32, #tpu.memory_space<vmem_shared>>) dst(%dma_wait3A_78 : memref<11264xf32, #tpu.memory_space<hbm>>)
    %mul3A_80 = arith.constant 73728 : i32
    %mul3A_81 = arith.muli %arg1, %mul3A_80 : i32
    %add3A_82 = arith.constant 56320 : i32
    %add3A_83 = arith.addi %mul3A_81, %add3A_82 : i32
    %dma_wait3A_84 = arith.constant 56320 : i32
    %dma_wait3A_85 = tpu.memref_slice %arg4[%dma_wait3A_84] : memref<56623104xf32, #tpu.memory_space<hbm>> -> memref<11264xf32, #tpu.memory_space<hbm>>
    %dma_wait3A_86 = tpu.memref_slice %arg13[%add3A_83] : memref<1181696xf32, #tpu.memory_space<vmem_shared>> -> memref<11264xf32, #tpu.memory_space<vmem_shared>>
    tpu.wait_dma2 semaphore(%arg23 : memref<!tpu.dma_semaphore, #tpu.memory_space<semaphore_mem>>) src(%dma_wait3A_86 : memref<11264xf32, #tpu.memory_space<vmem_shared>>) dst(%dma_wait3A_85 : memref<11264xf32, #tpu.memory_space<hbm>>)
    %mul3A_87 = arith.constant 73728 : i32
    %mul3A_88 = arith.muli %arg1, %mul3A_87 : i32
    %add3A_89 = arith.constant 67584 : i32
    %add3A_90 = arith.addi %mul3A_88, %add3A_89 : i32
    %dma_wait3A_91 = arith.constant 67584 : i32
    %dma_wait3A_92 = tpu.memref_slice %arg4[%dma_wait3A_91] : memref<56623104xf32, #tpu.memory_space<hbm>> -> memref<6144xf32, #tpu.memory_space<hbm>>
    %dma_wait3A_93 = tpu.memref_slice %arg13[%add3A_90] : memref<1181696xf32, #tpu.memory_space<vmem_shared>> -> memref<6144xf32, #tpu.memory_space<vmem_shared>>
    tpu.wait_dma2 semaphore(%arg24 : memref<!tpu.dma_semaphore, #tpu.memory_space<semaphore_mem>>) src(%dma_wait3A_93 : memref<6144xf32, #tpu.memory_space<vmem_shared>>) dst(%dma_wait3A_92 : memref<6144xf32, #tpu.memory_space<hbm>>)
    return
  }
}

</mosaic_0001>

<sc_bundles>
// kernel: kernel.3.cloned.1.call-start
scs
__scs_entry_jumppad:
0x0: {  	(pc) =	sbr.rel $0x88, $3  }
0x1: {  	(tag) =	ssettag $0x0;
	lr =	simm.s32 $0x1  }
0x2: {  	[smem:$0x3F9F] =	sst lr;
	_ =	strace $0xD0000000  }
0x3: {  	_ = 	snop  }
0x4: {  	_ = 	snop  }
0x5: {  	_ = 	snop  }
0x6: {  	_ = 	snop  }
0x7: {  	_ = 	snop  }
__scs_overlays_trampoline_lowered:
0x8: {  	[smem:$0x3FAE] =	sst s0  }
0x9: {  	[smem:$0x3FAF] =	sst s1  }
0xa: {  	[smem:$0x3FB0] =	sst s2  }
0xb: {  	[smem:$0x3FB1] =	sst s3  }
0xc: {  	[smem:$0x3FB2] =	sst s4  }
0xd: {  	[smem:$0x3FB3] =	sst s5  }
0xe: {  	[smem:$0x3FB4] =	sst s6  }
0xf: {  	[smem:$0x3FB5] =	sst s7  }
0x10: {  	[smem:$0x3FB6] =	sst s8  }
0x11: {  	[smem:$0x3FB7] =	sst s9;
	s0 =	simm.s32 @!p0 $0x0  }
0x12: {  	s1 =	sld [smem:$0x3F9D];
	s0 =	simm.s32 @p0 $0x1  }
0x13: {  	[smem:$0x3FB8] =	sst s0;
	s0 =	simm.s32 @!p1 $0x0  }
0x14: {  	s2 =	sld [smem:$0x3F9C];
	s0 =	simm.s32 @p1 $0x1  }
0x15: {  	[smem:$0x3FB9] =	sst s0;
	s0 =	simm.s32 @!p2 $0x0  }
0x16: {  	s3 =	sld [smem:$0x3FDB];
	s0 =	simm.s32 @p2 $0x1  }
0x17: {  	s4 =	simm.s32 $0x1BF5;
	[smem:$0x3FBB] =	sst s0  }
0x18: {  	s0 =	sld [smem:$0x3F9E];
	_ =	swait.ge [sflag:s4], $0x0  }
0x19: {  	s7 =	sld [smem:$0x3F9F]  }
0x1a: {  	s8 =	sadd.s32 $0xFFFFE003, lr  }
0x1b: {  	s9 =	sadd.s32 $0xFFFFFEF7, lr;
	s5 =	simm.s32 $0xFFFFFFFF;
	p2 =	slt.u32 s8, $0xFFFFF086  }
0x1c: {  	p1 =	slt.u32 s9, $0xF7A;
	s5 =	simm.s32 @!p2 $0x0  }
0x1d: {  	s5 =	simm.s32 @p1 $0x1;
	p0 =	seq.s32 s7, s2  }
0x1e: {  	s7 =	smul.u32 @!p0 $0xF7A, s2;
	p2 =	seq.s32 @!p0 s5, $0x0  }
0x1f: {  	s9 =	smul.u32 $0xF7A, s1;
	s8 =	simm.s32 @!p0 $0x1BF5;
	p2 =	por !p2, p0  }
0x20: {  	[sflag:s8] =	ssyncset.s32 @!p0 $0xFFFFF086;
	s6 =	sadd.s32 @!p0 s3, s7;
	s7 =	simm.s32 @!p0 $0x108  }
0x21: {  	s3 =	sadd.s32 s3, s9;
	s6 =	sadd.s32 @!p0 $0x88, s6;
	s7 =	simm.s32 @p2 $0x1082  }
0x22: {  	[simem:s7], [sflag:s8] =	dma.local @!p0 [hbm:s6], $0xF7A  }
0x23: {  	s9 =	sor.u32 $0xD0000000, s2;
	s6 =	simm.s32 $0x108;
	_ =	swait.ge @!p0 [sflag:s8], $0x0  }
0x24: {  	s3 =	sadd.s32 $0x88, s3;
	s6 =	simm.s32 @!p1 $0x1082;
	[sflag:s4] =	ssyncset.s32 $0xFFFFF086  }
0x25: {  	[simem:s6], [sflag:s4] =	dma.local [hbm:s3], $0xF7A  }
0x26: {  	[smem:$0x3F9F] =	sst s1;
	(tag) =	ssettag s2;
	_ =	strace s9  }
0x27: {  	s1 =	sld [smem:$0x3FAF]  }
0x28: {  	s2 =	sld [smem:$0x3FB0]  }
0x29: {  	s4 =	sld [smem:$0x3FB2]  }
0x2a: {  	p0 =	seq.s32 s5, $0x0;
	s5 =	sld [smem:$0x3FB3]  }
0x2b: {  	s6 =	sld [smem:$0x3FB4]  }
0x2c: {  	s7 =	sld [smem:$0x3FB5]  }
0x2d: {  	s3 =	simm.s32 $0x108;
	s8 =	sld [smem:$0x3FB6]  }
0x2e: {  	s3 =	simm.s32 @!p0 $0x1082;
	s9 =	sld [smem:$0x3FB7]  }
0x2f: {  	lr =	sadd.s32 s0, s3;
	s0 =	sld [smem:$0x3FAE]  }
0x30: {  	s3 =	sld [smem:$0x3FB1]  }
0x31: {  	[smem:$0x3FBA] =	sst s10  }
0x32: {  	s10 =	sld [smem:$0x3FB8];
	_ =	sdelay $0x3  }
0x33: {  	p0 =	seq.s32 s10, $0x1;
	s10 =	sld [smem:$0x3FBA];
	_ =	sdelay $0x3  }
0x34: {  	[smem:$0x3FBA] =	sst s10  }
0x35: {  	s10 =	sld [smem:$0x3FB9];
	_ =	sdelay $0x3  }
0x36: {  	p1 =	seq.s32 s10, $0x1;
	s10 =	sld [smem:$0x3FBA];
	_ =	sdelay $0x3  }
0x37: {  	[smem:$0x3FBA] =	sst s10  }
0x38: {  	s10 =	sld [smem:$0x3FBB]  }
0x39: {  	_ = 	snop;
	(pc) =	sbr.ind lr, $3  }
0x3a: {  	_ = 	snop  }
0x3b: {  	_ = 	snop  }
0x3c: {  	p2 =	seq.s32 s10, $0x1;
	s10 =	sld [smem:$0x3FBA]  }
0x3d: {  	_ =	shalt  }
0x3e: {  	_ =	shalt  }
0x3f: {  	_ =	shalt  }
0x40: {  	_ =	shalt  }
0x41: {  	_ =	shalt  }
0x42: {  	_ =	shalt  }
0x43: {  	_ =	shalt  }
0x44: {  	_ =	shalt  }
0x45: {  	_ =	shalt  }
0x46: {  	_ =	shalt  }
0x47: {  	_ =	shalt  }
0x48: {  	_ =	shalt  }
0x49: {  	_ =	shalt  }
0x4a: {  	_ =	shalt  }
0x4b: {  	_ =	shalt  }
0x4c: {  	_ =	shalt  }
0x4d: {  	_ =	shalt  }
0x4e: {  	_ =	shalt  }
0x4f: {  	_ =	shalt  }
0x50: {  	_ =	shalt  }
0x51: {  	_ =	shalt  }
0x52: {  	_ =	shalt  }
0x53: {  	_ =	shalt  }
0x54: {  	_ =	shalt  }
0x55: {  	_ =	shalt  }
0x56: {  	_ =	shalt  }
0x57: {  	_ =	shalt  }
0x58: {  	_ =	shalt  }
0x59: {  	_ =	shalt  }
0x5a: {  	_ =	shalt  }
0x5b: {  	_ =	shalt  }
0x5c: {  	_ =	shalt  }
0x5d: {  	_ =	shalt  }
0x5e: {  	_ =	shalt  }
0x5f: {  	_ =	shalt  }
0x60: {  	_ =	shalt  }
0x61: {  	_ =	shalt  }
0x62: {  	_ =	shalt  }
0x63: {  	_ =	shalt  }
0x64: {  	_ =	shalt  }
0x65: {  	_ =	shalt  }
0x66: {  	_ =	shalt  }
0x67: {  	_ =	shalt  }
0x68: {  	_ =	shalt  }
0x69: {  	_ =	shalt  }
0x6a: {  	_ =	shalt  }
0x6b: {  	_ =	shalt  }
0x6c: {  	_ =	shalt  }
0x6d: {  	_ =	shalt  }
0x6e: {  	_ =	shalt  }
0x6f: {  	_ =	shalt  }
0x70: {  	_ =	shalt  }
0x71: {  	_ =	shalt  }
0x72: {  	_ =	shalt  }
0x73: {  	_ =	shalt  }
0x74: {  	_ =	shalt  }
0x75: {  	_ =	shalt  }
0x76: {  	_ =	shalt  }
0x77: {  	_ =	shalt  }
0x78: {  	_ =	shalt  }
0x79: {  	_ =	shalt  }
0x7a: {  	_ =	shalt  }
0x7b: {  	_ =	shalt  }
0x7c: {  	_ =	shalt  }
0x7d: {  	_ =	shalt  }
0x7e: {  	_ =	shalt  }
0x7f: {  	_ =	shalt  }
0x80: {  	_ =	shalt  }
0x81: {  	_ =	shalt  }
0x82: {  	_ =	shalt  }
0x83: {  	_ =	shalt  }
0x84: {  	_ =	shalt  }
0x85: {  	_ =	shalt  }
0x86: {  	_ =	shalt  }
0x87: {  	_ =	shalt  }
.Lfunc_end0:
.L_simem_size_0:
called_computation.1_lowered:
.L_overlay_start_0:
0x88: {  	s2 =	sld [smem:$0x3FD9]  }
0x89: {  	s3 =	sld [smem:$0x3FFE];
	_ =	sdelay $0x1  }
0x8a: {  	s1 =	srdreg.scid  }
0x8b: {  	s0 =	sand.u32 $0x1, s1  }
0x8c: {  	s17 =	sshll.u32 s0, $0xA;
	s2 =	sadd.s32 s3, s2  }
0x8d: {  	s2 =	sadd.s32 s2, s17  }
0x8e: {  	[smem:$0x3FC6] =	sst s2  }
0x8f: {  	_ = 	snop  }
0x90: {  	s2 =	sld [smem:$0x3FD0];
	(tm) =	ssettm $0x1  }
0x91: {  	s18 =	sld [smem:$0x3FFB];
	_ =	sdelay $0x3  }
0x92: {  	_ =	strace s18  }
0x93: {  	s3 =	sld [smem:$0x3FFC];
	_ =	sdelay $0x3  }
0x94: {  	_ =	strace s3  }
0x95: {  	s3 =	sld [smem:$0x3FFD];
	_ =	sdelay $0x3  }
0x96: {  	_ =	strace s3  }
0x97: {  	_ =	strace $0x8FFFFFFF  }
0x98: {  	s19 =	sld [smem:$0x3FDB];
	_ =	sdelay $0x1  }
0x99: {  	s4 =	simm.s32 $_scs_section_size  }
0x9a: {  	s5 =	simm.s32 $_size__tile_overlayer_lowered;
	s6 =	simm.s32 $_tile_overlayer_lowered  }
0x9b: {  	s22 =	simm.s32 $0x1BFF;
	s21 =	sshll.u32 s6, $0x1;
	s3 =	sadd.s32 s4, s19  }
0x9c: {  	s7 =	simm.s32 $0x0;
	s20 =	sshll.u32 s5, $0x1;
	s5 =	sadd.s32 s21, s3  }
0x9d: {  	[timem:s7], [sflag:s22] =	dma.local [hbm:s5], s20  }
0x9e: {  	_ =	swait.ge [sflag:s22], s20  }
0x9f: {  	s4 =	ssub.s32 $0x0, s20;
	[sflag:s22] =	ssyncset.done $0x0  }
0xa0: {  	[sflag:s22] =	ssyncadd.s32 s4;
	_ =	sdelay $0x1  }
0xa1: {  	s23 =	simm.s32 $0x1B8B  }
0xa2: {  	_ =	swait.ge [sflag:s23], $0x1  }
0xa3: {  	[sflag:s23] =	ssyncset.done $0x0  }
0xa4: {  	s25 =	simm.s32 $0x1B8E;
	s24 =	sld [smem:$0x3FFE];
	[sflag:s23] =	ssyncadd.s32 $0xFFFFFFFF  }
0xa5: {  	s26 =	simm.s32 $execute0_lowered;
	[smem:$0x3FD2] =	sst s25  }
0xa6: {  	s5 =	sshll.u32 s26, $0x1;
	_ =	strace $0x80000046;
	[dreg:$0x1] =	wrdreg $0xFFFFFFFF  }
0xa7: {  	s28 =	simm.s32 $_size_execute0_lowered;
	s3 =	sadd.s32 s3, s5;
	[dreg:$0x0] =	wrdreg $0x0  }
0xa8: {  	s5 =	sshll.u32 s28, $0x1;
	[dreg:$0x2] =	wrdreg s3  }
0xa9: {  	[dreg:$0x3] =	wrdreg s5  }
0xaa: {  	[dreg:$0x4] =	wrdreg $0xC0  }
0xab: {  	_ =	task [dreg:s7], $0x5FFFF  }
0xac: {  	[dreg:$0x1] =	wrdreg $0xFFFFFFFF  }
0xad: {  	[dreg:$0x0] =	wrdreg $0x60  }
0xae: {  	[dreg:$0x2] =	wrdreg s24  }
0xaf: {  	[dreg:$0x3] =	wrdreg s2  }
0xb0: {  	[dreg:$0x4] =	wrdreg $0xB8000  }
0xb1: {  	[dreg:$0x5] =	wrdreg $0x9  }
0xb2: {  	_ =	task.clear_ibuf [dreg:s7], $0x6FFFF;
	_ =	strace $0x90000046  }
0xb3: {  	s29 =	simm.s32 $0x9;
	_ =	strace $0x80000048  }
0xb4: {  	_ =	swait.ge [sflag:s29], $0x1  }
0xb5: {  	[sflag:s29] =	ssyncadd.s32 $0xFFFFFFFF  }
0xb6: {  	_ =	strace $0x90000048  }
0xb7: {  	_ =	sfence  }
0xb8: {  	s30 =	sld [smem:$0x0];
	_ =	sdelay $0x2  }
0xb9: {  	s31 =	sshll.u32 s1, $0xD;
	s1 =	sshrl.u32 s1, $0x2  }
0xba: {  	s3 =	sand.u32 $0x4000, s31;
	s1 =	sadd.s32 s1, s30  }
0xbb: {  	s0 =	sor.u32 s3, s0;
	s1 =	sshll.u32 s1, $0x11  }
0xbc: {  	s0 =	sor.u32 s1, s0  }
0xbd: {  	s0 =	sadd.s32 $0x8F2B, s0  }
0xbe: {  	[sflag:s0] =	ssyncadd.remote.s32 $0x1  }
0xbf: {  	_ =	sfence.sel $0xFFFF  }
0xc0: {  	[dreg:$0x0] =	wrdreg $0xFFFFFFFF;
	(pc) =	sbr.abs _section_cstart, $3  }
0xc1: {  	[dreg:$0x1] =	wrdreg $0xFFFFFFFF  }
0xc2: {  	_ =	task.clear_ibuf [dreg:s7], $0x2FFFF;
	_ =	strace $0x9FFFFFFF  }
0xc3: {  	(tm) =	ssettm $0x7FFFFFFF  }
tec
execute0_lowered:
.L_overlay_start_1:
0x0: {  	(tag) =	ssettag $0x1  }
0x1: {  	s0 =	rddreg [dreg:$0x0]  }
0x2: {  	s2 =	rddreg [dreg:$0x2];
	s1 =	srdreg.scid;
	s4 =	simm.s32 $0x0  }
0x3: {  	s5 =	stileid.u32;
	s28 =	simm.s32 $0x4;
	s29 =	simm.s32 $0x2000  }
0x4: {  	s30 =	simm.s32 $0x5000;
	s31 =	simm.s32 $0x6000;
	s9 =	simm.s32 $0x2  }
0x5: {  	s10 =	simm.s32 $0x3;
	s18 =	simm.s32 $0x0;
	s1 =	sand.u32 $0x1, s1  }
0x6: {  	[smem:$0x7FF] =	sst s4;
	s20 =	smul.u32 $0x36000, s5;
	s6 =	sadd.s32 $0x800, s0  }
0x7: {  	s7 =	sadd.s32 $0x1B0800, s0;
	s5 =	smul.u32 $0x12000, s5;
	s4 =	simm.s32 $0xC  }
0x8: {  	s3 =	smul.u32 $0x6C0000, s1;
	_ =	strace $0x80000047;
	[dreg:$0x4] =	wrdreg s20  }
0x9: {  	s21 =	ssub.s32 $0x2, s1;
	s1 =	sshll.u32 s1, $0x1;
	[dreg:$0x5] =	wrdreg s5  }
0xa: {  	s22 =	sshrl.u32 s21, $0x1;
	s12 =	sadd.s32 s5, s2;
	[dreg:$0xb] =	wrdreg s1  }
0xb: {  	s5 =	simm.s32 $0x0;
	s13 =	sadd.s32 $0x2C00, s12;
	[dreg:$0x9] =	wrdreg s12  }
0xc: {  	s3 =	sadd.s32 s20, s3;
	s14 =	sadd.s32 $0x5800, s12;
	[dreg:$0xc] =	wrdreg s13  }
0xd: {  	s0 =	ssub.s32 s21, s22;
	s15 =	sadd.s32 $0x8400, s12;
	[dreg:$0xd] =	wrdreg s14  }
0xe: {  	s16 =	sadd.s32 $0xB000, s12;
	s19 =	sadd.s32 $0xDC00, s12;
	[dreg:$0xe] =	wrdreg s15  }
0xf: {  	s11 =	sadd.s32 $0x10800, s12;
	s22 =	simm.s32 $0x3000;
	[dreg:$0xf] =	wrdreg s16  }
0x10: {  	s3 =	sshrl.u32 s3, $0x3;
	s0 =	smax.u32 s0, $0x1;
	[dreg:$0x10] =	wrdreg s11  }
0x11: {  	s23 =	sadd.s32 s7, s3;
	s24 =	sor.u32 $0x200, s3;
	[dreg:$0x11] =	wrdreg s0  }
0x12: {  	s3 =	sadd.s32 s6, s3;
	s0 =	simm.s32 $0x2C00;
	[dreg:$0x6] =	wrdreg s23  }
0x13: {  	[dreg:$0x7] =	wrdreg s3;
	s25 =	sadd.s32 s7, s24;
	s26 =	sadd.s32 s6, s24  }
0x14: {  	s23 =	simm.s32 $0x1000;
	s24 =	simm.s32 $0x4000;
	[dreg:$0x8] =	wrdreg s25  }
0x15: {  	v0 =	vlaneseq.u32;
	v1 =	vimm.f32 $0.0e+00;
	v2 =	vimm.s32 $0x1;
	[dreg:$0xa] =	wrdreg s26;
	s25 =	simm.s32 $0x1;
	s26 =	simm.s32 $0x8C00  }
.LBB2_1:
0x16: {  	s1 =	simm.s32 $0x0  }
0x17: {  	s1 =	sand.u32 $0x7F0, s1  }
0x18: {  	s1 =	sor.u32 $0x120000, s1  }
0x19: {  	v3 =	vor.u32 s1, v0  }
0x1a: {  	[dreg:$0x12] =	wrdreg s5;
	[tilespmem:s31+$0x0] =	vst v3  }
0x1b: {  	s3 =	simm.s32 $0x6000;
	s5 =	simm.s32 $0x8C00;
	s1 =	simm.s32 $0x10;
	[tilespmem:s26+$0x0] =	vst v1  }
.LBB2_2:
0x1c: {  	p0 =	sne.s32 s1, $0x2BF0  }
.Ltmp0:
0x1d: {  	s8 =	sand.u32 $0x7F0, s1;
	(pc) =	sbr.rel @p0 .LBB2_2-.Ltmp0, $4  }
0x1e: {  	s1 =	sadd.s32 $0x10, s1;
	s8 =	sor.u32 $0x120000, s8  }
0x1f: {  	s3 =	sadd.s32 $0x10, s3;
	v3 =	vor.u32 s8, v0  }
0x20: {  	s5 =	sadd.s32 $0x10, s5;
	[tilespmem:s3+$0x0] =	vst v3  }
0x21: {  	[tilespmem:s5+$0x0] =	vst v1  }
0x22: {  	s21 =	simm.s32 $0x0;
	s1 =	rddreg [dreg:$0x6]  }
0x23: {  	[tilespmem:s21], [sflag:$0x1] =	stream.linear.gather [hbm4b:s1+s21], $0x1000, $0x38;
	[tilespmem:$0x1D880] =	vst v63  }
0x24: {  	s8 =	rddreg [dreg:$0x7]  }
0x25: {  	[tilespmem:s22], [sflag:$0x1] =	stream.linear.gather [hbm4b:s8+s21], $0x1000, $0x38;
	[tilespmem:$0x1D880] =	vst v63  }
0x26: {  	s17 =	rddreg [dreg:$0x8]  }
0x27: {  	[tilespmem:s23], [sflag:$0x2] =	stream.linear.gather [hbm4b:s17+s21], $0x1000, $0x38;
	[tilespmem:$0x1D880] =	vst v63  }
0x28: {  	s20 =	rddreg [dreg:$0xa]  }
0x29: {  	[tilespmem:s24], [sflag:$0x2] =	stream.linear.gather [hbm4b:s20+s21], $0x1000, $0x38;
	[tilespmem:$0x1D880] =	vst v63  }
.LBB2_4:
0x2a: {  	p0 =	sne.s32 s21, $0x0  }
0x2b: {  	s1 =	simm.s32 @p0 $0x5  }
0x2c: {  	_ =	swait.ge @p0 [sflag:s1], $0x580  }
0x2d: {  	[sflag:s1] =	ssyncset.done @p0 $0x0  }
0x2e: {  	s3 =	simm.s32 @p0 $0x6;
	[sflag:s1] =	ssyncadd.s32 @p0 $0xFFFFFA80;
	s1 =	simm.s32 @p0 $0x8C00  }
0x2f: {  	[spmem:s12] =	stream.linear.scatter @p0 [tilespmem:s1], [sflag:$0x4], $0x2C00, $0x38;
	[tilespmem:$0x1D880] =	vst v63  }
0x30: {  	_ =	swait.ge @p0 [sflag:s3], $0x580  }
0x31: {  	[sflag:s3] =	ssyncset.done @p0 $0x0  }
0x32: {  	[sflag:s3] =	ssyncadd.s32 @p0 $0xFFFFFA80;
	s3 =	simm.s32 @p0 $0x7  }
0x33: {  	[spmem:s13] =	stream.linear.scatter @p0 [tilespmem:s1], [sflag:$0x4], $0x2C00, $0x38;
	[tilespmem:$0x1D880] =	vst v63  }
0x34: {  	_ =	swait.ge @p0 [sflag:s3], $0x580  }
0x35: {  	[sflag:s3] =	ssyncset.done @p0 $0x0  }
0x36: {  	[sflag:s3] =	ssyncadd.s32 @p0 $0xFFFFFA80;
	s3 =	simm.s32 @p0 $0x8  }
0x37: {  	[spmem:s14] =	stream.linear.scatter @p0 [tilespmem:s1], [sflag:$0x4], $0x2C00, $0x38;
	[tilespmem:$0x1D880] =	vst v63  }
0x38: {  	_ =	swait.ge @p0 [sflag:s3], $0x580  }
0x39: {  	[sflag:s3] =	ssyncset.done @p0 $0x0  }
0x3a: {  	[sflag:s3] =	ssyncadd.s32 @p0 $0xFFFFFA80;
	s3 =	simm.s32 @p0 $0x9  }
0x3b: {  	[spmem:s15] =	stream.linear.scatter @p0 [tilespmem:s1], [sflag:$0x4], $0x2C00, $0x38;
	[tilespmem:$0x1D880] =	vst v63  }
0x3c: {  	_ =	swait.ge @p0 [sflag:s3], $0x580  }
0x3d: {  	[sflag:s3] =	ssyncset.done @p0 $0x0  }
0x3e: {  	[sflag:s3] =	ssyncadd.s32 @p0 $0xFFFFFA80;
	s3 =	simm.s32 @p0 $0xA  }
0x3f: {  	[spmem:s16] =	stream.linear.scatter @p0 [tilespmem:s1], [sflag:$0x4], $0x2C00, $0x38;
	[tilespmem:$0x1D880] =	vst v63  }
0x40: {  	_ =	swait.ge @p0 [sflag:s3], $0x580  }
0x41: {  	[sflag:s3] =	ssyncset.done @p0 $0x0  }
0x42: {  	[sflag:s3] =	ssyncadd.s32 @p0 $0xFFFFFA80  }
0x43: {  	[spmem:s19] =	stream.linear.scatter @p0 [tilespmem:s1], [sflag:$0x4], $0x2C00, $0x38;
	[tilespmem:$0x1D880] =	vst v63  }
0x44: {  	s1 =	simm.s32 @p0 $0xB  }
0x45: {  	_ =	swait.ge @p0 [sflag:s1], $0x300  }
0x46: {  	[sflag:s1] =	ssyncset.done @p0 $0x0  }
0x47: {  	[sflag:s1] =	ssyncadd.s32 @p0 $0xFFFFFD00;
	s1 =	simm.s32 @!p0 $0x8C00  }
0x48: {  	[spmem:s12] =	stream.linear.scatter @!p0 [tilespmem:s1], [sflag:$0x4], $0x2C00, $0x38;
	[tilespmem:$0x1D880] =	vst v63  }
0x49: {  	_ = 	snop  }
0x4a: {  	[spmem:s13] =	stream.linear.scatter @!p0 [tilespmem:s1], [sflag:$0x4], $0x2C00, $0x38;
	[tilespmem:$0x1D880] =	vst v63  }
0x4b: {  	_ = 	snop  }
0x4c: {  	[spmem:s14] =	stream.linear.scatter @!p0 [tilespmem:s1], [sflag:$0x4], $0x2C00, $0x38;
	[tilespmem:$0x1D880] =	vst v63  }
0x4d: {  	_ = 	snop  }
0x4e: {  	[spmem:s15] =	stream.linear.scatter @!p0 [tilespmem:s1], [sflag:$0x4], $0x2C00, $0x38;
	[tilespmem:$0x1D880] =	vst v63  }
0x4f: {  	_ = 	snop  }
0x50: {  	[spmem:s16] =	stream.linear.scatter @!p0 [tilespmem:s1], [sflag:$0x4], $0x2C00, $0x38;
	[tilespmem:$0x1D880] =	vst v63  }
0x51: {  	_ = 	snop  }
0x52: {  	[spmem:s19] =	stream.linear.scatter @!p0 [tilespmem:s1], [sflag:$0x4], $0x2C00, $0x38;
	[tilespmem:$0x1D880] =	vst v63  }
0x53: {  	_ = 	snop  }
0x54: {  	[spmem:s11] =	stream.linear.scatter [tilespmem:s26], [sflag:$0x4], $0x1800, $0x38;
	[tilespmem:$0x1D880] =	vst v63  }
0x55: {  	_ =	swait.ge [sflag:s28], $0x2C00  }
0x56: {  	[sflag:s28] =	ssyncset.done $0x0  }
0x57: {  	p1 =	sgt.u32 s21, $0xB;
	s13 =	sadd.s32 $0xFFFFFFF4, s21;
	[sflag:s28] =	ssyncadd.s32 $0xFFFFD400  }
0x58: {  	s1 =	smin.u32 s21, s13;
	s21 =	sadd.s32 $0x1, s21;
	_ =	swait.ge [sflag:s28], $0x2C00  }
0x59: {  	p0 =	seq.s32 s21, $0x18;
	s3 =	smov.u32 s21;
	[sflag:s28] =	ssyncset.done $0x0  }
0x5a: {  	s3 =	simm.s32 @p0 $0x0;
	[sflag:s28] =	ssyncadd.s32 $0xFFFFD400  }
0x5b: {  	s5 =	smul.u32 $0xFFFFFFAB, s3;
	_ =	swait.ge [sflag:s28], $0x2C00  }
0x5c: {  	[sflag:s28] =	ssyncset.done $0x0  }
0x5d: {  	s8 =	simm.s32 $0x1;
	s14 =	sand.u32 $0xFC, s5;
	[sflag:s28] =	ssyncadd.s32 $0xFFFFD400  }
0x5e: {  	s5 =	sshll.u32 s5, $0x6;
	s11 =	sshrl.u32 s14, $0x2;
	_ =	swait.ge [sflag:s28], $0x2C00  }
0x5f: {  	s3 =	sand.u32 $0xFF, s3;
	s5 =	sor.u32 s5, s11;
	[sflag:s28] =	ssyncset.done $0x0  }
0x60: {  	s3 =	smul.u32 $0xAB, s3;
	s5 =	sand.u32 $0xFF, s5;
	[sflag:s28] =	ssyncadd.s32 $0xFFFFD400  }
0x61: {  	s8 =	simm.s32 @!p1 $0x0;
	p6 =	sgt.u32 s5, $0x15;
	_ =	swait.ge [sflag:s28], $0x2C00  }
0x62: {  	s3 =	sshrl.u32 s3, $0xB;
	p0 =	por !p0, !p6;
	[sflag:s28] =	ssyncset.done $0x0  }
0x63: {  	s5 =	simm.s32 $0x1;
	p0 =	por !p0, !p0;
	[sflag:s28] =	ssyncadd.s32 $0xFFFFD400  }
0x64: {  	s5 =	simm.s32 @!p0 $0x0;
	s15 =	rddreg [dreg:$0xb];
	_ =	swait.ge [sflag:s28], $0x2C00  }
0x65: {  	s11 =	sor.u32 s8, s15;
	s3 =	sadd.s32 s3, s15;
	[sflag:s28] =	ssyncset.done $0x0  }
0x66: {  	s8 =	smul.u32 $0x360000, s11;
	s3 =	ssub.s32 s3, s5;
	[sflag:s28] =	ssyncadd.s32 $0xFFFFD400  }
0x67: {  	s3 =	smul.u32 $0x360000, s3;
	_ =	swait.ge [sflag:s28], $0x1800  }
.Ltmp1:
0x68: {  	[sflag:s28] =	ssyncset.done $0x0;
	(pc) =	sbr.rel .LBB2_5-.Ltmp1, $4  }
0x69: {  	s13 =	smul.u32 $0x120000, s1;
	s16 =	rddreg [dreg:$0x4];
	[sflag:s28] =	ssyncadd.s32 $0xFFFFE800  }
0x6a: {  	s17 =	sadd.s32 s16, s8;
	s20 =	sadd.s32 s16, s3;
	[bflag:$0x0] =	sbarrier.arrive $0xFFFF  }
0x6b: {  	s1 =	sadd.s32 $0x2000, s17;
	s3 =	sadd.s32 $0x3000, s17;
	s8 =	sshrl.u32 s20, $0x3  }
0x6c: {  	v5 =	vimm.s32 $0x0;
	v3 =	vmov s13;
	s5 =	sadd.s32 $0x4000, s17;
	s20 =	simm.s32 $0x0;
	s14 =	sor.u32 $0x200, s8  }
.LBB2_22:
0x6d: {  	[tilespmem:s16+$0x8C00] =	vst v1  }
.LBB2_23:
0x6e: {  	s20 =	sadd.s32 $0x1, s20  }
0x6f: {  	p1 =	sne.s32 s20, $0x12  }
.Ltmp2:
0x70: {  	_ = 	snop;
	(pc) =	sbr.rel @!p1 .LBB2_24-.Ltmp2, $3  }
0x71: {  	_ =	sdelay $0x1  }
0x72: {  	p0 =	sgt.s32 s12, $0x1C00  }
0x73: {  	v5 =	vpsel p0, $0x0, v4  }
.LBB2_5:
0x74: {  	_ =	swait.ge [sflag:s25], $0x1000  }
0x75: {  	s12 =	smul.u32 $0x3000, s20;
	[sflag:s25] =	ssyncset.done $0x0  }
0x76: {  	[sflag:s25] =	ssyncadd.s32 $0xFFFFF000  }
0x77: {  	s15 =	sadd.s32 s12, s1;
	_ =	swait.ge [sflag:s25], $0x1000  }
0x78: {  	s15 =	sshrl.u32 s15, $0x3;
	[sflag:s25] =	ssyncset.done $0x0  }
0x79: {  	s17 =	simm.s32 $0x0;
	s16 =	sadd.s32 s7, s15;
	[sflag:s25] =	ssyncadd.s32 $0xFFFFF000  }
0x7a: {  	[tilespmem:s29], [sflag:$0x3] =	stream.linear.gather [hbm4b:s16+s17], $0x1000, $0x38;
	[tilespmem:$0x1D880] =	vst v63  }
0x7b: {  	s15 =	sadd.s32 s6, s15  }
0x7c: {  	[tilespmem:s30], [sflag:$0x3] =	stream.linear.gather [hbm4b:s15+s17], $0x1000, $0x38;
	[tilespmem:$0x1D880] =	vst v63  }
0x7d: {  	s17 =	simm.s32 $0x0  }
0x7e: {  	v4 =	vld [tilespmem:s17+$0x0];
	_ =	sdelay $0x1  }
0x7f: {  	v6 =	vld [tilespmem:s17+$0x10];
	_ =	sdelay $0x1  }
0x80: {  	v7 =	vld [tilespmem:s17+$0x20]  }
0x81: {  	v8 =	vsub.s32 v4, v3  }
0x82: {  	v9 =	vld [tilespmem:s17+$0x40];
	vm4 =	vlt.u32 v8, $0x120000  }
0x83: {  	v10 =	vld [tilespmem:s17+$0x50];
	v6 =	vsub.s32 v6, v3;
	(xrf0) =	vadd.scan.msk.s32 vm4, v2  }
0x84: {  	v4 =	vld [tilespmem:s17+$0x30];
	vm0 =	vlt.u32 v6, $0x120000  }
0x85: {  	v7 =	vsub.s32 v7, v3;
	(xrf0) =	vadd.scan.msk.s32 vm0, v2  }
0x86: {  	vm1 =	vlt.u32 v7, $0x120000  }
0x87: {  	v11 =	vld [tilespmem:s17+$0x60];
	(xrf0) =	vadd.scan.msk.s32 vm1, v2  }
0x88: {  	v12 =	vld [tilespmem:s17+$0x70];
	v9 =	vsub.s32 v9, v3  }
0x89: {  	v15 =	vld [tilespmem:s17+$0x3060];
	v10 =	vsub.s32 v10, v3;
	v14 =	vmpcnt.ones.xlane vm4;
	v13 =	vsub.s32 v4, v3;
	v16, _, _ =	vpop (xrf0)  }
0x8a: {  	v18 =	vld [tilespmem:s17+$0x3050];
	vm3 =	vlt.u32 v9, $0x120000;
	vm2 =	vlt.u32 v13, $0x120000;
	v16 =	vadd.s32 v16, v5  }
0x8b: {  	v19 =	vld [tilespmem:s17+$0x3040];
	v17 =	vmpcnt.ones.xlane vm0;
	(xrf0) =	vadd.scan.msk.s32 vm2, v2;
	v5 =	vadd.s32 v5, v14;
	v56, _, _ =	vpop (xrf0);
	v16 =	vadd.s32 $0xFFFFFFFF, v16  }
0x8c: {  	v21 =	vld [tilespmem:s17+$0x3000];
	v11 =	vsub.s32 v11, v3;
	vm5 =	vlt.u32 v10, $0x120000;
	(xrf0) =	vadd.scan.msk.s32 vm3, v2;
	v14 =	vadd.s32 v56, v5  }
0x8d: {  	v22 =	vld [tilespmem:s17+$0x3030];
	vm6 =	vlt.u32 v11, $0x120000;
	(xrf0) =	vadd.scan.msk.s32 vm5, v2;
	v5 =	vadd.s32 v5, v17;
	v57, _, _ =	vpop (xrf0);
	v14 =	vadd.s32 $0xFFFFFFFF, v14  }
0x8e: {  	v23 =	vld [tilespmem:s17+$0x3010];
	v20 =	vmpcnt.ones.xlane vm1;
	(xrf0) =	vadd.scan.msk.s32 vm6, v2;
	v17 =	vadd.s32 v57, v5  }
0x8f: {  	v25 =	vld [tilespmem:s17+$0x3020];
	v24 =	vmpcnt.ones.xlane vm2;
	v17 =	vadd.s32 $0xFFFFFFFF, v17  }
0x90: {  	v4 =	vld [tilespmem:s17+$0x3070];
	v5 =	vadd.s32 v5, v20;
	[tilespmem:v16+s31+$0x0] =	vst.idx.msk vm4, v8  }
0x91: {  	v24 =	vadd.s32 v5, v24;
	v58, _, _ =	vpop (xrf0);
	v8 =	vmpcnt.ones.xlane vm3;
	[tilespmem:v16+s26+$0x0] =	vst.idx.msk vm4, v21  }
0x92: {  	v20 =	vadd.s32 v58, v5;
	v26, _, _ =	vpop (xrf0);
	v5 =	vsub.s32 v12, v3;
	[tilespmem:v14+s31+$0x0] =	vst.idx.msk vm0, v6;
	v6 =	vmpcnt.ones.xlane vm5  }
0x93: {  	v20 =	vadd.s32 $0xFFFFFFFF, v20;
	v60, _, _ =	vpop (xrf0);
	v8 =	vadd.s32 v24, v8;
	[tilespmem:v14+s26+$0x0] =	vst.idx.msk vm0, v23;
	vm0 =	vlt.u32 v5, $0x120000  }
0x94: {  	v59 =	vadd.s32 v26, v24;
	[tilespmem:v17+s31+$0x0] =	vst.idx.msk vm1, v7;
	v6 =	vadd.s32 v8, v6;
	(xrf0) =	vadd.scan.msk.s32 vm0, v2;
	v7, _, _ =	vpop (xrf0)  }
0x95: {  	v12 =	vadd.s32 $0xFFFFFFFF, v59;
	v7 =	vadd.s32 v7, v6  }
0x96: {  	v61 =	vadd.s32 v60, v8;
	v62 =	vadd.s32 $0xFFFFFFFF, v7;
	v7 =	vmpcnt.ones.xlane vm6  }
0x97: {  	v8 =	vadd.s32 $0xFFFFFFFF, v61;
	[tilespmem:v17+s26+$0x0] =	vst.idx.msk vm1, v25  }
0x98: {  	[tilespmem:v20+s31+$0x0] =	vst.idx.msk vm2, v13  }
0x99: {  	[tilespmem:v20+s26+$0x0] =	vst.idx.msk vm2, v22  }
0x9a: {  	[tilespmem:v12+s31+$0x0] =	vst.idx.msk vm3, v9;
	v6 =	vadd.s32 v6, v7;
	v7, _, _ =	vpop (xrf0)  }
0x9b: {  	[tilespmem:v12+s26+$0x0] =	vst.idx.msk vm3, v19;
	v7 =	vadd.s32 v7, v6  }
0x9c: {  	[tilespmem:v8+s31+$0x0] =	vst.idx.msk vm5, v10;
	v7 =	vadd.s32 $0xFFFFFFFF, v7  }
0x9d: {  	v63 =	vmpcnt.ones.xlane vm0;
	[tilespmem:v8+s26+$0x0] =	vst.idx.msk vm5, v18  }
0x9e: {  	[tilespmem:v62+s31+$0x0] =	vst.idx.msk vm6, v11  }
0x9f: {  	s16 =	simm.s32 $0x400;
	s15 =	simm.s32 $0x200;
	v6 =	vadd.s32 v6, v63;
	[tilespmem:v62+s26+$0x0] =	vst.idx.msk vm6, v15  }
.LBB2_6:
0xa0: {  	p0 =	sne.s32 s16, $0x3E00  }
0xa1: {  	s17 =	sshra.s32 s15, $0x2;
	[tilespmem:v7+s31+$0x0] =	vst.idx.msk vm0, v5;
	s15 =	smov.u32 s16;
	s16 =	sadd.s32 $0x200, s16  }
0xa2: {  	[tilespmem:v7+s26+$0x0] =	vst.idx.msk vm0, v4  }
0xa3: {  	v4 =	vld [tilespmem:s17+$0x0]  }
0xa4: {  	v5 =	vld [tilespmem:s17+$0x10];
	_ =	sdelay $0x1  }
0xa5: {  	v7 =	vld [tilespmem:s17+$0x20]  }
0xa6: {  	v8 =	vld [tilespmem:s17+$0x40]  }
0xa7: {  	v9 =	vsub.s32 v4, v3;
	v4 =	vld [tilespmem:s17+$0x30]  }
0xa8: {  	vm6 =	vlt.u32 v9, $0x120000;
	v10 =	vsub.s32 v5, v3  }
0xa9: {  	vm2 =	vlt.u32 v10, $0x120000;
	v5 =	vld [tilespmem:s17+$0x50];
	(xrf0) =	vadd.scan.msk.s32 vm6, v2  }
0xaa: {  	v7 =	vsub.s32 v7, v3;
	v11 =	vld [tilespmem:s17+$0x60];
	(xrf0) =	vadd.scan.msk.s32 vm2, v2  }
0xab: {  	vm3 =	vlt.u32 v7, $0x120000;
	v12 =	vld [tilespmem:s17+$0x70]  }
0xac: {  	v8 =	vsub.s32 v8, v3;
	v13 =	vmpcnt.ones.xlane vm3;
	v14 =	vsub.s32 v4, v3;
	(xrf0) =	vadd.scan.msk.s32 vm3, v2  }
0xad: {  	v22 =	vmpcnt.ones.xlane vm6;
	vm1 =	vlt.u32 v8, $0x120000;
	vm5 =	vlt.u32 v14, $0x120000  }
0xae: {  	v16 =	vmpcnt.ones.xlane vm2;
	v17 =	vmpcnt.ones.xlane vm5;
	v18 =	vsub.s32 v5, v3;
	v4 =	vld [tilespmem:s17+$0x3070];
	(xrf0) =	vadd.scan.msk.s32 vm5, v2  }
0xaf: {  	vm4 =	vlt.u32 v18, $0x120000;
	v11 =	vsub.s32 v11, v3;
	v19 =	vld [tilespmem:s17+$0x3060];
	v20, _, _ =	vpop (xrf0);
	(xrf0) =	vadd.scan.msk.s32 vm1, v2  }
0xb0: {  	v21 =	vld [tilespmem:s17+$0x3050];
	v5 =	vsub.s32 v12, v3;
	v12 =	vadd.s32 v6, v22;
	v6 =	vadd.s32 v20, v6;
	v15, _, _ =	vpop (xrf0);
	(xrf0) =	vadd.scan.msk.s32 vm4, v2  }
0xb1: {  	vm7 =	vlt.u32 v11, $0x120000;
	v20 =	vld [tilespmem:s17+$0x3040];
	v6 =	vadd.s32 $0xFFFFFFFF, v6;
	v15 =	vadd.s32 v15, v12  }
0xb2: {  	v12 =	vadd.s32 v12, v16;
	v22 =	vld [tilespmem:s17+$0x3000];
	v15 =	vadd.s32 $0xFFFFFFFF, v15;
	v16, _, _ =	vpop (xrf0);
	(xrf0) =	vadd.scan.msk.s32 vm7, v2  }
0xb3: {  	v13 =	vadd.s32 v12, v13;
	v23 =	vld [tilespmem:s17+$0x3030];
	v12 =	vadd.s32 v16, v12  }
0xb4: {  	v24 =	vmpcnt.ones.xlane vm1;
	v28 =	vadd.s32 v13, v17;
	v16 =	vld [tilespmem:s17+$0x3010];
	v12 =	vadd.s32 $0xFFFFFFFF, v12;
	v25, _, _ =	vpop (xrf0)  }
0xb5: {  	v27 =	vmpcnt.ones.xlane vm4;
	vm0 =	vlt.u32 v5, $0x120000;
	v26 =	vld [tilespmem:s17+$0x3020];
	v13 =	vadd.s32 v25, v13;
	v25, _, _ =	vpop (xrf0)  }
0xb6: {  	v24 =	vadd.s32 v28, v24;
	[tilespmem:v6+s31+$0x0] =	vst.idx.msk vm6, v9;
	v9 =	vadd.s32 $0xFFFFFFFF, v13;
	v28 =	vadd.s32 v25, v28;
	v17, _, _ =	vpop (xrf0)  }
0xb7: {  	v25 =	vadd.s32 v24, v27;
	[tilespmem:v6+s26+$0x0] =	vst.idx.msk vm6, v22;
	v6 =	vadd.s32 v17, v24;
	(xrf0) =	vadd.scan.msk.s32 vm0, v2  }
0xb8: {  	[tilespmem:v15+s31+$0x0] =	vst.idx.msk vm2, v10;
	v10 =	vadd.s32 $0xFFFFFFFF, v28;
	v13, _, _ =	vpop (xrf0)  }
0xb9: {  	[tilespmem:v15+s26+$0x0] =	vst.idx.msk vm2, v16;
	v13 =	vadd.s32 v13, v25  }
0xba: {  	v15 =	vmpcnt.ones.xlane vm7;
	v16 =	vadd.s32 $0xFFFFFFFF, v6;
	[tilespmem:v12+s31+$0x0] =	vst.idx.msk vm3, v7  }
0xbb: {  	v6 =	vmpcnt.ones.xlane vm0;
	[tilespmem:v12+s26+$0x0] =	vst.idx.msk vm3, v26  }
0xbc: {  	v7 =	vadd.s32 v25, v15;
	v12 =	vadd.s32 $0xFFFFFFFF, v13;
	[tilespmem:v9+s31+$0x0] =	vst.idx.msk vm5, v14  }
0xbd: {  	v6 =	vadd.s32 v7, v6;
	[tilespmem:v9+s26+$0x0] =	vst.idx.msk vm5, v23;
	v9, _, _ =	vpop (xrf0)  }
0xbe: {  	[tilespmem:v10+s31+$0x0] =	vst.idx.msk vm1, v8;
	v7 =	vadd.s32 v9, v7  }
.Ltmp3:
0xbf: {  	[tilespmem:v10+s26+$0x0] =	vst.idx.msk vm1, v20;
	v7 =	vadd.s32 $0xFFFFFFFF, v7;
	(pc) =	sbr.rel @p0 .LBB2_6-.Ltmp3, $4  }
0xc0: {  	[tilespmem:v16+s31+$0x0] =	vst.idx.msk vm4, v18  }
0xc1: {  	[tilespmem:v16+s26+$0x0] =	vst.idx.msk vm4, v21  }
0xc2: {  	[tilespmem:v12+s31+$0x0] =	vst.idx.msk vm7, v11  }
0xc3: {  	[tilespmem:v12+s26+$0x0] =	vst.idx.msk vm7, v19  }
0xc4: {  	_ =	sdelay $0x4  }
0xc5: {  	[tilespmem:v7+s31+$0x0] =	vst.idx.msk vm0, v5  }
0xc6: {  	s15 =	sshra.s32 s15, $0x2;
	[tilespmem:v7+s26+$0x0] =	vst.idx.msk vm0, v4  }
0xc7: {  	v4 =	vld [tilespmem:s15+$0x0]  }
0xc8: {  	v5 =	vld [tilespmem:s15+$0x20]  }
0xc9: {  	v7 =	vld [tilespmem:s15+$0x10]  }
0xca: {  	v8 =	vld [tilespmem:s15+$0x30]  }
0xcb: {  	v9 =	vld [tilespmem:s15+$0x40]  }
0xcc: {  	v10 =	vld [tilespmem:s15+$0x50]  }
0xcd: {  	v12 =	vld [tilespmem:s15+$0x70]  }
0xce: {  	v4 =	vsub.s32 v4, v3  }
0xcf: {  	vm4 =	vlt.u32 v4, $0x120000  }
0xd0: {  	(xrf0) =	vadd.scan.msk.s32 vm4, v2  }
0xd1: {  	v11 =	vsub.s32 v5, v3;
	v5 =	vld [tilespmem:s15+$0x60];
	v7 =	vsub.s32 v7, v3;
	v8 =	vsub.s32 v8, v3  }
0xd2: {  	v9 =	vsub.s32 v9, v3;
	v10 =	vsub.s32 v10, v3;
	v12 =	vsub.s32 v12, v3  }
0xd3: {  	vm15 =	vlt.u32 v11, $0x120000;
	vm5 =	vlt.u32 v7, $0x120000;
	v14 =	vmpcnt.ones.xlane vm4  }
0xd4: {  	vm3 =	vlt.u32 v8, $0x120000;
	vm1 =	vlt.u32 v9, $0x120000;
	v15 =	vmpcnt.ones.xlane vm5  }
0xd5: {  	vm2 =	vlt.u32 v10, $0x120000;
	v13 =	vmpcnt.ones.xlane vm15;
	v14 =	vadd.s32 v6, v14  }
0xd6: {  	v16 =	vmpcnt.ones.xlane vm3;
	v17 =	vsub.s32 v5, v3;
	v15 =	vadd.s32 v14, v15;
	v5, _, _ =	vpop (xrf0)  }
0xd7: {  	v59 =	vmpcnt.ones.xlane vm1;
	v5 =	vadd.s32 v5, v6;
	v6 =	vadd.s32 v15, v13  }
0xd8: {  	v20 =	vmpcnt.ones.xlane vm2;
	(xrf0) =	vadd.scan.msk.s32 vm5, v2;
	vm6 =	vlt.u32 v17, $0x120000;
	v16 =	vadd.s32 v6, v16  }
0xd9: {  	vm7 =	vlt.u32 v12, $0x120000;
	v22 =	vmpcnt.ones.xlane vm6;
	v13 =	vadd.s32 v16, v59  }
0xda: {  	(xrf0) =	vadd.scan.msk.s32 vm15, v2;
	v25 =	vadd.s32 $0xFFFFFFFF, v5;
	v5 =	vmpcnt.ones.xlane vm7;
	v20 =	vadd.s32 v13, v20  }
0xdb: {  	v22 =	vadd.s32 v20, v22  }
0xdc: {  	v18 =	vld [tilespmem:s15+$0x3070];
	(xrf0) =	vadd.scan.msk.s32 vm3, v2;
	v5 =	vadd.s32 v22, v5  }
0xdd: {  	v19 =	vld [tilespmem:s15+$0x3060];
	(v2sf) =	vpush v5, $0x0  }
0xde: {  	v21 =	vld [tilespmem:s15+$0x3050];
	(xrf0) =	vadd.scan.msk.s32 vm1, v2;
	v23, _, _ =	vpop (xrf0)  }
0xdf: {  	v60 =	vld [tilespmem:s15+$0x3000];
	v14 =	vadd.s32 v23, v14  }
0xe0: {  	v24 =	vld [tilespmem:s15+$0x3040];
	(xrf0) =	vadd.scan.msk.s32 vm2, v2;
	v26, _, _ =	vpop (xrf0);
	v14 =	vadd.s32 $0xFFFFFFFF, v14  }
0xe1: {  	v61 =	vld [tilespmem:s15+$0x3010];
	v15 =	vadd.s32 v26, v15  }
0xe2: {  	v27 =	vld [tilespmem:s15+$0x3030];
	(xrf0) =	vadd.scan.msk.s32 vm6, v2;
	v15 =	vadd.s32 $0xFFFFFFFF, v15;
	v28, _, _ =	vpop (xrf0)  }
0xe3: {  	v29 =	vld [tilespmem:s15+$0x3020];
	v6 =	vadd.s32 v28, v6;
	[tilespmem:v25+s31+$0x0] =	vst.idx.msk vm4, v4  }
0xe4: {  	(xrf0) =	vadd.scan.msk.s32 vm7, v2;
	v4, _, _ =	vpop (xrf0);
	[tilespmem:v25+s26+$0x0] =	vst.idx.msk vm4, v60;
	v6 =	vadd.s32 $0xFFFFFFFF, v6  }
0xe5: {  	v4 =	vadd.s32 v4, v16;
	[tilespmem:v14+s31+$0x0] =	vst.idx.msk vm5, v7  }
0xe6: {  	v7, _, _ =	vpop (xrf0);
	v4 =	vadd.s32 $0xFFFFFFFF, v4;
	[tilespmem:v14+s26+$0x0] =	vst.idx.msk vm5, v61  }
0xe7: {  	v7 =	vadd.s32 v7, v13;
	[tilespmem:v15+s31+$0x0] =	vst.idx.msk vm15, v11  }
0xe8: {  	v62, _, _ =	vpop (xrf0);
	v7 =	vadd.s32 $0xFFFFFFFF, v7;
	[tilespmem:v15+s26+$0x0] =	vst.idx.msk vm15, v29  }
0xe9: {  	v11 =	vadd.s32 v62, v20;
	[tilespmem:v6+s31+$0x0] =	vst.idx.msk vm3, v8  }
0xea: {  	v63 =	vadd.s32 $0xFFFFFFFF, v11;
	[tilespmem:v6+s26+$0x0] =	vst.idx.msk vm3, v27;
	v6, _, _ =	vpop (xrf0)  }
0xeb: {  	[tilespmem:v4+s31+$0x0] =	vst.idx.msk vm1, v9;
	v6 =	vadd.s32 v6, v22  }
0xec: {  	[tilespmem:v4+s26+$0x0] =	vst.idx.msk vm1, v24;
	v4 =	vadd.s32 $0xFFFFFFFF, v6;
	s15 =	spop (v2sf)  }
0xed: {  	[tilespmem:v7+s31+$0x0] =	vst.idx.msk vm2, v10;
	p0 =	slt.s32 s15, $0x1C01  }
.Ltmp4:
0xee: {  	[tilespmem:v7+s26+$0x0] =	vst.idx.msk vm2, v21;
	(pc) =	sbr.rel @p0 .LBB2_11-.Ltmp4, $4  }
0xef: {  	[tilespmem:v63+s31+$0x0] =	vst.idx.msk vm6, v17  }
0xf0: {  	[tilespmem:v63+s26+$0x0] =	vst.idx.msk vm6, v19  }
0xf1: {  	[tilespmem:v4+s31+$0x0] =	vst.idx.msk vm7, v12  }
0xf2: {  	[tilespmem:v4+s26+$0x0] =	vst.idx.msk vm7, v18  }
0xf3: {  	[spmem:s2] =	stream.indirect.scatter.add.f32 [tilespmem:s26], [sflag:$0xC], $0x1, s31, s0, $0xb8;
	[tilespmem:$0x1D880] =	vst v63  }
0xf4: {  	_ =	swait.ge [sflag:s4], $0x2C00  }
0xf5: {  	[sflag:s4] =	ssyncset.done $0x0  }
0xf6: {  	s16 =	simm.s32 $0x40;
	s17 =	simm.s32 $0x0;
	[sflag:s4] =	ssyncadd.s32 $0xFFFFD400  }
.LBB2_9:
0xf7: {  	p0 =	sne.s32 s16, $0xAFC0;
	[tilespmem:s17+$0x8C00] =	vst v1;
	s17 =	smov.u32 s16;
	s16 =	sadd.s32 $0x40, s16  }
.Ltmp5:
0xf8: {  	(pc) =	sbr.rel @p0 .LBB2_9-.Ltmp5, $2  }
0xf9: {  	_ =	sdelay $0x2  }
0xfa: {  	s17 =	sshra.s32 s17, $0x2  }
0xfb: {  	[tilespmem:s17+$0x8C00] =	vst v1  }
.LBB2_11:
0xfc: {  	_ =	swait.ge [sflag:s9], $0x1000  }
0xfd: {  	[sflag:s9] =	ssyncset.done $0x0  }
0xfe: {  	s16 =	sadd.s32 s12, s3;
	[sflag:s9] =	ssyncadd.s32 $0xFFFFF000  }
0xff: {  	p0 =	seq.s32 s20, $0x11;
	s16 =	sshrl.u32 s16, $0x3;
	_ =	swait.ge [sflag:s9], $0x1000  }
0x100: {  	s16 =	smov.u32 @p0 s8;
	[sflag:s9] =	ssyncset.done $0x0  }
0x101: {  	s17 =	sadd.s32 s7, s16;
	[sflag:s9] =	ssyncadd.s32 $0xFFFFF000  }
0x102: {  	[tilespmem:s18], [sflag:$0x1] =	stream.linear.gather [hbm4b:s17+s18], $0x1000, $0x38;
	[tilespmem:$0x1D880] =	vst v63  }
0x103: {  	s16 =	sadd.s32 s6, s16;
	s17 =	simm.s32 $0x0  }
0x104: {  	[tilespmem:s22], [sflag:$0x1] =	stream.linear.gather [hbm4b:s16+s18], $0x1000, $0x38;
	[tilespmem:$0x1D880] =	vst v63  }
0x105: {  	v4 =	vld [tilespmem:s17+$0x1000];
	_ =	sdelay $0x1  }
0x106: {  	v6 =	vld [tilespmem:s17+$0x1010];
	_ =	sdelay $0x1  }
0x107: {  	v7 =	vld [tilespmem:s17+$0x1020]  }
0x108: {  	v8 =	vsub.s32 v4, v3  }
0x109: {  	v9 =	vld [tilespmem:s17+$0x1040];
	vm4 =	vlt.u32 v8, $0x120000  }
0x10a: {  	v10 =	vld [tilespmem:s17+$0x1050];
	v6 =	vsub.s32 v6, v3;
	(xrf0) =	vadd.scan.msk.s32 vm4, v2  }
0x10b: {  	v4 =	vld [tilespmem:s17+$0x1030];
	vm0 =	vlt.u32 v6, $0x120000  }
0x10c: {  	v7 =	vsub.s32 v7, v3;
	(xrf0) =	vadd.scan.msk.s32 vm0, v2  }
0x10d: {  	vm1 =	vlt.u32 v7, $0x120000  }
0x10e: {  	p1 =	sgt.s32 s15, $0x1C00;
	v11 =	vld [tilespmem:s17+$0x1060];
	(xrf0) =	vadd.scan.msk.s32 vm1, v2  }
0x10f: {  	v5 =	vpsel p1, $0x0, v5;
	v12 =	vld [tilespmem:s17+$0x1070];
	v9 =	vsub.s32 v9, v3  }
0x110: {  	v15 =	vld [tilespmem:s17+$0x4060];
	v10 =	vsub.s32 v10, v3;
	v14 =	vmpcnt.ones.xlane vm4;
	v13 =	vsub.s32 v4, v3;
	v16, _, _ =	vpop (xrf0)  }
0x111: {  	v18 =	vld [tilespmem:s17+$0x4050];
	vm3 =	vlt.u32 v9, $0x120000;
	vm2 =	vlt.u32 v13, $0x120000;
	v16 =	vadd.s32 v16, v5  }
0x112: {  	v19 =	vld [tilespmem:s17+$0x4040];
	v17 =	vmpcnt.ones.xlane vm0;
	(xrf0) =	vadd.scan.msk.s32 vm2, v2;
	v5 =	vadd.s32 v5, v14;
	v56, _, _ =	vpop (xrf0);
	v16 =	vadd.s32 $0xFFFFFFFF, v16  }
0x113: {  	v21 =	vld [tilespmem:s17+$0x4000];
	v11 =	vsub.s32 v11, v3;
	vm5 =	vlt.u32 v10, $0x120000;
	(xrf0) =	vadd.scan.msk.s32 vm3, v2;
	v14 =	vadd.s32 v56, v5  }
0x114: {  	v22 =	vld [tilespmem:s17+$0x4030];
	vm6 =	vlt.u32 v11, $0x120000;
	(xrf0) =	vadd.scan.msk.s32 vm5, v2;
	v5 =	vadd.s32 v5, v17;
	v57, _, _ =	vpop (xrf0);
	v14 =	vadd.s32 $0xFFFFFFFF, v14  }
0x115: {  	v23 =	vld [tilespmem:s17+$0x4010];
	v20 =	vmpcnt.ones.xlane vm1;
	(xrf0) =	vadd.scan.msk.s32 vm6, v2;
	v17 =	vadd.s32 v57, v5  }
0x116: {  	v25 =	vld [tilespmem:s17+$0x4020];
	v24 =	vmpcnt.ones.xlane vm2;
	v17 =	vadd.s32 $0xFFFFFFFF, v17  }
0x117: {  	v4 =	vld [tilespmem:s17+$0x4070];
	v5 =	vadd.s32 v5, v20;
	[tilespmem:v16+s31+$0x0] =	vst.idx.msk vm4, v8  }
0x118: {  	v24 =	vadd.s32 v5, v24;
	v58, _, _ =	vpop (xrf0);
	v8 =	vmpcnt.ones.xlane vm3;
	[tilespmem:v16+s26+$0x0] =	vst.idx.msk vm4, v21  }
0x119: {  	v20 =	vadd.s32 v58, v5;
	v26, _, _ =	vpop (xrf0);
	v5 =	vsub.s32 v12, v3;
	[tilespmem:v14+s31+$0x0] =	vst.idx.msk vm0, v6;
	v6 =	vmpcnt.ones.xlane vm5  }
0x11a: {  	v20 =	vadd.s32 $0xFFFFFFFF, v20;
	v60, _, _ =	vpop (xrf0);
	v8 =	vadd.s32 v24, v8;
	[tilespmem:v14+s26+$0x0] =	vst.idx.msk vm0, v23;
	vm0 =	vlt.u32 v5, $0x120000  }
0x11b: {  	v59 =	vadd.s32 v26, v24;
	[tilespmem:v17+s31+$0x0] =	vst.idx.msk vm1, v7;
	v6 =	vadd.s32 v8, v6;
	(xrf0) =	vadd.scan.msk.s32 vm0, v2;
	v7, _, _ =	vpop (xrf0)  }
0x11c: {  	v12 =	vadd.s32 $0xFFFFFFFF, v59;
	v7 =	vadd.s32 v7, v6  }
0x11d: {  	v61 =	vadd.s32 v60, v8;
	v62 =	vadd.s32 $0xFFFFFFFF, v7;
	v7 =	vmpcnt.ones.xlane vm6  }
0x11e: {  	v8 =	vadd.s32 $0xFFFFFFFF, v61;
	[tilespmem:v17+s26+$0x0] =	vst.idx.msk vm1, v25  }
0x11f: {  	[tilespmem:v20+s31+$0x0] =	vst.idx.msk vm2, v13  }
0x120: {  	[tilespmem:v20+s26+$0x0] =	vst.idx.msk vm2, v22  }
0x121: {  	[tilespmem:v12+s31+$0x0] =	vst.idx.msk vm3, v9;
	v6 =	vadd.s32 v6, v7;
	v7, _, _ =	vpop (xrf0)  }
0x122: {  	[tilespmem:v12+s26+$0x0] =	vst.idx.msk vm3, v19;
	v7 =	vadd.s32 v7, v6  }
0x123: {  	[tilespmem:v8+s31+$0x0] =	vst.idx.msk vm5, v10;
	v7 =	vadd.s32 $0xFFFFFFFF, v7  }
0x124: {  	v63 =	vmpcnt.ones.xlane vm0;
	[tilespmem:v8+s26+$0x0] =	vst.idx.msk vm5, v18  }
0x125: {  	[tilespmem:v62+s31+$0x0] =	vst.idx.msk vm6, v11  }
0x126: {  	s15 =	simm.s32 $0x200;
	s16 =	simm.s32 $0x400;
	v6 =	vadd.s32 v6, v63;
	[tilespmem:v62+s26+$0x0] =	vst.idx.msk vm6, v15  }
.LBB2_12:
0x127: {  	p1 =	sne.s32 s16, $0x3E00  }
0x128: {  	s17 =	sshra.s32 s15, $0x2;
	[tilespmem:v7+s31+$0x0] =	vst.idx.msk vm0, v5;
	s15 =	smov.u32 s16;
	s16 =	sadd.s32 $0x200, s16  }
0x129: {  	[tilespmem:v7+s26+$0x0] =	vst.idx.msk vm0, v4  }
0x12a: {  	v4 =	vld [tilespmem:s17+$0x1000]  }
0x12b: {  	v5 =	vld [tilespmem:s17+$0x1010];
	_ =	sdelay $0x1  }
0x12c: {  	v7 =	vld [tilespmem:s17+$0x1020]  }
0x12d: {  	v8 =	vld [tilespmem:s17+$0x1040]  }
0x12e: {  	v9 =	vsub.s32 v4, v3;
	v4 =	vld [tilespmem:s17+$0x1030]  }
0x12f: {  	vm6 =	vlt.u32 v9, $0x120000;
	v10 =	vsub.s32 v5, v3  }
0x130: {  	vm2 =	vlt.u32 v10, $0x120000;
	v5 =	vld [tilespmem:s17+$0x1050];
	(xrf0) =	vadd.scan.msk.s32 vm6, v2  }
0x131: {  	v7 =	vsub.s32 v7, v3;
	v11 =	vld [tilespmem:s17+$0x1060];
	(xrf0) =	vadd.scan.msk.s32 vm2, v2  }
0x132: {  	vm3 =	vlt.u32 v7, $0x120000;
	v12 =	vld [tilespmem:s17+$0x1070]  }
0x133: {  	v8 =	vsub.s32 v8, v3;
	v13 =	vmpcnt.ones.xlane vm3;
	v14 =	vsub.s32 v4, v3;
	(xrf0) =	vadd.scan.msk.s32 vm3, v2  }
0x134: {  	v22 =	vmpcnt.ones.xlane vm6;
	vm1 =	vlt.u32 v8, $0x120000;
	vm5 =	vlt.u32 v14, $0x120000  }
0x135: {  	v16 =	vmpcnt.ones.xlane vm2;
	v17 =	vmpcnt.ones.xlane vm5;
	v18 =	vsub.s32 v5, v3;
	v4 =	vld [tilespmem:s17+$0x4070];
	(xrf0) =	vadd.scan.msk.s32 vm5, v2  }
0x136: {  	vm4 =	vlt.u32 v18, $0x120000;
	v11 =	vsub.s32 v11, v3;
	v19 =	vld [tilespmem:s17+$0x4060];
	v20, _, _ =	vpop (xrf0);
	(xrf0) =	vadd.scan.msk.s32 vm1, v2  }
0x137: {  	v21 =	vld [tilespmem:s17+$0x4050];
	v5 =	vsub.s32 v12, v3;
	v12 =	vadd.s32 v6, v22;
	v6 =	vadd.s32 v20, v6;
	v15, _, _ =	vpop (xrf0);
	(xrf0) =	vadd.scan.msk.s32 vm4, v2  }
0x138: {  	vm7 =	vlt.u32 v11, $0x120000;
	v20 =	vld [tilespmem:s17+$0x4040];
	v6 =	vadd.s32 $0xFFFFFFFF, v6;
	v15 =	vadd.s32 v15, v12  }
0x139: {  	v12 =	vadd.s32 v12, v16;
	v22 =	vld [tilespmem:s17+$0x4000];
	v15 =	vadd.s32 $0xFFFFFFFF, v15;
	v16, _, _ =	vpop (xrf0);
	(xrf0) =	vadd.scan.msk.s32 vm7, v2  }
0x13a: {  	v13 =	vadd.s32 v12, v13;
	v23 =	vld [tilespmem:s17+$0x4030];
	v12 =	vadd.s32 v16, v12  }
0x13b: {  	v24 =	vmpcnt.ones.xlane vm1;
	v28 =	vadd.s32 v13, v17;
	v16 =	vld [tilespmem:s17+$0x4010];
	v12 =	vadd.s32 $0xFFFFFFFF, v12;
	v25, _, _ =	vpop (xrf0)  }
0x13c: {  	v27 =	vmpcnt.ones.xlane vm4;
	vm0 =	vlt.u32 v5, $0x120000;
	v26 =	vld [tilespmem:s17+$0x4020];
	v13 =	vadd.s32 v25, v13;
	v25, _, _ =	vpop (xrf0)  }
0x13d: {  	v24 =	vadd.s32 v28, v24;
	[tilespmem:v6+s31+$0x0] =	vst.idx.msk vm6, v9;
	v9 =	vadd.s32 $0xFFFFFFFF, v13;
	v28 =	vadd.s32 v25, v28;
	v17, _, _ =	vpop (xrf0)  }
0x13e: {  	v25 =	vadd.s32 v24, v27;
	[tilespmem:v6+s26+$0x0] =	vst.idx.msk vm6, v22;
	v6 =	vadd.s32 v17, v24;
	(xrf0) =	vadd.scan.msk.s32 vm0, v2  }
0x13f: {  	[tilespmem:v15+s31+$0x0] =	vst.idx.msk vm2, v10;
	v10 =	vadd.s32 $0xFFFFFFFF, v28;
	v13, _, _ =	vpop (xrf0)  }
0x140: {  	[tilespmem:v15+s26+$0x0] =	vst.idx.msk vm2, v16;
	v13 =	vadd.s32 v13, v25  }
0x141: {  	v15 =	vmpcnt.ones.xlane vm7;
	v16 =	vadd.s32 $0xFFFFFFFF, v6;
	[tilespmem:v12+s31+$0x0] =	vst.idx.msk vm3, v7  }
0x142: {  	v6 =	vmpcnt.ones.xlane vm0;
	[tilespmem:v12+s26+$0x0] =	vst.idx.msk vm3, v26  }
0x143: {  	v7 =	vadd.s32 v25, v15;
	v12 =	vadd.s32 $0xFFFFFFFF, v13;
	[tilespmem:v9+s31+$0x0] =	vst.idx.msk vm5, v14  }
0x144: {  	v6 =	vadd.s32 v7, v6;
	[tilespmem:v9+s26+$0x0] =	vst.idx.msk vm5, v23;
	v9, _, _ =	vpop (xrf0)  }
0x145: {  	[tilespmem:v10+s31+$0x0] =	vst.idx.msk vm1, v8;
	v7 =	vadd.s32 v9, v7  }
.Ltmp6:
0x146: {  	[tilespmem:v10+s26+$0x0] =	vst.idx.msk vm1, v20;
	v7 =	vadd.s32 $0xFFFFFFFF, v7;
	(pc) =	sbr.rel @p1 .LBB2_12-.Ltmp6, $4  }
0x147: {  	[tilespmem:v16+s31+$0x0] =	vst.idx.msk vm4, v18  }
0x148: {  	[tilespmem:v16+s26+$0x0] =	vst.idx.msk vm4, v21  }
0x149: {  	[tilespmem:v12+s31+$0x0] =	vst.idx.msk vm7, v11  }
0x14a: {  	[tilespmem:v12+s26+$0x0] =	vst.idx.msk vm7, v19  }
0x14b: {  	_ =	sdelay $0x4  }
0x14c: {  	[tilespmem:v7+s31+$0x0] =	vst.idx.msk vm0, v5  }
0x14d: {  	s15 =	sshra.s32 s15, $0x2;
	[tilespmem:v7+s26+$0x0] =	vst.idx.msk vm0, v4  }
0x14e: {  	v4 =	vld [tilespmem:s15+$0x1000]  }
0x14f: {  	v5 =	vld [tilespmem:s15+$0x1020]  }
0x150: {  	v7 =	vld [tilespmem:s15+$0x1010]  }
0x151: {  	v8 =	vld [tilespmem:s15+$0x1030]  }
0x152: {  	v9 =	vld [tilespmem:s15+$0x1040]  }
0x153: {  	v10 =	vld [tilespmem:s15+$0x1050]  }
0x154: {  	v12 =	vld [tilespmem:s15+$0x1070]  }
0x155: {  	v4 =	vsub.s32 v4, v3  }
0x156: {  	vm4 =	vlt.u32 v4, $0x120000  }
0x157: {  	(xrf0) =	vadd.scan.msk.s32 vm4, v2  }
0x158: {  	v11 =	vsub.s32 v5, v3;
	v5 =	vld [tilespmem:s15+$0x1060];
	v7 =	vsub.s32 v7, v3;
	v8 =	vsub.s32 v8, v3  }
0x159: {  	v9 =	vsub.s32 v9, v3;
	v10 =	vsub.s32 v10, v3;
	v12 =	vsub.s32 v12, v3  }
0x15a: {  	vm15 =	vlt.u32 v11, $0x120000;
	vm5 =	vlt.u32 v7, $0x120000;
	v14 =	vmpcnt.ones.xlane vm4  }
0x15b: {  	vm3 =	vlt.u32 v8, $0x120000;
	vm1 =	vlt.u32 v9, $0x120000;
	v15 =	vmpcnt.ones.xlane vm5  }
0x15c: {  	vm2 =	vlt.u32 v10, $0x120000;
	v13 =	vmpcnt.ones.xlane vm15;
	v14 =	vadd.s32 v6, v14  }
0x15d: {  	v16 =	vmpcnt.ones.xlane vm3;
	v17 =	vsub.s32 v5, v3;
	v15 =	vadd.s32 v14, v15;
	v5, _, _ =	vpop (xrf0)  }
0x15e: {  	v59 =	vmpcnt.ones.xlane vm1;
	v5 =	vadd.s32 v5, v6;
	v6 =	vadd.s32 v15, v13  }
0x15f: {  	v20 =	vmpcnt.ones.xlane vm2;
	(xrf0) =	vadd.scan.msk.s32 vm5, v2;
	vm6 =	vlt.u32 v17, $0x120000;
	v16 =	vadd.s32 v6, v16  }
0x160: {  	vm7 =	vlt.u32 v12, $0x120000;
	v22 =	vmpcnt.ones.xlane vm6;
	v13 =	vadd.s32 v16, v59  }
0x161: {  	(xrf0) =	vadd.scan.msk.s32 vm15, v2;
	v25 =	vadd.s32 $0xFFFFFFFF, v5;
	v5 =	vmpcnt.ones.xlane vm7;
	v20 =	vadd.s32 v13, v20  }
0x162: {  	v22 =	vadd.s32 v20, v22  }
0x163: {  	v18 =	vld [tilespmem:s15+$0x4070];
	(xrf0) =	vadd.scan.msk.s32 vm3, v2;
	v5 =	vadd.s32 v22, v5  }
0x164: {  	v19 =	vld [tilespmem:s15+$0x4060];
	(v2sf) =	vpush v5, $0x0  }
0x165: {  	v21 =	vld [tilespmem:s15+$0x4050];
	(xrf0) =	vadd.scan.msk.s32 vm1, v2;
	v23, _, _ =	vpop (xrf0)  }
0x166: {  	v60 =	vld [tilespmem:s15+$0x4000];
	v14 =	vadd.s32 v23, v14  }
0x167: {  	v24 =	vld [tilespmem:s15+$0x4040];
	(xrf0) =	vadd.scan.msk.s32 vm2, v2;
	v26, _, _ =	vpop (xrf0);
	v14 =	vadd.s32 $0xFFFFFFFF, v14  }
0x168: {  	v61 =	vld [tilespmem:s15+$0x4010];
	v15 =	vadd.s32 v26, v15  }
0x169: {  	v27 =	vld [tilespmem:s15+$0x4030];
	(xrf0) =	vadd.scan.msk.s32 vm6, v2;
	v15 =	vadd.s32 $0xFFFFFFFF, v15;
	v28, _, _ =	vpop (xrf0)  }
0x16a: {  	v29 =	vld [tilespmem:s15+$0x4020];
	v6 =	vadd.s32 v28, v6;
	[tilespmem:v25+s31+$0x0] =	vst.idx.msk vm4, v4  }
0x16b: {  	(xrf0) =	vadd.scan.msk.s32 vm7, v2;
	v4, _, _ =	vpop (xrf0);
	[tilespmem:v25+s26+$0x0] =	vst.idx.msk vm4, v60;
	v6 =	vadd.s32 $0xFFFFFFFF, v6  }
0x16c: {  	v4 =	vadd.s32 v4, v16;
	[tilespmem:v14+s31+$0x0] =	vst.idx.msk vm5, v7  }
0x16d: {  	v7, _, _ =	vpop (xrf0);
	v4 =	vadd.s32 $0xFFFFFFFF, v4;
	[tilespmem:v14+s26+$0x0] =	vst.idx.msk vm5, v61  }
0x16e: {  	v7 =	vadd.s32 v7, v13;
	[tilespmem:v15+s31+$0x0] =	vst.idx.msk vm15, v11  }
0x16f: {  	v62, _, _ =	vpop (xrf0);
	v7 =	vadd.s32 $0xFFFFFFFF, v7;
	[tilespmem:v15+s26+$0x0] =	vst.idx.msk vm15, v29  }
0x170: {  	v11 =	vadd.s32 v62, v20;
	[tilespmem:v6+s31+$0x0] =	vst.idx.msk vm3, v8  }
0x171: {  	v63 =	vadd.s32 $0xFFFFFFFF, v11;
	[tilespmem:v6+s26+$0x0] =	vst.idx.msk vm3, v27;
	v6, _, _ =	vpop (xrf0)  }
0x172: {  	[tilespmem:v4+s31+$0x0] =	vst.idx.msk vm1, v9;
	v6 =	vadd.s32 v6, v22  }
0x173: {  	[tilespmem:v4+s26+$0x0] =	vst.idx.msk vm1, v24;
	v4 =	vadd.s32 $0xFFFFFFFF, v6;
	s15 =	spop (v2sf)  }
0x174: {  	[tilespmem:v7+s31+$0x0] =	vst.idx.msk vm2, v10;
	p1 =	slt.s32 s15, $0x1C01  }
.Ltmp7:
0x175: {  	[tilespmem:v7+s26+$0x0] =	vst.idx.msk vm2, v21;
	(pc) =	sbr.rel @p1 .LBB2_17-.Ltmp7, $4  }
0x176: {  	[tilespmem:v63+s31+$0x0] =	vst.idx.msk vm6, v17  }
0x177: {  	[tilespmem:v63+s26+$0x0] =	vst.idx.msk vm6, v19  }
0x178: {  	[tilespmem:v4+s31+$0x0] =	vst.idx.msk vm7, v12  }
0x179: {  	[tilespmem:v4+s26+$0x0] =	vst.idx.msk vm7, v18  }
0x17a: {  	[spmem:s2] =	stream.indirect.scatter.add.f32 [tilespmem:s26], [sflag:$0xC], $0x1, s31, s0, $0xb8;
	[tilespmem:$0x1D880] =	vst v63  }
0x17b: {  	_ =	swait.ge [sflag:s4], $0x2C00  }
0x17c: {  	[sflag:s4] =	ssyncset.done $0x0  }
0x17d: {  	s16 =	simm.s32 $0x40;
	s17 =	simm.s32 $0x0;
	[sflag:s4] =	ssyncadd.s32 $0xFFFFD400  }
.LBB2_15:
0x17e: {  	p1 =	sne.s32 s16, $0xAFC0;
	[tilespmem:s17+$0x8C00] =	vst v1;
	s17 =	smov.u32 s16;
	s16 =	sadd.s32 $0x40, s16  }
.Ltmp8:
0x17f: {  	(pc) =	sbr.rel @p1 .LBB2_15-.Ltmp8, $2  }
0x180: {  	_ =	sdelay $0x2  }
0x181: {  	s17 =	sshra.s32 s17, $0x2  }
0x182: {  	[tilespmem:s17+$0x8C00] =	vst v1  }
.LBB2_17:
0x183: {  	_ =	swait.ge [sflag:s10], $0x1000  }
0x184: {  	[sflag:s10] =	ssyncset.done $0x0  }
0x185: {  	s12 =	sadd.s32 s12, s5;
	[sflag:s10] =	ssyncadd.s32 $0xFFFFF000  }
0x186: {  	s12 =	sshrl.u32 s12, $0x3;
	_ =	swait.ge [sflag:s10], $0x1000  }
0x187: {  	s12 =	smov.u32 @p0 s14;
	[sflag:s10] =	ssyncset.done $0x0  }
0x188: {  	s17 =	simm.s32 $0x0;
	s16 =	sadd.s32 s7, s12;
	[sflag:s10] =	ssyncadd.s32 $0xFFFFF000  }
0x189: {  	[tilespmem:s23], [sflag:$0x2] =	stream.linear.gather [hbm4b:s16+s17], $0x1000, $0x38;
	[tilespmem:$0x1D880] =	vst v63  }
0x18a: {  	s12 =	sadd.s32 s6, s12  }
0x18b: {  	[tilespmem:s24], [sflag:$0x2] =	stream.linear.gather [hbm4b:s12+s17], $0x1000, $0x38;
	[tilespmem:$0x1D880] =	vst v63  }
0x18c: {  	s17 =	simm.s32 $0x0  }
0x18d: {  	v4 =	vld [tilespmem:s17+$0x2000];
	_ =	sdelay $0x1  }
0x18e: {  	v6 =	vld [tilespmem:s17+$0x2010];
	_ =	sdelay $0x1  }
0x18f: {  	v7 =	vld [tilespmem:s17+$0x2020]  }
0x190: {  	v8 =	vsub.s32 v4, v3  }
0x191: {  	v9 =	vld [tilespmem:s17+$0x2040];
	vm4 =	vlt.u32 v8, $0x120000  }
0x192: {  	v10 =	vld [tilespmem:s17+$0x2050];
	v6 =	vsub.s32 v6, v3;
	(xrf0) =	vadd.scan.msk.s32 vm4, v2  }
0x193: {  	v4 =	vld [tilespmem:s17+$0x2030];
	vm0 =	vlt.u32 v6, $0x120000  }
0x194: {  	v7 =	vsub.s32 v7, v3;
	(xrf0) =	vadd.scan.msk.s32 vm0, v2  }
0x195: {  	vm1 =	vlt.u32 v7, $0x120000  }
0x196: {  	p6 =	sgt.s32 s15, $0x1C00;
	v11 =	vld [tilespmem:s17+$0x2060];
	(xrf0) =	vadd.scan.msk.s32 vm1, v2  }
0x197: {  	v5 =	vpsel p6, $0x0, v5;
	v12 =	vld [tilespmem:s17+$0x2070];
	v9 =	vsub.s32 v9, v3  }
0x198: {  	v15 =	vld [tilespmem:s17+$0x5060];
	v10 =	vsub.s32 v10, v3;
	v14 =	vmpcnt.ones.xlane vm4;
	v13 =	vsub.s32 v4, v3;
	v16, _, _ =	vpop (xrf0)  }
0x199: {  	v18 =	vld [tilespmem:s17+$0x5050];
	vm3 =	vlt.u32 v9, $0x120000;
	vm2 =	vlt.u32 v13, $0x120000;
	v16 =	vadd.s32 v16, v5  }
0x19a: {  	v19 =	vld [tilespmem:s17+$0x5040];
	v17 =	vmpcnt.ones.xlane vm0;
	(xrf0) =	vadd.scan.msk.s32 vm2, v2;
	v5 =	vadd.s32 v5, v14;
	v56, _, _ =	vpop (xrf0);
	v16 =	vadd.s32 $0xFFFFFFFF, v16  }
0x19b: {  	v21 =	vld [tilespmem:s17+$0x5000];
	v11 =	vsub.s32 v11, v3;
	vm5 =	vlt.u32 v10, $0x120000;
	(xrf0) =	vadd.scan.msk.s32 vm3, v2;
	v14 =	vadd.s32 v56, v5  }
0x19c: {  	v22 =	vld [tilespmem:s17+$0x5030];
	vm6 =	vlt.u32 v11, $0x120000;
	(xrf0) =	vadd.scan.msk.s32 vm5, v2;
	v5 =	vadd.s32 v5, v17;
	v57, _, _ =	vpop (xrf0);
	v14 =	vadd.s32 $0xFFFFFFFF, v14  }
0x19d: {  	v23 =	vld [tilespmem:s17+$0x5010];
	v20 =	vmpcnt.ones.xlane vm1;
	(xrf0) =	vadd.scan.msk.s32 vm6, v2;
	v17 =	vadd.s32 v57, v5  }
0x19e: {  	v25 =	vld [tilespmem:s17+$0x5020];
	v24 =	vmpcnt.ones.xlane vm2;
	v17 =	vadd.s32 $0xFFFFFFFF, v17  }
0x19f: {  	v4 =	vld [tilespmem:s17+$0x5070];
	v5 =	vadd.s32 v5, v20;
	[tilespmem:v16+s31+$0x0] =	vst.idx.msk vm4, v8  }
0x1a0: {  	v24 =	vadd.s32 v5, v24;
	v58, _, _ =	vpop (xrf0);
	v8 =	vmpcnt.ones.xlane vm3;
	[tilespmem:v16+s26+$0x0] =	vst.idx.msk vm4, v21  }
0x1a1: {  	v20 =	vadd.s32 v58, v5;
	v26, _, _ =	vpop (xrf0);
	v5 =	vsub.s32 v12, v3;
	[tilespmem:v14+s31+$0x0] =	vst.idx.msk vm0, v6;
	v6 =	vmpcnt.ones.xlane vm5  }
0x1a2: {  	v20 =	vadd.s32 $0xFFFFFFFF, v20;
	v60, _, _ =	vpop (xrf0);
	v8 =	vadd.s32 v24, v8;
	[tilespmem:v14+s26+$0x0] =	vst.idx.msk vm0, v23;
	vm0 =	vlt.u32 v5, $0x120000  }
0x1a3: {  	v59 =	vadd.s32 v26, v24;
	[tilespmem:v17+s31+$0x0] =	vst.idx.msk vm1, v7;
	v6 =	vadd.s32 v8, v6;
	(xrf0) =	vadd.scan.msk.s32 vm0, v2;
	v7, _, _ =	vpop (xrf0)  }
0x1a4: {  	v12 =	vadd.s32 $0xFFFFFFFF, v59;
	v7 =	vadd.s32 v7, v6  }
0x1a5: {  	v61 =	vadd.s32 v60, v8;
	v62 =	vadd.s32 $0xFFFFFFFF, v7;
	v7 =	vmpcnt.ones.xlane vm6  }
0x1a6: {  	v8 =	vadd.s32 $0xFFFFFFFF, v61;
	[tilespmem:v17+s26+$0x0] =	vst.idx.msk vm1, v25  }
0x1a7: {  	[tilespmem:v20+s31+$0x0] =	vst.idx.msk vm2, v13  }
0x1a8: {  	[tilespmem:v20+s26+$0x0] =	vst.idx.msk vm2, v22  }
0x1a9: {  	[tilespmem:v12+s31+$0x0] =	vst.idx.msk vm3, v9;
	v6 =	vadd.s32 v6, v7;
	v7, _, _ =	vpop (xrf0)  }
0x1aa: {  	[tilespmem:v12+s26+$0x0] =	vst.idx.msk vm3, v19;
	v7 =	vadd.s32 v7, v6  }
0x1ab: {  	[tilespmem:v8+s31+$0x0] =	vst.idx.msk vm5, v10;
	v7 =	vadd.s32 $0xFFFFFFFF, v7  }
0x1ac: {  	v63 =	vmpcnt.ones.xlane vm0;
	[tilespmem:v8+s26+$0x0] =	vst.idx.msk vm5, v18  }
0x1ad: {  	[tilespmem:v62+s31+$0x0] =	vst.idx.msk vm6, v11  }
0x1ae: {  	s15 =	simm.s32 $0x400;
	s12 =	simm.s32 $0x200;
	v6 =	vadd.s32 v6, v63;
	[tilespmem:v62+s26+$0x0] =	vst.idx.msk vm6, v15  }
.LBB2_18:
0x1af: {  	p0 =	sne.s32 s15, $0x3E00  }
0x1b0: {  	s16 =	sshra.s32 s12, $0x2;
	[tilespmem:v7+s31+$0x0] =	vst.idx.msk vm0, v5;
	s12 =	smov.u32 s15;
	s15 =	sadd.s32 $0x200, s15  }
0x1b1: {  	[tilespmem:v7+s26+$0x0] =	vst.idx.msk vm0, v4  }
0x1b2: {  	v4 =	vld [tilespmem:s16+$0x2000]  }
0x1b3: {  	v5 =	vld [tilespmem:s16+$0x2010];
	_ =	sdelay $0x1  }
0x1b4: {  	v7 =	vld [tilespmem:s16+$0x2020]  }
0x1b5: {  	v8 =	vld [tilespmem:s16+$0x2040]  }
0x1b6: {  	v9 =	vsub.s32 v4, v3;
	v4 =	vld [tilespmem:s16+$0x2030]  }
0x1b7: {  	vm6 =	vlt.u32 v9, $0x120000;
	v10 =	vsub.s32 v5, v3  }
0x1b8: {  	vm2 =	vlt.u32 v10, $0x120000;
	v5 =	vld [tilespmem:s16+$0x2050];
	(xrf0) =	vadd.scan.msk.s32 vm6, v2  }
0x1b9: {  	v7 =	vsub.s32 v7, v3;
	v11 =	vld [tilespmem:s16+$0x2060];
	(xrf0) =	vadd.scan.msk.s32 vm2, v2  }
0x1ba: {  	vm3 =	vlt.u32 v7, $0x120000;
	v12 =	vld [tilespmem:s16+$0x2070]  }
0x1bb: {  	v8 =	vsub.s32 v8, v3;
	v13 =	vmpcnt.ones.xlane vm3;
	v14 =	vsub.s32 v4, v3;
	(xrf0) =	vadd.scan.msk.s32 vm3, v2  }
0x1bc: {  	v22 =	vmpcnt.ones.xlane vm6;
	vm1 =	vlt.u32 v8, $0x120000;
	vm5 =	vlt.u32 v14, $0x120000  }
0x1bd: {  	v16 =	vmpcnt.ones.xlane vm2;
	v17 =	vmpcnt.ones.xlane vm5;
	v18 =	vsub.s32 v5, v3;
	v4 =	vld [tilespmem:s16+$0x5070];
	(xrf0) =	vadd.scan.msk.s32 vm5, v2  }
0x1be: {  	vm4 =	vlt.u32 v18, $0x120000;
	v11 =	vsub.s32 v11, v3;
	v19 =	vld [tilespmem:s16+$0x5060];
	v20, _, _ =	vpop (xrf0);
	(xrf0) =	vadd.scan.msk.s32 vm1, v2  }
0x1bf: {  	v21 =	vld [tilespmem:s16+$0x5050];
	v5 =	vsub.s32 v12, v3;
	v12 =	vadd.s32 v6, v22;
	v6 =	vadd.s32 v20, v6;
	v15, _, _ =	vpop (xrf0);
	(xrf0) =	vadd.scan.msk.s32 vm4, v2  }
0x1c0: {  	vm7 =	vlt.u32 v11, $0x120000;
	v20 =	vld [tilespmem:s16+$0x5040];
	v6 =	vadd.s32 $0xFFFFFFFF, v6;
	v15 =	vadd.s32 v15, v12  }
0x1c1: {  	v12 =	vadd.s32 v12, v16;
	v22 =	vld [tilespmem:s16+$0x5000];
	v15 =	vadd.s32 $0xFFFFFFFF, v15;
	v16, _, _ =	vpop (xrf0);
	(xrf0) =	vadd.scan.msk.s32 vm7, v2  }
0x1c2: {  	v13 =	vadd.s32 v12, v13;
	v23 =	vld [tilespmem:s16+$0x5030];
	v12 =	vadd.s32 v16, v12  }
0x1c3: {  	v24 =	vmpcnt.ones.xlane vm1;
	v28 =	vadd.s32 v13, v17;
	v16 =	vld [tilespmem:s16+$0x5010];
	v12 =	vadd.s32 $0xFFFFFFFF, v12;
	v25, _, _ =	vpop (xrf0)  }
0x1c4: {  	v27 =	vmpcnt.ones.xlane vm4;
	vm0 =	vlt.u32 v5, $0x120000;
	v26 =	vld [tilespmem:s16+$0x5020];
	v13 =	vadd.s32 v25, v13;
	v25, _, _ =	vpop (xrf0)  }
0x1c5: {  	v24 =	vadd.s32 v28, v24;
	[tilespmem:v6+s31+$0x0] =	vst.idx.msk vm6, v9;
	v9 =	vadd.s32 $0xFFFFFFFF, v13;
	v28 =	vadd.s32 v25, v28;
	v17, _, _ =	vpop (xrf0)  }
0x1c6: {  	v25 =	vadd.s32 v24, v27;
	[tilespmem:v6+s26+$0x0] =	vst.idx.msk vm6, v22;
	v6 =	vadd.s32 v17, v24;
	(xrf0) =	vadd.scan.msk.s32 vm0, v2  }
0x1c7: {  	[tilespmem:v15+s31+$0x0] =	vst.idx.msk vm2, v10;
	v10 =	vadd.s32 $0xFFFFFFFF, v28;
	v13, _, _ =	vpop (xrf0)  }
0x1c8: {  	[tilespmem:v15+s26+$0x0] =	vst.idx.msk vm2, v16;
	v13 =	vadd.s32 v13, v25  }
0x1c9: {  	v15 =	vmpcnt.ones.xlane vm7;
	v16 =	vadd.s32 $0xFFFFFFFF, v6;
	[tilespmem:v12+s31+$0x0] =	vst.idx.msk vm3, v7  }
0x1ca: {  	v6 =	vmpcnt.ones.xlane vm0;
	[tilespmem:v12+s26+$0x0] =	vst.idx.msk vm3, v26  }
0x1cb: {  	v7 =	vadd.s32 v25, v15;
	v12 =	vadd.s32 $0xFFFFFFFF, v13;
	[tilespmem:v9+s31+$0x0] =	vst.idx.msk vm5, v14  }
0x1cc: {  	v6 =	vadd.s32 v7, v6;
	[tilespmem:v9+s26+$0x0] =	vst.idx.msk vm5, v23;
	v9, _, _ =	vpop (xrf0)  }
0x1cd: {  	[tilespmem:v10+s31+$0x0] =	vst.idx.msk vm1, v8;
	v7 =	vadd.s32 v9, v7  }
.Ltmp9:
0x1ce: {  	[tilespmem:v10+s26+$0x0] =	vst.idx.msk vm1, v20;
	v7 =	vadd.s32 $0xFFFFFFFF, v7;
	(pc) =	sbr.rel @p0 .LBB2_18-.Ltmp9, $4  }
0x1cf: {  	[tilespmem:v16+s31+$0x0] =	vst.idx.msk vm4, v18  }
0x1d0: {  	[tilespmem:v16+s26+$0x0] =	vst.idx.msk vm4, v21  }
0x1d1: {  	[tilespmem:v12+s31+$0x0] =	vst.idx.msk vm7, v11  }
0x1d2: {  	[tilespmem:v12+s26+$0x0] =	vst.idx.msk vm7, v19  }
0x1d3: {  	_ =	sdelay $0x4  }
0x1d4: {  	[tilespmem:v7+s31+$0x0] =	vst.idx.msk vm0, v5  }
0x1d5: {  	s12 =	sshra.s32 s12, $0x2;
	[tilespmem:v7+s26+$0x0] =	vst.idx.msk vm0, v4  }
0x1d6: {  	v4 =	vld [tilespmem:s12+$0x2000]  }
0x1d7: {  	v5 =	vld [tilespmem:s12+$0x2020]  }
0x1d8: {  	v7 =	vld [tilespmem:s12+$0x2010]  }
0x1d9: {  	v8 =	vld [tilespmem:s12+$0x2030]  }
0x1da: {  	v9 =	vld [tilespmem:s12+$0x2040]  }
0x1db: {  	v11 =	vld [tilespmem:s12+$0x2060]  }
0x1dc: {  	v12 =	vld [tilespmem:s12+$0x2070];
	_ =	sdelay $0x2  }
0x1dd: {  	v10 =	vsub.s32 v4, v3;
	v5 =	vsub.s32 v5, v3  }
0x1de: {  	v4 =	vld [tilespmem:s12+$0x2050];
	v7 =	vsub.s32 v7, v3;
	v8 =	vsub.s32 v8, v3;
	vm4 =	vlt.u32 v10, $0x120000  }
0x1df: {  	v9 =	vsub.s32 v9, v3;
	v11 =	vsub.s32 v11, v3;
	v12 =	vsub.s32 v12, v3;
	(xrf0) =	vadd.scan.msk.s32 vm4, v2  }
0x1e0: {  	vm15 =	vlt.u32 v5, $0x120000;
	vm5 =	vlt.u32 v7, $0x120000;
	v14 =	vmpcnt.ones.xlane vm4  }
0x1e1: {  	vm3 =	vlt.u32 v8, $0x120000;
	vm1 =	vlt.u32 v9, $0x120000;
	v15 =	vmpcnt.ones.xlane vm5  }
0x1e2: {  	vm6 =	vlt.u32 v11, $0x120000;
	v13 =	vmpcnt.ones.xlane vm15;
	v14 =	vadd.s32 v6, v14  }
0x1e3: {  	v16 =	vsub.s32 v4, v3;
	v4 =	vmpcnt.ones.xlane vm3;
	v15 =	vadd.s32 v14, v15  }
0x1e4: {  	v59 =	vmpcnt.ones.xlane vm1;
	vm2 =	vlt.u32 v16, $0x120000;
	v13 =	vadd.s32 v15, v13  }
0x1e5: {  	vm7 =	vlt.u32 v12, $0x120000;
	(xrf0) =	vadd.scan.msk.s32 vm5, v2;
	v20 =	vadd.s32 v13, v4;
	v4 =	vmpcnt.ones.xlane vm2;
	v17, _, _ =	vpop (xrf0)  }
0x1e6: {  	v22 =	vmpcnt.ones.xlane vm6;
	v6 =	vadd.s32 v17, v6;
	v17 =	vadd.s32 v20, v59  }
0x1e7: {  	(xrf0) =	vadd.scan.msk.s32 vm15, v2;
	v25 =	vadd.s32 v17, v4;
	v4 =	vmpcnt.ones.xlane vm7  }
0x1e8: {  	v22 =	vadd.s32 v25, v22  }
0x1e9: {  	v18 =	vld [tilespmem:s12+$0x5070];
	(xrf0) =	vadd.scan.msk.s32 vm3, v2;
	v4 =	vadd.s32 v22, v4  }
0x1ea: {  	v19 =	vld [tilespmem:s12+$0x5060];
	(v2sf) =	vpush v4, $0x0  }
0x1eb: {  	v21 =	vld [tilespmem:s12+$0x5050];
	(xrf0) =	vadd.scan.msk.s32 vm1, v2;
	v23, _, _ =	vpop (xrf0);
	v6 =	vadd.s32 $0xFFFFFFFF, v6  }
0x1ec: {  	v60 =	vld [tilespmem:s12+$0x5000];
	v14 =	vadd.s32 v23, v14  }
0x1ed: {  	v24 =	vld [tilespmem:s12+$0x5040];
	(xrf0) =	vadd.scan.msk.s32 vm2, v2;
	v26, _, _ =	vpop (xrf0);
	v14 =	vadd.s32 $0xFFFFFFFF, v14  }
0x1ee: {  	v61 =	vld [tilespmem:s12+$0x5010];
	v15 =	vadd.s32 v26, v15  }
0x1ef: {  	v27 =	vld [tilespmem:s12+$0x5030];
	(xrf0) =	vadd.scan.msk.s32 vm6, v2;
	v15 =	vadd.s32 $0xFFFFFFFF, v15;
	v28, _, _ =	vpop (xrf0)  }
0x1f0: {  	v29 =	vld [tilespmem:s12+$0x5020];
	v13 =	vadd.s32 v28, v13;
	[tilespmem:v6+s31+$0x0] =	vst.idx.msk vm4, v10  }
0x1f1: {  	(xrf0) =	vadd.scan.msk.s32 vm7, v2;
	[tilespmem:v6+s26+$0x0] =	vst.idx.msk vm4, v60;
	v6, _, _ =	vpop (xrf0);
	v62 =	vadd.s32 $0xFFFFFFFF, v13  }
0x1f2: {  	v6 =	vadd.s32 v6, v20;
	[tilespmem:v14+s31+$0x0] =	vst.idx.msk vm5, v7  }
0x1f3: {  	v7, _, _ =	vpop (xrf0);
	v6 =	vadd.s32 $0xFFFFFFFF, v6;
	[tilespmem:v14+s26+$0x0] =	vst.idx.msk vm5, v61  }
0x1f4: {  	v7 =	vadd.s32 v7, v17;
	[tilespmem:v15+s31+$0x0] =	vst.idx.msk vm15, v5  }
0x1f5: {  	v5, _, _ =	vpop (xrf0);
	v7 =	vadd.s32 $0xFFFFFFFF, v7;
	[tilespmem:v15+s26+$0x0] =	vst.idx.msk vm15, v29  }
0x1f6: {  	v5 =	vadd.s32 v5, v25;
	[tilespmem:v62+s31+$0x0] =	vst.idx.msk vm3, v8  }
0x1f7: {  	v63, _, _ =	vpop (xrf0);
	v5 =	vadd.s32 $0xFFFFFFFF, v5;
	[tilespmem:v62+s26+$0x0] =	vst.idx.msk vm3, v27  }
0x1f8: {  	v8 =	vadd.s32 v63, v22;
	[tilespmem:v6+s31+$0x0] =	vst.idx.msk vm1, v9  }
0x1f9: {  	[tilespmem:v6+s26+$0x0] =	vst.idx.msk vm1, v24;
	v6 =	vadd.s32 $0xFFFFFFFF, v8;
	s12 =	spop (v2sf)  }
0x1fa: {  	[tilespmem:v7+s31+$0x0] =	vst.idx.msk vm2, v16;
	p0 =	slt.s32 s12, $0x1C01  }
.Ltmp10:
0x1fb: {  	[tilespmem:v7+s26+$0x0] =	vst.idx.msk vm2, v21;
	(pc) =	sbr.rel @p0 .LBB2_23-.Ltmp10, $4  }
0x1fc: {  	[tilespmem:v5+s31+$0x0] =	vst.idx.msk vm6, v11  }
0x1fd: {  	[tilespmem:v5+s26+$0x0] =	vst.idx.msk vm6, v19  }
0x1fe: {  	[tilespmem:v6+s31+$0x0] =	vst.idx.msk vm7, v12  }
0x1ff: {  	[tilespmem:v6+s26+$0x0] =	vst.idx.msk vm7, v18  }
0x200: {  	[spmem:s2] =	stream.indirect.scatter.add.f32 [tilespmem:s26], [sflag:$0xC], $0x1, s31, s0, $0xb8;
	[tilespmem:$0x1D880] =	vst v63  }
0x201: {  	_ =	swait.ge [sflag:s4], $0x2C00  }
0x202: {  	[sflag:s4] =	ssyncset.done $0x0  }
0x203: {  	s15 =	simm.s32 $0x40;
	s16 =	simm.s32 $0x0;
	[sflag:s4] =	ssyncadd.s32 $0xFFFFD400  }
.LBB2_21:
0x204: {  	p0 =	sne.s32 s15, $0xAFC0;
	[tilespmem:s16+$0x8C00] =	vst v1;
	s16 =	smov.u32 s15;
	s15 =	sadd.s32 $0x40, s15  }
.Ltmp11:
0x205: {  	(pc) =	sbr.rel @p0 .LBB2_21-.Ltmp11, $2  }
0x206: {  	_ =	sdelay $0x2  }
0x207: {  	s16 =	sshra.s32 s16, $0x2  }
.Ltmp12:
0x208: {  	_ = 	snop;
	(pc) =	sbr.rel .LBB2_22-.Ltmp12, $1  }
0x209: {  	_ =	sdelay $0x3  }
.LBB2_24:
0x20a: {  	[spmem:s2] =	stream.indirect.scatter.add.f32 [tilespmem:s26], [sflag:$0xC], $0x1, s31, s0, $0xb8;
	[tilespmem:$0x1D880] =	vst v63  }
0x20b: {  	_ =	swait.ge [sflag:s4], $0x2C00  }
0x20c: {  	[sflag:s4] =	ssyncset.done $0x0  }
0x20d: {  	s1 =	simm.s32 $0x40;
	s3 =	simm.s32 $0x0;
	[sflag:s4] =	ssyncadd.s32 $0xFFFFD400  }
.LBB2_25:
0x20e: {  	p0 =	sne.s32 s1, $0xAFC0;
	[tilespmem:s3+$0x8C00] =	vst v1;
	s3 =	smov.u32 s1;
	s1 =	sadd.s32 $0x40, s1  }
.Ltmp13:
0x20f: {  	(pc) =	sbr.rel @p0 .LBB2_25-.Ltmp13, $2  }
0x210: {  	_ =	sdelay $0x2  }
0x211: {  	s3 =	sshra.s32 s3, $0x2  }
0x212: {  	s1 =	smul.u32 $0xD80000, s11;
	s5 =	rddreg [dreg:$0x5];
	[tilespmem:s3+$0x8C00] =	vst v1  }
0x213: {  	s5 =	sadd.s32 s5, s13;
	[bflag:$0x0] =	sbarrier.arrive $0xFFFF  }
0x214: {  	s13 =	stileid.u32;
	s1 =	sadd.s32 s1, s5;
	s14 =	rddreg [dreg:$0x1]  }
0x215: {  	s3 =	sshll.u32 s13, $0x6;
	s12 =	rddreg [dreg:$0x9];
	s1 =	sshrl.u32 s1, $0x3  }
0x216: {  	s15 =	sor.u32 $0x1C05, s3;
	s8 =	sshrl.u32 s12, $0x3;
	s1 =	sadd.s32 s14, s1  }
0x217: {  	[hbm:s1], [sflag:s15] =	dma.local [spmem:s8], $0x580  }
0x218: {  	s13 =	rddreg [dreg:$0xc]  }
0x219: {  	s17 =	sor.u32 $0x1C06, s3;
	s16 =	sadd.s32 $0x580, s1;
	s20 =	sshrl.u32 s13, $0x3  }
0x21a: {  	[hbm:s16], [sflag:s17] =	dma.local [spmem:s20], $0x580  }
0x21b: {  	s14 =	rddreg [dreg:$0xd]  }
0x21c: {  	s11 =	sor.u32 $0x1C07, s3;
	s8 =	sadd.s32 $0xB00, s1;
	s15 =	sshrl.u32 s14, $0x3  }
0x21d: {  	[hbm:s8], [sflag:s11] =	dma.local [spmem:s15], $0x580  }
0x21e: {  	s15 =	rddreg [dreg:$0xe]  }
0x21f: {  	s16 =	sadd.s32 $0x1080, s1;
	s17 =	sor.u32 $0x1C08, s3;
	s20 =	sshrl.u32 s15, $0x3  }
0x220: {  	[hbm:s16], [sflag:s17] =	dma.local [spmem:s20], $0x580  }
0x221: {  	p0 =	sne.s32 s21, $0x18;
	s11 =	sadd.s32 $0x1600, s1;
	s16 =	rddreg [dreg:$0xf]  }
0x222: {  	s8 =	sadd.s32 $0x1B80, s1;
	s17 =	sor.u32 $0x1C09, s3;
	s20 =	sshrl.u32 s16, $0x3  }
0x223: {  	[hbm:s11], [sflag:s17] =	dma.local [spmem:s20], $0x580  }
.Ltmp14:
0x224: {  	s11 =	sor.u32 $0x1C0A, s3;
	s17 =	sshrl.u32 s19, $0x3;
	(pc) =	sbr.rel @p0 .LBB2_4-.Ltmp14, $4  }
0x225: {  	[hbm:s8], [sflag:s11] =	dma.local [spmem:s17], $0x580  }
0x226: {  	s11 =	rddreg [dreg:$0x10]  }
0x227: {  	s1 =	sadd.s32 $0x2100, s1;
	s3 =	sor.u32 $0x1C0B, s3;
	s20 =	sshrl.u32 s11, $0x3  }
0x228: {  	[hbm:s1], [sflag:s3] =	dma.local [spmem:s20], $0x300  }
0x229: {  	_ =	swait.ge [sflag:s25], $0x1000  }
0x22a: {  	[sflag:s25] =	ssyncset.done $0x0  }
0x22b: {  	[sflag:s25] =	ssyncadd.s32 $0xFFFFF000  }
0x22c: {  	_ =	swait.ge [sflag:s25], $0x1000  }
0x22d: {  	[sflag:s25] =	ssyncset.done $0x0  }
0x22e: {  	[sflag:s25] =	ssyncadd.s32 $0xFFFFF000  }
0x22f: {  	_ =	swait.ge [sflag:s9], $0x1000  }
0x230: {  	[sflag:s9] =	ssyncset.done $0x0  }
0x231: {  	[sflag:s9] =	ssyncadd.s32 $0xFFFFF000  }
0x232: {  	_ =	swait.ge [sflag:s9], $0x1000  }
0x233: {  	[sflag:s9] =	ssyncset.done $0x0  }
0x234: {  	s1 =	simm.s32 $0x5;
	[sflag:s9] =	ssyncadd.s32 $0xFFFFF000  }
0x235: {  	_ =	swait.ge [sflag:s1], $0x580  }
0x236: {  	[sflag:s1] =	ssyncset.done $0x0  }
0x237: {  	s3 =	simm.s32 $0x6;
	[sflag:s1] =	ssyncadd.s32 $0xFFFFFA80  }
0x238: {  	_ =	swait.ge [sflag:s3], $0x580  }
0x239: {  	[sflag:s3] =	ssyncset.done $0x0  }
0x23a: {  	s5 =	simm.s32 $0x7;
	[sflag:s3] =	ssyncadd.s32 $0xFFFFFA80  }
0x23b: {  	_ =	swait.ge [sflag:s5], $0x580  }
0x23c: {  	[sflag:s5] =	ssyncset.done $0x0  }
0x23d: {  	s8 =	simm.s32 $0x8;
	[sflag:s5] =	ssyncadd.s32 $0xFFFFFA80  }
0x23e: {  	_ =	swait.ge [sflag:s8], $0x580  }
0x23f: {  	[sflag:s8] =	ssyncset.done $0x0  }
0x240: {  	s17 =	simm.s32 $0x9;
	[sflag:s8] =	ssyncadd.s32 $0xFFFFFA80  }
0x241: {  	_ =	swait.ge [sflag:s17], $0x580  }
0x242: {  	[sflag:s17] =	ssyncset.done $0x0  }
0x243: {  	s20 =	simm.s32 $0xA;
	[sflag:s17] =	ssyncadd.s32 $0xFFFFFA80  }
0x244: {  	_ =	swait.ge [sflag:s20], $0x580  }
0x245: {  	[sflag:s20] =	ssyncset.done $0x0  }
0x246: {  	s3 =	simm.s32 $0xB;
	[sflag:s20] =	ssyncadd.s32 $0xFFFFFA80  }
0x247: {  	_ =	swait.ge [sflag:s3], $0x300  }
0x248: {  	s5 =	rddreg [dreg:$0x12]  }
0x249: {  	s21 =	rddreg [dreg:$0x11];
	s5 =	sadd.s32 $0x1, s5  }
0x24a: {  	p0 =	sne.s32 s5, s21  }
.Ltmp15:
0x24b: {  	_ = 	snop;
	(pc) =	sbr.rel @p0 .LBB2_1-.Ltmp15, $3  }
0x24c: {  	_ =	sdelay $0x1  }
0x24d: {  	[sflag:s3] =	ssyncset.done $0x0  }
0x24e: {  	[sflag:s3] =	ssyncadd.s32 $0xFFFFFD00  }
0x24f: {  	_ =	sfence.sel $0x180000  }
0x250: {  	[bflag:$0x0] =	sbarrier.arrive $0xFFFF  }
0x251: {  	_ =	strace $0x90000047  }
0x252: {  	s0 =	stileid.u32;
	[bflag:$0x2] =	sbarrier.arrive $0xFFFF  }
0x253: {  	p0 =	sne.s32 s0, $0x0;
	s0 =	rddreg [dreg:$0x3]  }
0x254: {  	s0 =	sadd.s32 @!p0 $0x100000, s0  }
0x255: {  	[sflag:s0] =	ssyncadd.tile.s32 @!p0 $0x1;
	_ =	shalt  }
.Lfunc_end2:
_tile_overlayer_lowered:
.L_overlay_start_2:
0x256: {  	(tag) =	ssettag $0x2  }
0x257: {  	s0 =	rddreg [dreg:$0x0];
	s2 =	stileid.u32  }
0x258: {  	s1 =	rddreg [dreg:$0x1];
	p0 =	sne.s32 s2, $0x0  }
0x259: {  	s3 =	rddreg [dreg:$0x2];
	[bflag:$0x3] =	sbarrier.arrive $0xFFFF;
	s2 =	simm.s32 @!p0 $0x1C0C  }
0x25a: {  	[timem:s3], [sflag:s2] =	dma.local @!p0 [hbm:s0], s1  }
0x25b: {  	s0 =	simm.s32 @!p0 $0xC  }
0x25c: {  	_ =	swait.ge @!p0 [sflag:s0], s1  }
0x25d: {  	s1 =	ssub.s32 @!p0 $0x0, s1;
	[sflag:s0] =	ssyncset.done @!p0 $0x0  }
0x25e: {  	[sflag:s0] =	ssyncadd.s32 @!p0 s1  }
0x25f: {  	[bflag:$0x3] =	sbarrier.arrive $0xFFFF  }
0x260: {  	_ =	shalt  }

// kernel: sparse-core-data-format-call.cloned.1.call-start
scs
called_computation_lowered:
.L_overlay_start_0:
0x0: {  	s2 =	sld [smem:$0x3FD9]  }
0x1: {  	s3 =	sld [smem:$0x3FFE];
	_ =	sdelay $0x1  }
0x2: {  	s1 =	srdreg.scid  }
0x3: {  	s0 =	sand.u32 $0x1, s1  }
0x4: {  	s18 =	sshll.u32 s0, $0xA;
	s2 =	sadd.s32 s3, s2  }
0x5: {  	s2 =	sadd.s32 s2, s18  }
0x6: {  	[smem:$0x3FC6] =	sst s2  }
0x7: {  	_ = 	snop  }
0x8: {  	s2 =	sld [smem:$0x3FD0];
	(tm) =	ssettm $0x1  }
0x9: {  	s19 =	sld [smem:$0x3FFB];
	_ =	sdelay $0x3  }
0xa: {  	_ =	strace s19  }
0xb: {  	s3 =	sld [smem:$0x3FFC];
	_ =	sdelay $0x3  }
0xc: {  	_ =	strace s3  }
0xd: {  	s3 =	sld [smem:$0x3FFD];
	_ =	sdelay $0x3  }
0xe: {  	_ =	strace s3  }
0xf: {  	_ =	strace $0x8FFFFFFF  }
0x10: {  	s20 =	sld [smem:$0x3FDB];
	_ =	sdelay $0x1  }
0x11: {  	s4 =	simm.s32 $_scs_section_size  }
0x12: {  	s5 =	simm.s32 $_size__tile_overlayer_lowered;
	s6 =	simm.s32 $_tile_overlayer_lowered  }
0x13: {  	s23 =	simm.s32 $0x1BFF;
	s22 =	sshll.u32 s6, $0x1;
	s3 =	sadd.s32 s4, s20  }
0x14: {  	s7 =	simm.s32 $0x0;
	s21 =	sshll.u32 s5, $0x1;
	s5 =	sadd.s32 s22, s3  }
0x15: {  	[timem:s7], [sflag:s23] =	dma.local [hbm:s5], s21  }
0x16: {  	_ =	swait.ge [sflag:s23], s21  }
0x17: {  	s4 =	ssub.s32 $0x0, s21;
	[sflag:s23] =	ssyncset.done $0x0  }
0x18: {  	[sflag:s23] =	ssyncadd.s32 s4;
	_ =	sdelay $0x1  }
0x19: {  	s24 =	simm.s32 $0x1B8B  }
0x1a: {  	_ =	swait.ge [sflag:s24], $0x1  }
0x1b: {  	[sflag:s24] =	ssyncset.done $0x0  }
0x1c: {  	s26 =	simm.s32 $0x1B8E;
	s25 =	sld [smem:$0x3FFE];
	[sflag:s24] =	ssyncadd.s32 $0xFFFFFFFF  }
0x1d: {  	s27 =	simm.s32 $execute0_lowered;
	[smem:$0x3FD2] =	sst s26  }
0x1e: {  	s5 =	sshll.u32 s27, $0x1;
	_ =	strace $0x80000049;
	[dreg:$0x1] =	wrdreg $0xFFFFFFFF  }
0x1f: {  	s28 =	simm.s32 $_size_execute0_lowered;
	s3 =	sadd.s32 s3, s5;
	[dreg:$0x0] =	wrdreg $0x0  }
0x20: {  	s5 =	sshll.u32 s28, $0x1;
	[dreg:$0x2] =	wrdreg s3  }
0x21: {  	[dreg:$0x3] =	wrdreg s5  }
0x22: {  	[dreg:$0x4] =	wrdreg $0xC0  }
0x23: {  	_ =	task [dreg:s7], $0x5FFFF  }
0x24: {  	[dreg:$0x1] =	wrdreg $0xFFFFFFFF  }
0x25: {  	[dreg:$0x0] =	wrdreg $0x60  }
0x26: {  	[dreg:$0x2] =	wrdreg s25  }
0x27: {  	[dreg:$0x3] =	wrdreg s2  }
0x28: {  	[dreg:$0x4] =	wrdreg $0x9  }
0x29: {  	_ =	task.clear_ibuf [dreg:s7], $0x5FFFF;
	_ =	strace $0x90000049  }
0x2a: {  	s29 =	simm.s32 $0x9;
	_ =	strace $0x8000004B  }
0x2b: {  	_ =	swait.ge [sflag:s29], $0x1  }
0x2c: {  	[sflag:s29] =	ssyncadd.s32 $0xFFFFFFFF  }
0x2d: {  	_ =	strace $0x9000004B  }
0x2e: {  	_ =	sfence  }
0x2f: {  	s30 =	sld [smem:$0x0];
	_ =	sdelay $0x2  }
0x30: {  	s31 =	sshll.u32 s1, $0xD;
	s1 =	sshrl.u32 s1, $0x2  }
0x31: {  	s3 =	sand.u32 $0x4000, s31;
	s1 =	sadd.s32 s1, s30  }
0x32: {  	s0 =	sor.u32 s3, s0;
	s1 =	sshll.u32 s1, $0x11  }
0x33: {  	s0 =	sor.u32 s1, s0  }
0x34: {  	s0 =	sadd.s32 $0x8F2B, s0  }
0x35: {  	[sflag:s0] =	ssyncadd.remote.s32 $0x1  }
0x36: {  	_ =	sfence.sel $0xFFFF  }
0x37: {  	[dreg:$0x0] =	wrdreg $0xFFFFFFFF;
	(pc) =	sbr.abs _section_cstart, $3  }
0x38: {  	[dreg:$0x1] =	wrdreg $0xFFFFFFFF  }
0x39: {  	_ =	task.clear_ibuf [dreg:s7], $0x2FFFF;
	_ =	strace $0x9FFFFFFF  }
0x3a: {  	(tm) =	ssettm $0x7FFFFFFF  }
0x3b: {  	_ =	shalt  }
tec
execute0_lowered:
.L_overlay_start_1:
0x0: {  	(tag) =	ssettag $0x1  }
0x1: {  	s3 =	rddreg [dreg:$0x0]  }
0x2: {  	s2 =	rddreg [dreg:$0x1]  }
0x3: {  	s1 =	srdreg.scid;
	s0 =	rddreg [dreg:$0x2];
	_ =	strace $0x8000004A  }
0x4: {  	s7 =	simm.s32 $0x2;
	s15 =	simm.s32 $0x0;
	p0 =	por $0x0, $0x0  }
0x5: {  	s16 =	simm.s32 $0x0;
	s17 =	simm.s32 $0x0;
	s8 =	simm.s32 $0x0  }
0x6: {  	s10 =	simm.s32 $0x0;
	s11 =	simm.s32 $0x0;
	s12 =	simm.s32 $0x0  }
.Ltmp0:
0x7: {  	s9 =	simm.s32 $0x0;
	s4 =	sshll.u32 s1, $0x4;
	(pc) =	sbr.rel .LBB1_1-.Ltmp0, $4  }
0x8: {  	s1 =	stileid.u32;
	s3 =	sadd.s32 $0x800, s3;
	s4 =	sand.u32 $0x10, s4  }
0x9: {  	s5 =	sand.u32 $0x3, s1;
	s6 =	sor.u32 s1, s4;
	s4 =	simm.s32 $0x1  }
0xa: {  	s14 =	smov.u32 s5;
	[sflag:s4] =	ssyncpa.u1 $0x0;
	s6 =	sshrl.u32 s6, $0x2  }
0xb: {  	[sflag:s7] =	ssyncpa.u1 $0x0;
	s7 =	simm.s32 $0xC00;
	s13 =	smov.u32 s6  }
.LBB1_5:
0xc: {  	p1 =	slt.u32 s9, $0x2;
	s18 =	smov.u32 s17  }
0xd: {  	p2 =	sgt.s32 @!p1 s17, $0x3;
	s19 =	sshra.s32 @!p1 s17, $0x1F;
	s20 =	sshra.s32 @!p1 s16, $0x1F  }
0xe: {  	p2 =	por !p2, p1;
	s17 =	sand.u32 @!p1 s19, s17;
	s19 =	smov.u32 s16  }
0xf: {  	s18 =	simm.s32 @p2 $0x3;
	p2 =	sgt.s32 @!p1 s16, $0x17F;
	s16 =	sand.u32 @!p1 s20, s16  }
0x10: {  	s20 =	sshra.s32 @!p1 s15, $0x1F;
	s17 =	ssub.s32 @!p1 s18, s17;
	p3 =	por !p2, p1  }
0x11: {  	s18 =	sadd.s32 @!p1 $0xFFFFFFFD, s17;
	s19 =	simm.s32 @p3 $0x17F;
	s17 =	ssub.s32 @!p1 $0x4, s17  }
0x12: {  	p3 =	sgt.s32 @!p1 s15, $0x100;
	p2 =	sgt.s32 @!p1 s18, $0x0;
	s16 =	ssub.s32 @!p1 s19, s16  }
0x13: {  	p3 =	por !p3, p1;
	s19 =	smov.u32 s15;
	s15 =	sand.u32 @!p1 s20, s15  }
0x14: {  	s17 =	smul.u32 @!p1 $0x60, s17;
	s18 =	sadd.s32 @!p1 $0xFFFFFE81, s16;
	s19 =	simm.s32 @p3 $0x100  }
0x15: {  	s16 =	ssub.s32 @!p1 $0x180, s16;
	p3 =	sgt.s32 @!p1 s18, $0x0;
	s15 =	ssub.s32 @!p1 s19, s15  }
0x16: {  	p2 =	por !p2, p1;
	p3 =	por !p3, p1;
	s18 =	sadd.s32 @!p1 $0xFFFFFF00, s15  }
0x17: {  	s17 =	simm.s32 @!p2 $0x0;
	s16 =	simm.s32 @!p3 $0x0;
	p3 =	sgt.s32 @!p1 s18, $0x7F  }
0x18: {  	s15 =	ssub.s32 @!p1 $0x180, s15;
	p2 =	por !p3, p1;
	s16 =	smul.u32 @!p1 s16, s17  }
0x19: {  	s19 =	smov.u32 s13;
	s18 =	sadd.s32 $0x80, s12;
	s15 =	simm.s32 @!p2 $0x0  }
0x1a: {  	p2 =	sgt.s32 s18, $0x17F;
	s15 =	smul.u32 @!p1 s15, s16;
	s16 =	sadd.s32 $0x8, s13  }
0x1b: {  	s19 =	smov.u32 @p2 s16  }
0x1c: {  	s21 =	smov.u32 s14;
	s16 =	sadd.s32 $0x4, s14;
	p3 =	sgt.s32 s19, $0x17F  }
0x1d: {  	s9 =	sadd.s32 $0x1, s9;
	p0 =	por !p0, !p0;
	s21 =	smov.u32 @p3 s16  }
0x1e: {  	s20 =	simm.s32 @!p1 $0x2;
	s18 =	simm.s32 @p2 $0x0;
	p2 =	sgt.s32 s21, $0x3  }
0x1f: {  	s17 =	smov.u32 s11;
	s21 =	smov.u32 @p2 s5;
	p2 =	sne.s32 s9, $0x92  }
.Ltmp1:
0x20: {  	s11 =	smov.u32 s14;
	s15 =	sand.u32 @!p1 $0x3FFFFFE0, s15;
	(pc) =	sbr.rel @!p2 .LBB1_6-.Ltmp1, $4  }
0x21: {  	_ =	swait.ge @!p1 [sflag:s20], s15;
	s22 =	ssub.s32 @!p1 $0x0, s15;
	s15 =	smov.u32 s8  }
0x22: {  	s16 =	smov.u32 s10;
	s19 =	smov.u32 @p3 s6;
	s8 =	smov.u32 s12  }
0x23: {  	s10 =	smov.u32 s13;
	s12 =	smov.u32 s18;
	[sflag:s20] =	ssyncset.done @!p1 $0x0  }
0x24: {  	s13 =	smov.u32 s19;
	[sflag:s20] =	ssyncadd.s32 @!p1 s22;
	s14 =	smov.u32 s21  }
.LBB1_1:
0x25: {  	p1 =	sgt.u32 s9, $0x8F  }
0x26: {  	s18 =	sand.u32 @!p1 $0x1FFFFFF, s12  }
0x27: {  	s19 =	smulhi.u32 @!p1 $0xAAAAAB, s18  }
0x28: {  	s20 =	smul.u32 @!p1 $0x240000, s14  }
0x29: {  	s19 =	smul.u32 @!p1 $0x180, s19  }
0x2a: {  	s21 =	smul.u32 @!p1 $0x1800, s13  }
0x2b: {  	s20 =	sadd.s32 @!p1 s3, s20;
	s18 =	ssub.s32 @!p1 s18, s19;
	s19 =	sxor.u32 @!p1 $0xFFFFFFFF, s9  }
0x2c: {  	s20 =	sadd.s32 @!p1 s21, s20;
	s19 =	sshll.u32 @!p1 s19, $0xE;
	s18 =	sshll.u32 @!p1 s18, $0x4  }
0x2d: {  	s19 =	sand.u32 @!p1 $0x4000, s19;
	s18 =	sadd.s32 @!p1 s18, s20;
	s20 =	simm.s32 @!p1 $0x0  }
0x2e: {  	[tilespmem:s19], [sflag:$0x1] =	stream.linear.gather @!p1 [hbm4b:s18+s20], $0x4000, $0x38;
	[tilespmem:$0x10100] =	vst v63  }
0x2f: {  	p1 =	seq.s32 s9, $0x0  }
0x30: {  	p2 =	seq.s32 @!p1 s9, $0x91  }
0x31: {  	p1 =	por p1, p2  }
.Ltmp2:
0x32: {  	_ = 	snop;
	(pc) =	sbr.rel @p1 .LBB1_5-.Ltmp2, $1  }
0x33: {  	_ =	sdelay $0x3  }
0x34: {  	s18 =	simm.s32 $0x1  }
0x35: {  	_ =	swait.ge [sflag:s4], $0x4000;
	s18 =	simm.s32 @!p0 $0x0  }
0x36: {  	[sflag:s4] =	ssyncset.done $0x0;
	s19 =	sshll.u32 s18, $0xE  }
0x37: {  	[sflag:s4] =	ssyncadd.s32 $0xFFFFC000;
	s19 =	sor.u32 $0x40, s19  }
0x38: {  	s18 =	smul.u32 $0x10200, s18;
	v0 =	vld [tilespmem:s19+$0x30]  }
0x39: {  	v1 =	vld [tilespmem:s19+$0xFFFFFFD0]  }
0x3a: {  	s18 =	sshrl.u32 s18, $0x2;
	v5 =	vld [tilespmem:s19+$0xFFFFFFE0]  }
0x3b: {  	v6 =	vld [tilespmem:s19+$0xFFFFFFF0];
	s21 =	sor.u32 $0x8000, s18  }
0x3c: {  	s31 =	sand.u32 $0x1, s9;
	v4 =	vld [tilespmem:s19+$0x0];
	s20 =	sadd.s32 $0x0, s21  }
0x3d: {  	v3 =	vld [tilespmem:s19+$0x10];
	s18 =	smul.u32 $0x10200, s31;
	[tilespmem:s20+$0x3870 ss:$0x81] =	vst.msk $0xffff, v0  }
0x3e: {  	v2 =	vld [tilespmem:s19+$0x20];
	[tilespmem:s20+$0x810 ss:$0x81] =	vst.msk $0xffff, v1  }
0x3f: {  	s18 =	sshrl.u32 s18, $0x2;
	v1 =	vld [tilespmem:s19+$0xFFFFFFC0];
	[tilespmem:s20+$0x1020 ss:$0x81] =	vst.msk $0xffff, v5;
	s19 =	sadd.s32 $0x80, s19  }
0x40: {  	s22 =	simm.s32 $0x4;
	s23 =	simm.s32 $0x8;
	s18 =	sor.u32 $0x8000, s18;
	[tilespmem:s20+$0x1830 ss:$0x81] =	vst.msk $0xffff, v6;
	v0 =	vld [tilespmem:s19+$0x30]  }
.LBB1_3:
0x41: {  	p1 =	sne.s32 s23, $0x1FC;
	v5 =	vld [tilespmem:s19+$0xFFFFFFD0];
	[tilespmem:s20+$0x2040 ss:$0x81] =	vst.msk $0xffff, v4  }
0x42: {  	v6 =	vld [tilespmem:s19+$0xFFFFFFE0];
	[tilespmem:s20+$0x2850 ss:$0x81] =	vst.msk $0xffff, v3  }
0x43: {  	s24 =	sshra.s32 s22, $0x2;
	s22 =	smov.u32 s23;
	v7 =	vld [tilespmem:s19+$0xFFFFFFF0];
	[tilespmem:s20+$0x3060 ss:$0x81] =	vst.msk $0xffff, v2  }
.Ltmp3:
0x44: {  	v4 =	vld [tilespmem:s19+$0x0];
	[tilespmem:s20+$0x0 ss:$0x81] =	vst.msk $0xffff, v1;
	s20 =	sadd.s32 s24, s21;
	(pc) =	sbr.rel @p1 .LBB1_3-.Ltmp3, $4  }
0x45: {  	v3 =	vld [tilespmem:s19+$0x10];
	[tilespmem:s20+$0x3870 ss:$0x81] =	vst.msk $0xffff, v0  }
0x46: {  	[tilespmem:s20+$0x810 ss:$0x81] =	vst.msk $0xffff, v5;
	v2 =	vld [tilespmem:s19+$0x20]  }
0x47: {  	v1 =	vld [tilespmem:s19+$0xFFFFFFC0];
	[tilespmem:s20+$0x1020 ss:$0x81] =	vst.msk $0xffff, v6;
	s19 =	sadd.s32 $0x80, s19  }
0x48: {  	s23 =	sadd.s32 $0x4, s23;
	v0 =	vld [tilespmem:s19+$0x30];
	[tilespmem:s20+$0x1830 ss:$0x81] =	vst.msk $0xffff, v7  }
0x49: {  	s23 =	sshll.u32 s8, $0x3  }
0x4a: {  	s24 =	sand.u32 $0x7F, s8;
	s22 =	sshra.s32 s22, $0x2;
	s23 =	sand.u32 $0xFFFFFC00, s23  }
0x4b: {  	p1 =	sgt.s32 s11, $0x3;
	s24 =	sor.u32 s24, s23;
	s23 =	smulhi.u32 $0xAAAAAAAB, s23  }
0x4c: {  	s26 =	sshra.s32 s11, $0x1F;
	s28 =	sshra.s32 s10, $0x1F;
	s25 =	smulhi.u32 $0xAAAAAAAB, s24  }
0x4d: {  	s21 =	sadd.s32 s22, s21;
	s26 =	sand.u32 s26, s11;
	s28 =	sand.u32 s28, s10  }
0x4e: {  	[tilespmem:s20+$0x2040 ss:$0x81] =	vst.msk $0xffff, v4;
	s23 =	sshrl.u32 s23, $0x8;
	s30 =	sshrl.u32 s25, $0x8;
	s25 =	smov.u32 s11  }
0x4f: {  	[tilespmem:s20+$0x2850 ss:$0x81] =	vst.msk $0xffff, v3;
	s27 =	smulhi.u32 $0x2AAAAAB, s23;
	s25 =	simm.s32 @!p1 $0x3;
	p1 =	sgt.s32 s10, $0x17F  }
0x50: {  	[tilespmem:s20+$0x3060 ss:$0x81] =	vst.msk $0xffff, v2;
	s22 =	smul.u32 $0x180, s30;
	s25 =	ssub.s32 s25, s26;
	s26 =	smov.u32 s10  }
0x51: {  	[tilespmem:s20+$0x0 ss:$0x81] =	vst.msk $0xffff, v1;
	s20 =	smov.u32 s8;
	s27 =	smul.u32 $0x60, s27;
	s26 =	simm.s32 @!p1 $0x17F  }
0x52: {  	v5 =	vld [tilespmem:s19+$0xFFFFFFD0];
	s31 =	sadd.s32 $0xFFFFFFFD, s25;
	s25 =	ssub.s32 $0x4, s25;
	s26 =	ssub.s32 s26, s28  }
0x53: {  	v58 =	vld [tilespmem:s19+$0xFFFFFFE0];
	s30 =	sshra.s32 s8, $0x1F;
	s25 =	smul.u32 $0x60, s25;
	s29 =	sadd.s32 $0xFFFFFE81, s26  }
0x54: {  	v59 =	vld [tilespmem:s19+$0xFFFFFFF0];
	p1 =	sgt.s32 s31, $0x0;
	s26 =	ssub.s32 $0x180, s26;
	p2 =	sgt.s32 s29, $0x0  }
0x55: {  	v60 =	vld [tilespmem:s19+$0x0];
	s25 =	simm.s32 @p1 $0x0;
	s26 =	simm.s32 @p2 $0x0;
	p2 =	sgt.s32 s8, $0x100  }
0x56: {  	v61 =	vld [tilespmem:s19+$0x10];
	[tilespmem:s21+$0x3870 ss:$0x81] =	vst.msk $0xffff, v0;
	s28 =	sand.u32 s30, s8;
	s20 =	simm.s32 @!p2 $0x100;
	s31 =	smul.u32 s26, s25  }
0x57: {  	v62 =	vld [tilespmem:s19+$0x20];
	[tilespmem:s21+$0x810 ss:$0x81] =	vst.msk $0xffff, v5;
	s25 =	ssub.s32 s23, s27;
	s27 =	smul.u32 $0x1B0000, s11;
	s20 =	ssub.s32 s20, s28  }
0x58: {  	v63 =	vld [tilespmem:s19+$0xFFFFFFC0];
	[tilespmem:s21+$0x1020 ss:$0x81] =	vst.msk $0xffff, v58;
	s22 =	ssub.s32 s24, s22;
	s28 =	smul.u32 $0x1200, s10;
	s26 =	sadd.s32 $0xFFFFFF00, s20  }
0x59: {  	[tilespmem:s21+$0x1830 ss:$0x81] =	vst.msk $0xffff, v59;
	s19 =	smul.u32 $0x30, s25;
	s20 =	ssub.s32 $0x180, s20;
	p1 =	sgt.s32 s26, $0x7F  }
.Ltmp4:
0x5a: {  	[tilespmem:s21+$0x2040 ss:$0x81] =	vst.msk $0xffff, v60;
	s25 =	sadd.s32 s2, s27;
	s20 =	simm.s32 @p1 $0x0;
	(pc) =	sbr.rel .LBB1_5-.Ltmp4, $4  }
0x5b: {  	[tilespmem:s21+$0x2850 ss:$0x81] =	vst.msk $0xffff, v61;
	s29 =	sand.u32 $0x7, s22;
	s23 =	sadd.s32 s28, s25;
	s20 =	smul.u32 s20, s31  }
0x5c: {  	[tilespmem:s21+$0x3060 ss:$0x81] =	vst.msk $0xffff, v62;
	s22 =	sshrl.u32 s22, $0x3;
	s30 =	sshll.u32 s29, $0x12;
	s19 =	sadd.s32 s19, s23  }
0x5d: {  	[tilespmem:s21+$0x0 ss:$0x81] =	vst.msk $0xffff, v63;
	s19 =	sadd.s32 s22, s19;
	s31 =	sor.u32 $0x400, s30;
	s20 =	sand.u32 $0x3FFFFFE0, s20  }
0x5e: {  	[hbm4b:s19+s31] =	stream.strided.scatter [tilespmem:s18], [sflag:$0x2], s20, s7, s31, $0x20;
	[tilespmem:$0x10100] =	vst v63  }
.LBB1_6:
0x5f: {  	_ =	sfence.sel $0x180000  }
0x60: {  	s2 =	simm.s32 $0x1;
	[bflag:$0x0] =	sbarrier.arrive $0xFFFF  }
0x61: {  	s31 =	simm.s32 $0x2;
	[sflag:s2] =	ssyncpa.u1 $0x1  }
0x62: {  	[sflag:s31] =	ssyncpa.u1 $0x1  }
0x63: {  	p0 =	sne.s32 s1, $0x0;
	_ =	strace $0x9000004A  }
0x64: {  	s0 =	sadd.s32 @!p0 $0x100000, s0;
	[bflag:$0x2] =	sbarrier.arrive $0xFFFF  }
0x65: {  	[sflag:s0] =	ssyncadd.tile.s32 @!p0 $0x1;
	_ =	shalt  }
.Lfunc_end1:
_tile_overlayer_lowered:
.L_overlay_start_2:
0x66: {  	(tag) =	ssettag $0x2  }
0x67: {  	s0 =	rddreg [dreg:$0x0];
	s2 =	stileid.u32  }
0x68: {  	s1 =	rddreg [dreg:$0x1];
	p0 =	sne.s32 s2, $0x0  }
0x69: {  	s3 =	rddreg [dreg:$0x2];
	[bflag:$0x3] =	sbarrier.arrive $0xFFFF;
	s2 =	simm.s32 @!p0 $0x1C01  }
0x6a: {  	[timem:s3], [sflag:s2] =	dma.local @!p0 [hbm:s0], s1  }
0x6b: {  	s0 =	simm.s32 @!p0 $0x1  }
0x6c: {  	_ =	swait.ge @!p0 [sflag:s0], s1  }
0x6d: {  	s1 =	ssub.s32 @!p0 $0x0, s1;
	[sflag:s0] =	ssyncset.done @!p0 $0x0  }
0x6e: {  	[sflag:s0] =	ssyncadd.s32 @!p0 s1  }
0x6f: {  	[bflag:$0x3] =	sbarrier.arrive $0xFFFF  }
0x70: {  	_ =	shalt  }

</sc_bundles>
